<compile_context>
chip_gen: v7x
topology: tpu7x:2x2x1
jax: 0.10.2.dev20260603
libtpu: 0.0.44.dev20260713+nightly
codegen_flags: <defaults>
</compile_context>

<pallas_src>
import functools

import jax
import jax.numpy as jnp
import numpy as np
from jax import lax
from jax.experimental import pallas as pl
from jax.experimental.pallas import tpu as pltpu
from jax.experimental.pallas import tpu_sc as plsc

N = 10000
E = 320000
D = 128
LANE = 112
NW = 32
NBLK = 90
EPAD = NW * NBLK * LANE
NPAD = 10016
RPT = NPAD // 16


def _leaky(x):
    return jnp.where(x >= 0, x, 0.01 * x)


def _make_segsum(d):
    mesh = plsc.VectorSubcoreMesh(core_axis_name="c", subcore_axis_name="s")

    @functools.partial(
        pl.kernel,
        mesh=mesh,
        compiler_params=pltpu.CompilerParams(use_tc_tiling_on_sc=False),
        out_type=jax.ShapeDtypeStruct((2, NPAD, d), jnp.float32),
        scratch_types=[
            pltpu.VMEM((NBLK, LANE), jnp.int32),
            pltpu.VMEM((NBLK, LANE), jnp.int32),
            pltpu.VMEM((LANE, d), jnp.float32),
            pltpu.VMEM((LANE, d), jnp.float32),
            pltpu.VMEM_SHARED((NPAD, d), jnp.float32),
            pltpu.SemaphoreType.DMA,
            pltpu.SemaphoreType.DMA,
        ],
    )
    def seg(row3d, col3d, vals, zeros, out,
            row_v, col_v, gat0, gat1, acc, sem0, sem1):
        cid = lax.axis_index("c")
        sid = lax.axis_index("s")
        wid = sid * 2 + cid
        pltpu.sync_copy(zeros.at[cid, pl.ds(sid * RPT, RPT)],
                        acc.at[pl.ds(sid * RPT, RPT)])
        pltpu.sync_copy(row3d.at[wid], row_v)
        pltpu.sync_copy(col3d.at[wid], col_v)
        plsc.subcore_barrier()

        bufs = ((gat0, sem0), (gat1, sem1))
        pltpu.async_copy(vals.at[row_v.at[jnp.int32(0)]], gat0, sem0)

        def body(i, carry):
            for b in range(2):
                k = jnp.int32(2) * i + jnp.int32(b)
                buf, sem = bufs[b]
                nbuf, nsem = bufs[1 - b]

                @pl.when(k + 1 < NBLK)
                def _():
                    pltpu.async_copy(vals.at[row_v.at[k + 1]], nbuf, nsem)

                pltpu.make_async_copy(vals.at[row_v.at[k]], buf, sem).wait()
                pltpu.sync_copy(buf, acc.at[col_v.at[k]], add=True)
            return carry

        lax.fori_loop(jnp.int32(0), jnp.int32(NBLK // 2), body, jnp.int32(0))
        plsc.subcore_barrier()
        pltpu.sync_copy(acc.at[pl.ds(sid * RPT, RPT)],
                        out.at[cid, pl.ds(sid * RPT, RPT)])

    return seg


_seg128 = _make_segsum(D)
_seg8 = _make_segsum(8)


def _make_deg():
    mesh = plsc.VectorSubcoreMesh(core_axis_name="c", subcore_axis_name="s")

    @functools.partial(
        pl.kernel,
        mesh=mesh,
        compiler_params=pltpu.CompilerParams(use_tc_tiling_on_sc=False),
        out_type=jax.ShapeDtypeStruct((2, NPAD, 8), jnp.float32),
        scratch_types=[
            pltpu.VMEM((NBLK, LANE), jnp.int32),
            pltpu.VMEM((LANE, 8), jnp.float32),
            pltpu.VMEM_SHARED((NPAD, 8), jnp.float32),
        ],
    )
    def deg(col3d, ones, zeros, out, col_v, ones_v, acc):
        cid = lax.axis_index("c")
        sid = lax.axis_index("s")
        wid = sid * 2 + cid
        pltpu.sync_copy(zeros.at[cid, pl.ds(sid * RPT, RPT)],
                        acc.at[pl.ds(sid * RPT, RPT)])
        pltpu.sync_copy(col3d.at[wid], col_v)
        pltpu.sync_copy(ones, ones_v)
        plsc.subcore_barrier()

        def body(j, carry):
            pltpu.sync_copy(ones_v, acc.at[col_v.at[j]], add=True)
            return carry

        lax.fori_loop(jnp.int32(0), jnp.int32(NBLK), body, jnp.int32(0))
        plsc.subcore_barrier()
        pltpu.sync_copy(acc.at[pl.ds(sid * RPT, RPT)],
                        out.at[cid, pl.ds(sid * RPT, RPT)])

    return deg


_deg = _make_deg()


_BLK = 1000
_GRID = N // _BLK


_I0 = np.int32(0)


def _full(shape):
    return pl.BlockSpec(shape, lambda i: tuple(_I0 for _ in shape))


def _rows(d):
    return pl.BlockSpec((_BLK, d), lambda i: (i, _I0))


def _parts(d):
    return pl.BlockSpec((2, _BLK, d), lambda i: (_I0, i, _I0))


def _dinv_of(dp):
    deg = dp[0] + dp[1] + 1.0
    return lax.rsqrt(deg)[:, 0:1]


def _tc_mlp(x_r, w1_r, b1_r, w2_r, b2_r, w3_r, b3_r, wg_r, dp_r, out_r):
    dinv = _dinv_of(dp_r[...])
    h = _leaky(x_r[...] @ w1_r[...] + b1_r[...])
    h = _leaky(h @ w2_r[...] + b2_r[...])
    h = _leaky(h @ w3_r[...] + b3_r[...])
    out_r[...] = dinv * (h @ wg_r[...])


def _tc_mid(sp_r, gs_r, dp_r, bg_r, w_r, out_r):
    dinv = _dinv_of(dp_r[...])
    s = sp_r[0] + sp_r[1] + gs_r[...]
    h = _leaky(dinv * s + bg_r[...])
    out_r[...] = dinv * (h @ w_r[...])


def _tc_last128(sp_r, gs_r, dp_r, bg_r, wo_r, out_r):
    dinv = _dinv_of(dp_r[...])
    s = sp_r[0] + sp_r[1] + gs_r[...]
    h = _leaky(dinv * s + bg_r[...])
    g = h @ wo_r[...]
    out_r[...] = jnp.broadcast_to(dinv * g, (_BLK, 8))


def _tc_final(sp_r, gs_r, dp_r, bo_r, out_r):
    dinv = _dinv_of(dp_r[...])
    s = sp_r[0] + sp_r[1] + gs_r[...]
    out_r[...] = (dinv * s + bo_r[...])[:, 0:1]


def _call(body, in_specs, d_out, out_dtype=jnp.float32, d_blk=None):
    return pl.pallas_call(
        body,
        grid=(_GRID,),
        in_specs=in_specs,
        out_specs=_rows(d_blk if d_blk is not None else d_out),
        out_shape=jax.ShapeDtypeStruct((N, d_out), out_dtype),
    )


def kernel(x, edge_index, W1, b1, W2, b2, W3, b3, Wg0, bg0, Wg1, bg1, Wo, bo):
    ei = edge_index.astype(jnp.int32)
    row = jnp.concatenate([ei[0], jnp.zeros((EPAD - E,), jnp.int32)])
    col = jnp.concatenate([ei[1], jnp.full((EPAD - E,), N, jnp.int32)])
    row3d = row.reshape(NW, NBLK, LANE)
    col3d = col.reshape(NW, NBLK, LANE)

    zeros128 = jnp.zeros((2, NPAD, D), jnp.float32)
    zeros8 = jnp.zeros((2, NPAD, 8), jnp.float32)
    ones8 = jnp.ones((LANE, 8), jnp.float32)

    b1r, b2r, b3r = (v.reshape(1, D) for v in (b1, b2, b3))
    bg0r, bg1r = bg0.reshape(1, D), bg1.reshape(1, D)
    bor = jnp.broadcast_to(bo.reshape(1, 1), (1, 8))

    dp = _deg(col3d, ones8, zeros8)

    gs0 = _call(_tc_mlp,
                [_rows(D)] + [_full((D, D)), _full((1, D))] * 3
                + [_full((D, D)), _parts(8)], D)(
                    x, W1, b1r, W2, b2r, W3, b3r, Wg0, dp)

    seg0 = _seg128(row3d, col3d, gs0, zeros128)
    gs1 = _call(_tc_mid, [_parts(D), _rows(D), _parts(8),
                          _full((1, D)), _full((D, D))], D)(
                              seg0, gs0, dp, bg0r, Wg1)

    seg1 = _seg128(row3d, col3d, gs1, zeros128)
    gs2 = _call(_tc_last128, [_parts(D), _rows(D), _parts(8),
                              _full((1, D)), _full((D, 1))], 8)(
                                  seg1, gs1, dp, bg1r, Wo)

    seg2 = _seg8(row3d, col3d, gs2, zeros8)
    out = _call(_tc_final, [_parts(8), _rows(8), _parts(8), _full((1, 8))],
                1)(seg2, gs2, dp, bor)
    return out

# --- scband reference (transcript-rebuilt; emitter-appended) ---
"""Pipeline reference for scband-my-gnn2-11355893531404 (READ-ONLY COPY).

The authoritative reference and input builder live on the scoring server;
editing this copy changes nothing except your own understanding.
"""

import jax
jax.config.update("jax_enable_x64", True)
import jax.numpy as jnp
import numpy as np

N_NODES = 10000
N_EDGES = 320000
D = 128


def leaky(x):
    return jnp.where(x >= 0, x, 0.01 * x)


def gcn_conv(x, edge_index, W, b, n):
    # PyG GCNConv: x @ W, add self-loops, symmetric normalization, scatter-add to dst, + bias
    x = x @ W
    loop = jnp.arange(n, dtype=edge_index.dtype)
    row = jnp.concatenate([edge_index[0], loop])  # src
    col = jnp.concatenate([edge_index[1], loop])  # dst
    deg = jax.ops.segment_sum(jnp.ones(row.shape[0], dtype=x.dtype), col, num_segments=n)
    dinv = jnp.where(deg > 0, 1.0 / jnp.sqrt(deg), 0.0)
    norm = dinv[row] * dinv[col]
    msg = norm[:, None] * x[row]
    out = jax.ops.segment_sum(msg, col, num_segments=n)
    return out + b


def _lin_params(key, fan_in, fan_out):
    k1, k2 = jax.random.split(key)
    bound = 1.0 / np.sqrt(fan_in)
    W = jax.random.uniform(k1, (fan_in, fan_out), minval=-bound, maxval=bound, dtype=jnp.float32)
    b = jax.random.uniform(k2, (fan_out,), minval=-bound, maxval=bound, dtype=jnp.float32)
    return W, b


def setup_inputs(seed: int = 0) -> dict:
    key = jax.random.key(seed)
    ks = jax.random.split(key, 10)
    x = jax.random.normal(ks[0], (N_NODES, D), dtype=jnp.float32)
    edge_index = jax.random.randint(ks[1], (2, N_EDGES), 0, N_NODES, dtype=jnp.int64)
    W1, b1 = _lin_params(ks[2], D, 128)
    W2, b2 = _lin_params(ks[3], 128, 128)
    W3, b3 = _lin_params(ks[4], 128, 128)
    Wg0, bg0 = _lin_params(ks[5], 128, 128)
    Wg1, bg1 = _lin_params(ks[6], 128, 128)
    Wo, bo = _lin_params(ks[7], 128, 1)
    return {"x": x, "edge_index": edge_index,
            "W1": W1, "b1": b1, "W2": W2, "b2": b2, "W3": W3, "b3": b3,
            "Wg0": Wg0, "bg0": bg0, "Wg1": Wg1, "bg1": bg1, "Wo": Wo, "bo": bo}


def reference(x, edge_index, W1, b1, W2, b2, W3, b3, Wg0, bg0, Wg1, bg1, Wo, bo):
    n = x.shape[0]
    h = leaky(x @ W1 + b1)
    h = leaky(h @ W2 + b2)
    h = leaky(h @ W3 + b3)
    h = leaky(gcn_conv(h, edge_index, Wg0, bg0, n))
    h = gcn_conv(h, edge_index, Wg1, bg1, n)
    # dropout is identity in eval mode
    h = leaky(h)
    out = gcn_conv(h, edge_index, Wo, bo, n)
    return out

if __name__ == "__main__":
    import jax
    _d = setup_inputs()
    print(jax.jit(kernel)(*tuple(_d.values())))

</pallas_src>

<mosaic_0001>
#map = affine_map<(d0, d1) -> (0, 0, 0)>
#map1 = affine_map<(d0, d1) -> (0, 0)>
module attributes {stable_mosaic.version = 14 : i64} {
  func.func @seg(%arg0: i32, %arg1: i32, %arg2: memref<32x90x112xi32, #tpu.memory_space<hbm>>, %arg3: memref<32x90x112xi32, #tpu.memory_space<hbm>>, %arg4: memref<10000x128xf32, #tpu.memory_space<hbm>>, %arg5: memref<2x10016x128xf32, #tpu.memory_space<hbm>>, %arg6: memref<2x10016x128xf32, #tpu.memory_space<hbm>>, %arg7: memref<90x112xi32, #tpu.memory_space<vmem>>, %arg8: memref<90x112xi32, #tpu.memory_space<vmem>>, %arg9: memref<112x128xf32, #tpu.memory_space<vmem>>, %arg10: memref<112x128xf32, #tpu.memory_space<vmem>>, %arg11: memref<10016x128xf32, #tpu.memory_space<vmem_shared>>, %arg12: memref<!tpu.dma_semaphore, #tpu.memory_space<semaphore_mem>>, %arg13: memref<!tpu.dma_semaphore, #tpu.memory_space<semaphore_mem>>) attributes {dimension_semantics = [#tpu.dimension_semantics<core_parallel>, #tpu.dimension_semantics<subcore_parallel>], iteration_bounds = array<i64: 2, 16>, scalar_prefetch = 0 : i64, scratch_operands = 7 : i64, tpu.core_type = #tpu.core_type<sc_vector_subcore>, window_params = [{transform_indices = #map}, {transform_indices = #map}, {transform_indices = #map1}, {transform_indices = #map}, {transform_indices = #map}]} {
    %mul3A = arith.constant 2 : i32
    %mul3A_0 = arith.muli %arg1, %mul3A : i32
    %add3A = arith.addi %mul3A_0, %arg0 : i32
    %mul3A_1 = arith.constant 626 : i32
    %mul3A_2 = arith.muli %arg1, %mul3A_1 : i32
    %mul3A_3 = arith.constant 626 : i32
    %mul3A_4 = arith.muli %arg1, %mul3A_3 : i32
    "tpu.region"() ({
      %run_scoped3A = tpu.sem_alloc : memref<!tpu.dma_semaphore, #tpu.memory_space<semaphore_mem>>
      %dma_start3A_26 = arith.constant 0 : i32
      %dma_start3A_27 = tpu.memref_slice %arg11[%mul3A_4, %dma_start3A_26] : memref<10016x128xf32, #tpu.memory_space<vmem_shared>> -> memref<626x128xf32, #tpu.memory_space<vmem_shared>>
      %dma_start3A_28 = arith.constant 0 : i32
      %dma_start3A_29 = tpu.memref_slice %arg5[%arg0, %mul3A_2, %dma_start3A_28] : memref<2x10016x128xf32, #tpu.memory_space<hbm>> -> memref<1x626x128xf32, #tpu.memory_space<hbm>>
      %dma_start3A_30 = tpu.memref_squeeze %dma_start3A_29 : memref<1x626x128xf32, #tpu.memory_space<hbm>> -> memref<626x128xf32, #tpu.memory_space<hbm>>
      tpu.enqueue_dma source(%dma_start3A_30 : memref<626x128xf32, #tpu.memory_space<hbm>>) target(%dma_start3A_27 : memref<626x128xf32, #tpu.memory_space<vmem_shared>>) target_semaphore(%run_scoped3A : memref<!tpu.dma_semaphore, #tpu.memory_space<semaphore_mem>>)
      %dma_wait3A = arith.constant 0 : i32
      %dma_wait3A_31 = tpu.memref_slice %arg11[%mul3A_4, %dma_wait3A] : memref<10016x128xf32, #tpu.memory_space<vmem_shared>> -> memref<626x128xf32, #tpu.memory_space<vmem_shared>>
      %dma_wait3A_32 = arith.constant 0 : i32
      %dma_wait3A_33 = tpu.memref_slice %arg5[%arg0, %mul3A_2, %dma_wait3A_32] : memref<2x10016x128xf32, #tpu.memory_space<hbm>> -> memref<1x626x128xf32, #tpu.memory_space<hbm>>
      %dma_wait3A_34 = tpu.memref_squeeze %dma_wait3A_33 : memref<1x626x128xf32, #tpu.memory_space<hbm>> -> memref<626x128xf32, #tpu.memory_space<hbm>>
      tpu.wait_dma2 semaphore(%run_scoped3A : memref<!tpu.dma_semaphore, #tpu.memory_space<semaphore_mem>>) src(%dma_wait3A_34 : memref<626x128xf32, #tpu.memory_space<hbm>>) dst(%dma_wait3A_31 : memref<626x128xf32, #tpu.memory_space<vmem_shared>>)
      tpu.yield
    }) : () -> ()
    "tpu.region"() ({
      %run_scoped3A = tpu.sem_alloc : memref<!tpu.dma_semaphore, #tpu.memory_space<semaphore_mem>>
      %dma_start3A_26 = arith.constant 0 : i32
      %dma_start3A_27 = arith.constant 0 : i32
      %dma_start3A_28 = tpu.memref_slice %arg2[%add3A, %dma_start3A_26, %dma_start3A_27] : memref<32x90x112xi32, #tpu.memory_space<hbm>> -> memref<1x90x112xi32, #tpu.memory_space<hbm>>
      %dma_start3A_29 = tpu.memref_squeeze %dma_start3A_28 : memref<1x90x112xi32, #tpu.memory_space<hbm>> -> memref<90x112xi32, #tpu.memory_space<hbm>>
      %dma_start3A_30 = arith.constant 0 : i32
      %dma_start3A_31 = arith.constant 0 : i32
      %dma_start3A_32 = tpu.memref_slice %arg2[%add3A, %dma_start3A_30, %dma_start3A_31] : memref<32x90x112xi32, #tpu.memory_space<hbm>> -> memref<1x90x112xi32, #tpu.memory_space<hbm>>
      %dma_start3A_33 = tpu.memref_squeeze %dma_start3A_32 : memref<1x90x112xi32, #tpu.memory_space<hbm>> -> memref<90x112xi32, #tpu.memory_space<hbm>>
      tpu.enqueue_dma source(%dma_start3A_33 : memref<90x112xi32, #tpu.memory_space<hbm>>) target(%arg7 : memref<90x112xi32, #tpu.memory_space<vmem>>) target_semaphore(%run_scoped3A : memref<!tpu.dma_semaphore, #tpu.memory_space<semaphore_mem>>)
      %dma_wait3A = arith.constant 0 : i32
      %dma_wait3A_34 = arith.constant 0 : i32
      %dma_wait3A_35 = tpu.memref_slice %arg2[%add3A, %dma_wait3A, %dma_wait3A_34] : memref<32x90x112xi32, #tpu.memory_space<hbm>> -> memref<1x90x112xi32, #tpu.memory_space<hbm>>
      %dma_wait3A_36 = tpu.memref_squeeze %dma_wait3A_35 : memref<1x90x112xi32, #tpu.memory_space<hbm>> -> memref<90x112xi32, #tpu.memory_space<hbm>>
      %dma_wait3A_37 = arith.constant 0 : i32
      %dma_wait3A_38 = arith.constant 0 : i32
      %dma_wait3A_39 = tpu.memref_slice %arg2[%add3A, %dma_wait3A_37, %dma_wait3A_38] : memref<32x90x112xi32, #tpu.memory_space<hbm>> -> memref<1x90x112xi32, #tpu.memory_space<hbm>>
      %dma_wait3A_40 = tpu.memref_squeeze %dma_wait3A_39 : memref<1x90x112xi32, #tpu.memory_space<hbm>> -> memref<90x112xi32, #tpu.memory_space<hbm>>
      tpu.wait_dma2 semaphore(%run_scoped3A : memref<!tpu.dma_semaphore, #tpu.memory_space<semaphore_mem>>) src(%dma_wait3A_40 : memref<90x112xi32, #tpu.memory_space<hbm>>) dst(%arg7 : memref<90x112xi32, #tpu.memory_space<vmem>>)
      tpu.yield
    }) : () -> ()
    "tpu.region"() ({
      %run_scoped3A = tpu.sem_alloc : memref<!tpu.dma_semaphore, #tpu.memory_space<semaphore_mem>>
      %dma_start3A_26 = arith.constant 0 : i32
      %dma_start3A_27 = arith.constant 0 : i32
      %dma_start3A_28 = tpu.memref_slice %arg3[%add3A, %dma_start3A_26, %dma_start3A_27] : memref<32x90x112xi32, #tpu.memory_space<hbm>> -> memref<1x90x112xi32, #tpu.memory_space<hbm>>
      %dma_start3A_29 = tpu.memref_squeeze %dma_start3A_28 : memref<1x90x112xi32, #tpu.memory_space<hbm>> -> memref<90x112xi32, #tpu.memory_space<hbm>>
      %dma_start3A_30 = arith.constant 0 : i32
      %dma_start3A_31 = arith.constant 0 : i32
      %dma_start3A_32 = tpu.memref_slice %arg3[%add3A, %dma_start3A_30, %dma_start3A_31] : memref<32x90x112xi32, #tpu.memory_space<hbm>> -> memref<1x90x112xi32, #tpu.memory_space<hbm>>
      %dma_start3A_33 = tpu.memref_squeeze %dma_start3A_32 : memref<1x90x112xi32, #tpu.memory_space<hbm>> -> memref<90x112xi32, #tpu.memory_space<hbm>>
      tpu.enqueue_dma source(%dma_start3A_33 : memref<90x112xi32, #tpu.memory_space<hbm>>) target(%arg8 : memref<90x112xi32, #tpu.memory_space<vmem>>) target_semaphore(%run_scoped3A : memref<!tpu.dma_semaphore, #tpu.memory_space<semaphore_mem>>)
      %dma_wait3A = arith.constant 0 : i32
      %dma_wait3A_34 = arith.constant 0 : i32
      %dma_wait3A_35 = tpu.memref_slice %arg3[%add3A, %dma_wait3A, %dma_wait3A_34] : memref<32x90x112xi32, #tpu.memory_space<hbm>> -> memref<1x90x112xi32, #tpu.memory_space<hbm>>
      %dma_wait3A_36 = tpu.memref_squeeze %dma_wait3A_35 : memref<1x90x112xi32, #tpu.memory_space<hbm>> -> memref<90x112xi32, #tpu.memory_space<hbm>>
      %dma_wait3A_37 = arith.constant 0 : i32
      %dma_wait3A_38 = arith.constant 0 : i32
      %dma_wait3A_39 = tpu.memref_slice %arg3[%add3A, %dma_wait3A_37, %dma_wait3A_38] : memref<32x90x112xi32, #tpu.memory_space<hbm>> -> memref<1x90x112xi32, #tpu.memory_space<hbm>>
      %dma_wait3A_40 = tpu.memref_squeeze %dma_wait3A_39 : memref<1x90x112xi32, #tpu.memory_space<hbm>> -> memref<90x112xi32, #tpu.memory_space<hbm>>
      tpu.wait_dma2 semaphore(%run_scoped3A : memref<!tpu.dma_semaphore, #tpu.memory_space<semaphore_mem>>) src(%dma_wait3A_40 : memref<90x112xi32, #tpu.memory_space<hbm>>) dst(%arg8 : memref<90x112xi32, #tpu.memory_space<vmem>>)
      tpu.yield
    }) : () -> ()
    %barrier3A = arith.constant 0 : index
    tpu.barrier barrier_id(%barrier3A)
    %dma_start3A = arith.constant 0 : i32
    %dma_start3A_5 = arith.constant 0 : i32
    %dma_start3A_6 = tpu.memref_slice %arg7[%dma_start3A, %dma_start3A_5] : memref<90x112xi32, #tpu.memory_space<vmem>> -> memref<1x112xi32, #tpu.memory_space<vmem>>
    %dma_start3A_7 = tpu.memref_squeeze %dma_start3A_6 : memref<1x112xi32, #tpu.memory_space<vmem>> -> memref<112xi32, #tpu.memory_space<vmem>>
    %dma_start3A_8 = arith.constant 0 : i32
    %dma_start3A_9 = arith.constant 0 : i32
    %dma_start3A_10 = tpu.memref_slice %arg4[%dma_start3A_8, %dma_start3A_9] : memref<10000x128xf32, #tpu.memory_space<hbm>> -> memref<10000x128xf32, #tpu.memory_space<hbm>>
    tpu.enqueue_indirect_dma source(%dma_start3A_10 : memref<10000x128xf32, #tpu.memory_space<hbm>>) target(%arg9 : memref<112x128xf32, #tpu.memory_space<vmem>>) offsets(%dma_start3A_7 : memref<112xi32, #tpu.memory_space<vmem>>) semaphore(%arg12 : memref<!tpu.dma_semaphore, #tpu.memory_space<semaphore_mem>>)
    %while3A = arith.constant 0 : i32
    %while3A_11 = arith.constant 0 : i32
    %while3A_12 = arith.constant 45 : i32
    %while3A_13 = arith.subi %while3A_12, %while3A_11 : i32
    %while3A_14 = arith.addi %while3A_11, %while3A_13 : i32
    %while3A_15 = arith.constant 1 : i32
    %while3A_16 = arith.divsi %while3A_13, %while3A_15 : i32
    %while3A_17 = arith.muli %while3A_16, %while3A_15 : i32
    %while3A_18 = arith.addi %while3A_11, %while3A_17 : i32
    %while3A_19 = arith.constant 1 : i32
    scf.for %while3A_26 = %while3A_11 to %while3A_18 step %while3A_19  : i32 {
      %mul3A_27 = arith.constant 2 : i32
      %mul3A_28 = arith.muli %mul3A_27, %while3A_26 : i32
      %add3A_29 = arith.constant 0 : i32
      %add3A_30 = arith.addi %mul3A_28, %add3A_29 : i32
      %add3A_31 = arith.constant 1 : i32
      %add3A_32 = arith.addi %add3A_30, %add3A_31 : i32
      %lt3A = arith.constant 90 : i32
      %lt3A_33 = arith.cmpi slt, %add3A_32, %lt3A : i32
      %convert_element_type3A = arith.extui %lt3A_33 : i1 to i32
      %cond3A = arith.constant 0 : i32
      %cond3A_34 = arith.cmpi ne, %convert_element_type3A, %cond3A : i32
      scf.if %cond3A_34 {
        %add3A_57 = arith.constant 1 : i32
        %add3A_58 = arith.addi %add3A_30, %add3A_57 : i32
        %dma_start3A_59 = arith.constant 0 : i32
        %dma_start3A_60 = tpu.memref_slice %arg7[%add3A_58, %dma_start3A_59] : memref<90x112xi32, #tpu.memory_space<vmem>> -> memref<1x112xi32, #tpu.memory_space<vmem>>
        %dma_start3A_61 = tpu.memref_squeeze %dma_start3A_60 : memref<1x112xi32, #tpu.memory_space<vmem>> -> memref<112xi32, #tpu.memory_space<vmem>>
        %dma_start3A_62 = arith.constant 0 : i32
        %dma_start3A_63 = arith.constant 0 : i32
        %dma_start3A_64 = tpu.memref_slice %arg4[%dma_start3A_62, %dma_start3A_63] : memref<10000x128xf32, #tpu.memory_space<hbm>> -> memref<10000x128xf32, #tpu.memory_space<hbm>>
        tpu.enqueue_indirect_dma source(%dma_start3A_64 : memref<10000x128xf32, #tpu.memory_space<hbm>>) target(%arg10 : memref<112x128xf32, #tpu.memory_space<vmem>>) offsets(%dma_start3A_61 : memref<112xi32, #tpu.memory_space<vmem>>) semaphore(%arg13 : memref<!tpu.dma_semaphore, #tpu.memory_space<semaphore_mem>>)
      } else {
      }
      %dma_wait3A = arith.constant 0 : i32
      %dma_wait3A_35 = tpu.memref_slice %arg7[%add3A_30, %dma_wait3A] : memref<90x112xi32, #tpu.memory_space<vmem>> -> memref<1x112xi32, #tpu.memory_space<vmem>>
      %dma_wait3A_36 = tpu.memref_squeeze %dma_wait3A_35 : memref<1x112xi32, #tpu.memory_space<vmem>> -> memref<112xi32, #tpu.memory_space<vmem>>
      %dma_wait3A_37 = arith.constant 0 : i32
      %dma_wait3A_38 = arith.constant 0 : i32
      %dma_wait3A_39 = tpu.memref_slice %arg4[%dma_wait3A_37, %dma_wait3A_38] : memref<10000x128xf32, #tpu.memory_space<hbm>> -> memref<10000x128xf32, #tpu.memory_space<hbm>>
      tpu.wait_indirect_dma semaphore(%arg12 : memref<!tpu.dma_semaphore, #tpu.memory_space<semaphore_mem>>) src(%dma_wait3A_39 : memref<10000x128xf32, #tpu.memory_space<hbm>>) dst(%arg9 : memref<112x128xf32, #tpu.memory_space<vmem>>)
      "tpu.region"() ({
        %run_scoped3A = tpu.sem_alloc : memref<!tpu.dma_semaphore, #tpu.memory_space<semaphore_mem>>
        %dma_start3A_57 = arith.constant 0 : i32
        %dma_start3A_58 = tpu.memref_slice %arg8[%add3A_30, %dma_start3A_57] : memref<90x112xi32, #tpu.memory_space<vmem>> -> memref<1x112xi32, #tpu.memory_space<vmem>>
        %dma_start3A_59 = tpu.memref_squeeze %dma_start3A_58 : memref<1x112xi32, #tpu.memory_space<vmem>> -> memref<112xi32, #tpu.memory_space<vmem>>
        %dma_start3A_60 = arith.constant 0 : i32
        %dma_start3A_61 = arith.constant 0 : i32
        %dma_start3A_62 = tpu.memref_slice %arg11[%dma_start3A_60, %dma_start3A_61] : memref<10016x128xf32, #tpu.memory_space<vmem_shared>> -> memref<10016x128xf32, #tpu.memory_space<vmem_shared>>
        tpu.enqueue_indirect_dma source(%arg9 : memref<112x128xf32, #tpu.memory_space<vmem>>) target(%dma_start3A_62 : memref<10016x128xf32, #tpu.memory_space<vmem_shared>>) offsets(%dma_start3A_59 : memref<112xi32, #tpu.memory_space<vmem>>) semaphore(%run_scoped3A : memref<!tpu.dma_semaphore, #tpu.memory_space<semaphore_mem>>) {add = true}
        %dma_wait3A_63 = arith.constant 0 : i32
        %dma_wait3A_64 = tpu.memref_slice %arg8[%add3A_30, %dma_wait3A_63] : memref<90x112xi32, #tpu.memory_space<vmem>> -> memref<1x112xi32, #tpu.memory_space<vmem>>
        %dma_wait3A_65 = tpu.memref_squeeze %dma_wait3A_64 : memref<1x112xi32, #tpu.memory_space<vmem>> -> memref<112xi32, #tpu.memory_space<vmem>>
        %dma_wait3A_66 = arith.constant 0 : i32
        %dma_wait3A_67 = arith.constant 0 : i32
        %dma_wait3A_68 = tpu.memref_slice %arg11[%dma_wait3A_66, %dma_wait3A_67] : memref<10016x128xf32, #tpu.memory_space<vmem_shared>> -> memref<10016x128xf32, #tpu.memory_space<vmem_shared>>
        tpu.wait_indirect_dma semaphore(%run_scoped3A : memref<!tpu.dma_semaphore, #tpu.memory_space<semaphore_mem>>) src(%arg9 : memref<112x128xf32, #tpu.memory_space<vmem>>) dst(%dma_wait3A_68 : memref<10016x128xf32, #tpu.memory_space<vmem_shared>>)
        tpu.yield
      }) : () -> ()
      %mul3A_40 = arith.constant 2 : i32
      %mul3A_41 = arith.muli %mul3A_40, %while3A_26 : i32
      %add3A_42 = arith.constant 1 : i32
      %add3A_43 = arith.addi %mul3A_41, %add3A_42 : i32
      %add3A_44 = arith.constant 1 : i32
      %add3A_45 = arith.addi %add3A_43, %add3A_44 : i32
      %lt3A_46 = arith.constant 90 : i32
      %lt3A_47 = arith.cmpi slt, %add3A_45, %lt3A_46 : i32
      %convert_element_type3A_48 = arith.extui %lt3A_47 : i1 to i32
      %cond3A_49 = arith.constant 0 : i32
      %cond3A_50 = arith.cmpi ne, %convert_element_type3A_48, %cond3A_49 : i32
      scf.if %cond3A_50 {
        %add3A_57 = arith.constant 1 : i32
        %add3A_58 = arith.addi %add3A_43, %add3A_57 : i32
        %dma_start3A_59 = arith.constant 0 : i32
        %dma_start3A_60 = tpu.memref_slice %arg7[%add3A_58, %dma_start3A_59] : memref<90x112xi32, #tpu.memory_space<vmem>> -> memref<1x112xi32, #tpu.memory_space<vmem>>
        %dma_start3A_61 = tpu.memref_squeeze %dma_start3A_60 : memref<1x112xi32, #tpu.memory_space<vmem>> -> memref<112xi32, #tpu.memory_space<vmem>>
        %dma_start3A_62 = arith.constant 0 : i32
        %dma_start3A_63 = arith.constant 0 : i32
        %dma_start3A_64 = tpu.memref_slice %arg4[%dma_start3A_62, %dma_start3A_63] : memref<10000x128xf32, #tpu.memory_space<hbm>> -> memref<10000x128xf32, #tpu.memory_space<hbm>>
        tpu.enqueue_indirect_dma source(%dma_start3A_64 : memref<10000x128xf32, #tpu.memory_space<hbm>>) target(%arg9 : memref<112x128xf32, #tpu.memory_space<vmem>>) offsets(%dma_start3A_61 : memref<112xi32, #tpu.memory_space<vmem>>) semaphore(%arg12 : memref<!tpu.dma_semaphore, #tpu.memory_space<semaphore_mem>>)
      } else {
      }
      %dma_wait3A_51 = arith.constant 0 : i32
      %dma_wait3A_52 = tpu.memref_slice %arg7[%add3A_43, %dma_wait3A_51] : memref<90x112xi32, #tpu.memory_space<vmem>> -> memref<1x112xi32, #tpu.memory_space<vmem>>
      %dma_wait3A_53 = tpu.memref_squeeze %dma_wait3A_52 : memref<1x112xi32, #tpu.memory_space<vmem>> -> memref<112xi32, #tpu.memory_space<vmem>>
      %dma_wait3A_54 = arith.constant 0 : i32
      %dma_wait3A_55 = arith.constant 0 : i32
      %dma_wait3A_56 = tpu.memref_slice %arg4[%dma_wait3A_54, %dma_wait3A_55] : memref<10000x128xf32, #tpu.memory_space<hbm>> -> memref<10000x128xf32, #tpu.memory_space<hbm>>
      tpu.wait_indirect_dma semaphore(%arg13 : memref<!tpu.dma_semaphore, #tpu.memory_space<semaphore_mem>>) src(%dma_wait3A_56 : memref<10000x128xf32, #tpu.memory_space<hbm>>) dst(%arg10 : memref<112x128xf32, #tpu.memory_space<vmem>>)
      "tpu.region"() ({
        %run_scoped3A = tpu.sem_alloc : memref<!tpu.dma_semaphore, #tpu.memory_space<semaphore_mem>>
        %dma_start3A_57 = arith.constant 0 : i32
        %dma_start3A_58 = tpu.memref_slice %arg8[%add3A_43, %dma_start3A_57] : memref<90x112xi32, #tpu.memory_space<vmem>> -> memref<1x112xi32, #tpu.memory_space<vmem>>
        %dma_start3A_59 = tpu.memref_squeeze %dma_start3A_58 : memref<1x112xi32, #tpu.memory_space<vmem>> -> memref<112xi32, #tpu.memory_space<vmem>>
        %dma_start3A_60 = arith.constant 0 : i32
        %dma_start3A_61 = arith.constant 0 : i32
        %dma_start3A_62 = tpu.memref_slice %arg11[%dma_start3A_60, %dma_start3A_61] : memref<10016x128xf32, #tpu.memory_space<vmem_shared>> -> memref<10016x128xf32, #tpu.memory_space<vmem_shared>>
        tpu.enqueue_indirect_dma source(%arg10 : memref<112x128xf32, #tpu.memory_space<vmem>>) target(%dma_start3A_62 : memref<10016x128xf32, #tpu.memory_space<vmem_shared>>) offsets(%dma_start3A_59 : memref<112xi32, #tpu.memory_space<vmem>>) semaphore(%run_scoped3A : memref<!tpu.dma_semaphore, #tpu.memory_space<semaphore_mem>>) {add = true}
        %dma_wait3A_63 = arith.constant 0 : i32
        %dma_wait3A_64 = tpu.memref_slice %arg8[%add3A_43, %dma_wait3A_63] : memref<90x112xi32, #tpu.memory_space<vmem>> -> memref<1x112xi32, #tpu.memory_space<vmem>>
        %dma_wait3A_65 = tpu.memref_squeeze %dma_wait3A_64 : memref<1x112xi32, #tpu.memory_space<vmem>> -> memref<112xi32, #tpu.memory_space<vmem>>
        %dma_wait3A_66 = arith.constant 0 : i32
        %dma_wait3A_67 = arith.constant 0 : i32
        %dma_wait3A_68 = tpu.memref_slice %arg11[%dma_wait3A_66, %dma_wait3A_67] : memref<10016x128xf32, #tpu.memory_space<vmem_shared>> -> memref<10016x128xf32, #tpu.memory_space<vmem_shared>>
        tpu.wait_indirect_dma semaphore(%run_scoped3A : memref<!tpu.dma_semaphore, #tpu.memory_space<semaphore_mem>>) src(%arg10 : memref<112x128xf32, #tpu.memory_space<vmem>>) dst(%dma_wait3A_68 : memref<10016x128xf32, #tpu.memory_space<vmem_shared>>)
        tpu.yield
      }) : () -> ()
    }
    %while3A_20 = arith.constant 1 : i32
    scf.for %while3A_26 = %while3A_18 to %while3A_14 step %while3A_20  : i32 {
      %mul3A_27 = arith.constant 2 : i32
      %mul3A_28 = arith.muli %mul3A_27, %while3A_26 : i32
      %add3A_29 = arith.constant 0 : i32
      %add3A_30 = arith.addi %mul3A_28, %add3A_29 : i32
      %add3A_31 = arith.constant 1 : i32
      %add3A_32 = arith.addi %add3A_30, %add3A_31 : i32
      %lt3A = arith.constant 90 : i32
      %lt3A_33 = arith.cmpi slt, %add3A_32, %lt3A : i32
      %convert_element_type3A = arith.extui %lt3A_33 : i1 to i32
      %cond3A = arith.constant 0 : i32
      %cond3A_34 = arith.cmpi ne, %convert_element_type3A, %cond3A : i32
      scf.if %cond3A_34 {
        %add3A_57 = arith.constant 1 : i32
        %add3A_58 = arith.addi %add3A_30, %add3A_57 : i32
        %dma_start3A_59 = arith.constant 0 : i32
        %dma_start3A_60 = tpu.memref_slice %arg7[%add3A_58, %dma_start3A_59] : memref<90x112xi32, #tpu.memory_space<vmem>> -> memref<1x112xi32, #tpu.memory_space<vmem>>
        %dma_start3A_61 = tpu.memref_squeeze %dma_start3A_60 : memref<1x112xi32, #tpu.memory_space<vmem>> -> memref<112xi32, #tpu.memory_space<vmem>>
        %dma_start3A_62 = arith.constant 0 : i32
        %dma_start3A_63 = arith.constant 0 : i32
        %dma_start3A_64 = tpu.memref_slice %arg4[%dma_start3A_62, %dma_start3A_63] : memref<10000x128xf32, #tpu.memory_space<hbm>> -> memref<10000x128xf32, #tpu.memory_space<hbm>>
        tpu.enqueue_indirect_dma source(%dma_start3A_64 : memref<10000x128xf32, #tpu.memory_space<hbm>>) target(%arg10 : memref<112x128xf32, #tpu.memory_space<vmem>>) offsets(%dma_start3A_61 : memref<112xi32, #tpu.memory_space<vmem>>) semaphore(%arg13 : memref<!tpu.dma_semaphore, #tpu.memory_space<semaphore_mem>>)
      } else {
      }
      %dma_wait3A = arith.constant 0 : i32
      %dma_wait3A_35 = tpu.memref_slice %arg7[%add3A_30, %dma_wait3A] : memref<90x112xi32, #tpu.memory_space<vmem>> -> memref<1x112xi32, #tpu.memory_space<vmem>>
      %dma_wait3A_36 = tpu.memref_squeeze %dma_wait3A_35 : memref<1x112xi32, #tpu.memory_space<vmem>> -> memref<112xi32, #tpu.memory_space<vmem>>
      %dma_wait3A_37 = arith.constant 0 : i32
      %dma_wait3A_38 = arith.constant 0 : i32
      %dma_wait3A_39 = tpu.memref_slice %arg4[%dma_wait3A_37, %dma_wait3A_38] : memref<10000x128xf32, #tpu.memory_space<hbm>> -> memref<10000x128xf32, #tpu.memory_space<hbm>>
      tpu.wait_indirect_dma semaphore(%arg12 : memref<!tpu.dma_semaphore, #tpu.memory_space<semaphore_mem>>) src(%dma_wait3A_39 : memref<10000x128xf32, #tpu.memory_space<hbm>>) dst(%arg9 : memref<112x128xf32, #tpu.memory_space<vmem>>)
      "tpu.region"() ({
        %run_scoped3A = tpu.sem_alloc : memref<!tpu.dma_semaphore, #tpu.memory_space<semaphore_mem>>
        %dma_start3A_57 = arith.constant 0 : i32
        %dma_start3A_58 = tpu.memref_slice %arg8[%add3A_30, %dma_start3A_57] : memref<90x112xi32, #tpu.memory_space<vmem>> -> memref<1x112xi32, #tpu.memory_space<vmem>>
        %dma_start3A_59 = tpu.memref_squeeze %dma_start3A_58 : memref<1x112xi32, #tpu.memory_space<vmem>> -> memref<112xi32, #tpu.memory_space<vmem>>
        %dma_start3A_60 = arith.constant 0 : i32
        %dma_start3A_61 = arith.constant 0 : i32
        %dma_start3A_62 = tpu.memref_slice %arg11[%dma_start3A_60, %dma_start3A_61] : memref<10016x128xf32, #tpu.memory_space<vmem_shared>> -> memref<10016x128xf32, #tpu.memory_space<vmem_shared>>
        tpu.enqueue_indirect_dma source(%arg9 : memref<112x128xf32, #tpu.memory_space<vmem>>) target(%dma_start3A_62 : memref<10016x128xf32, #tpu.memory_space<vmem_shared>>) offsets(%dma_start3A_59 : memref<112xi32, #tpu.memory_space<vmem>>) semaphore(%run_scoped3A : memref<!tpu.dma_semaphore, #tpu.memory_space<semaphore_mem>>) {add = true}
        %dma_wait3A_63 = arith.constant 0 : i32
        %dma_wait3A_64 = tpu.memref_slice %arg8[%add3A_30, %dma_wait3A_63] : memref<90x112xi32, #tpu.memory_space<vmem>> -> memref<1x112xi32, #tpu.memory_space<vmem>>
        %dma_wait3A_65 = tpu.memref_squeeze %dma_wait3A_64 : memref<1x112xi32, #tpu.memory_space<vmem>> -> memref<112xi32, #tpu.memory_space<vmem>>
        %dma_wait3A_66 = arith.constant 0 : i32
        %dma_wait3A_67 = arith.constant 0 : i32
        %dma_wait3A_68 = tpu.memref_slice %arg11[%dma_wait3A_66, %dma_wait3A_67] : memref<10016x128xf32, #tpu.memory_space<vmem_shared>> -> memref<10016x128xf32, #tpu.memory_space<vmem_shared>>
        tpu.wait_indirect_dma semaphore(%run_scoped3A : memref<!tpu.dma_semaphore, #tpu.memory_space<semaphore_mem>>) src(%arg9 : memref<112x128xf32, #tpu.memory_space<vmem>>) dst(%dma_wait3A_68 : memref<10016x128xf32, #tpu.memory_space<vmem_shared>>)
        tpu.yield
      }) : () -> ()
      %mul3A_40 = arith.constant 2 : i32
      %mul3A_41 = arith.muli %mul3A_40, %while3A_26 : i32
      %add3A_42 = arith.constant 1 : i32
      %add3A_43 = arith.addi %mul3A_41, %add3A_42 : i32
      %add3A_44 = arith.constant 1 : i32
      %add3A_45 = arith.addi %add3A_43, %add3A_44 : i32
      %lt3A_46 = arith.constant 90 : i32
      %lt3A_47 = arith.cmpi slt, %add3A_45, %lt3A_46 : i32
      %convert_element_type3A_48 = arith.extui %lt3A_47 : i1 to i32
      %cond3A_49 = arith.constant 0 : i32
      %cond3A_50 = arith.cmpi ne, %convert_element_type3A_48, %cond3A_49 : i32
      scf.if %cond3A_50 {
        %add3A_57 = arith.constant 1 : i32
        %add3A_58 = arith.addi %add3A_43, %add3A_57 : i32
        %dma_start3A_59 = arith.constant 0 : i32
        %dma_start3A_60 = tpu.memref_slice %arg7[%add3A_58, %dma_start3A_59] : memref<90x112xi32, #tpu.memory_space<vmem>> -> memref<1x112xi32, #tpu.memory_space<vmem>>
        %dma_start3A_61 = tpu.memref_squeeze %dma_start3A_60 : memref<1x112xi32, #tpu.memory_space<vmem>> -> memref<112xi32, #tpu.memory_space<vmem>>
        %dma_start3A_62 = arith.constant 0 : i32
        %dma_start3A_63 = arith.constant 0 : i32
        %dma_start3A_64 = tpu.memref_slice %arg4[%dma_start3A_62, %dma_start3A_63] : memref<10000x128xf32, #tpu.memory_space<hbm>> -> memref<10000x128xf32, #tpu.memory_space<hbm>>
        tpu.enqueue_indirect_dma source(%dma_start3A_64 : memref<10000x128xf32, #tpu.memory_space<hbm>>) target(%arg9 : memref<112x128xf32, #tpu.memory_space<vmem>>) offsets(%dma_start3A_61 : memref<112xi32, #tpu.memory_space<vmem>>) semaphore(%arg12 : memref<!tpu.dma_semaphore, #tpu.memory_space<semaphore_mem>>)
      } else {
      }
      %dma_wait3A_51 = arith.constant 0 : i32
      %dma_wait3A_52 = tpu.memref_slice %arg7[%add3A_43, %dma_wait3A_51] : memref<90x112xi32, #tpu.memory_space<vmem>> -> memref<1x112xi32, #tpu.memory_space<vmem>>
      %dma_wait3A_53 = tpu.memref_squeeze %dma_wait3A_52 : memref<1x112xi32, #tpu.memory_space<vmem>> -> memref<112xi32, #tpu.memory_space<vmem>>
      %dma_wait3A_54 = arith.constant 0 : i32
      %dma_wait3A_55 = arith.constant 0 : i32
      %dma_wait3A_56 = tpu.memref_slice %arg4[%dma_wait3A_54, %dma_wait3A_55] : memref<10000x128xf32, #tpu.memory_space<hbm>> -> memref<10000x128xf32, #tpu.memory_space<hbm>>
      tpu.wait_indirect_dma semaphore(%arg13 : memref<!tpu.dma_semaphore, #tpu.memory_space<semaphore_mem>>) src(%dma_wait3A_56 : memref<10000x128xf32, #tpu.memory_space<hbm>>) dst(%arg10 : memref<112x128xf32, #tpu.memory_space<vmem>>)
      "tpu.region"() ({
        %run_scoped3A = tpu.sem_alloc : memref<!tpu.dma_semaphore, #tpu.memory_space<semaphore_mem>>
        %dma_start3A_57 = arith.constant 0 : i32
        %dma_start3A_58 = tpu.memref_slice %arg8[%add3A_43, %dma_start3A_57] : memref<90x112xi32, #tpu.memory_space<vmem>> -> memref<1x112xi32, #tpu.memory_space<vmem>>
        %dma_start3A_59 = tpu.memref_squeeze %dma_start3A_58 : memref<1x112xi32, #tpu.memory_space<vmem>> -> memref<112xi32, #tpu.memory_space<vmem>>
        %dma_start3A_60 = arith.constant 0 : i32
        %dma_start3A_61 = arith.constant 0 : i32
        %dma_start3A_62 = tpu.memref_slice %arg11[%dma_start3A_60, %dma_start3A_61] : memref<10016x128xf32, #tpu.memory_space<vmem_shared>> -> memref<10016x128xf32, #tpu.memory_space<vmem_shared>>
        tpu.enqueue_indirect_dma source(%arg10 : memref<112x128xf32, #tpu.memory_space<vmem>>) target(%dma_start3A_62 : memref<10016x128xf32, #tpu.memory_space<vmem_shared>>) offsets(%dma_start3A_59 : memref<112xi32, #tpu.memory_space<vmem>>) semaphore(%run_scoped3A : memref<!tpu.dma_semaphore, #tpu.memory_space<semaphore_mem>>) {add = true}
        %dma_wait3A_63 = arith.constant 0 : i32
        %dma_wait3A_64 = tpu.memref_slice %arg8[%add3A_43, %dma_wait3A_63] : memref<90x112xi32, #tpu.memory_space<vmem>> -> memref<1x112xi32, #tpu.memory_space<vmem>>
        %dma_wait3A_65 = tpu.memref_squeeze %dma_wait3A_64 : memref<1x112xi32, #tpu.memory_space<vmem>> -> memref<112xi32, #tpu.memory_space<vmem>>
        %dma_wait3A_66 = arith.constant 0 : i32
        %dma_wait3A_67 = arith.constant 0 : i32
        %dma_wait3A_68 = tpu.memref_slice %arg11[%dma_wait3A_66, %dma_wait3A_67] : memref<10016x128xf32, #tpu.memory_space<vmem_shared>> -> memref<10016x128xf32, #tpu.memory_space<vmem_shared>>
        tpu.wait_indirect_dma semaphore(%run_scoped3A : memref<!tpu.dma_semaphore, #tpu.memory_space<semaphore_mem>>) src(%arg10 : memref<112x128xf32, #tpu.memory_space<vmem>>) dst(%dma_wait3A_68 : memref<10016x128xf32, #tpu.memory_space<vmem_shared>>)
        tpu.yield
      }) : () -> ()
    }
    %barrier3A_21 = arith.constant 0 : index
    tpu.barrier barrier_id(%barrier3A_21)
    %mul3A_22 = arith.constant 626 : i32
    %mul3A_23 = arith.muli %arg1, %mul3A_22 : i32
    %mul3A_24 = arith.constant 626 : i32
    %mul3A_25 = arith.muli %arg1, %mul3A_24 : i32
    "tpu.region"() ({
      %run_scoped3A = tpu.sem_alloc : memref<!tpu.dma_semaphore, #tpu.memory_space<semaphore_mem>>
      %dma_start3A_26 = arith.constant 0 : i32
      %dma_start3A_27 = tpu.memref_slice %arg6[%arg0, %mul3A_25, %dma_start3A_26] : memref<2x10016x128xf32, #tpu.memory_space<hbm>> -> memref<1x626x128xf32, #tpu.memory_space<hbm>>
      %dma_start3A_28 = tpu.memref_squeeze %dma_start3A_27 : memref<1x626x128xf32, #tpu.memory_space<hbm>> -> memref<626x128xf32, #tpu.memory_space<hbm>>
      %dma_start3A_29 = arith.constant 0 : i32
      %dma_start3A_30 = tpu.memref_slice %arg11[%mul3A_23, %dma_start3A_29] : memref<10016x128xf32, #tpu.memory_space<vmem_shared>> -> memref<626x128xf32, #tpu.memory_space<vmem_shared>>
      tpu.enqueue_dma source(%dma_start3A_30 : memref<626x128xf32, #tpu.memory_space<vmem_shared>>) target(%dma_start3A_28 : memref<626x128xf32, #tpu.memory_space<hbm>>) target_semaphore(%run_scoped3A : memref<!tpu.dma_semaphore, #tpu.memory_space<semaphore_mem>>)
      %dma_wait3A = arith.constant 0 : i32
      %dma_wait3A_31 = tpu.memref_slice %arg6[%arg0, %mul3A_25, %dma_wait3A] : memref<2x10016x128xf32, #tpu.memory_space<hbm>> -> memref<1x626x128xf32, #tpu.memory_space<hbm>>
      %dma_wait3A_32 = tpu.memref_squeeze %dma_wait3A_31 : memref<1x626x128xf32, #tpu.memory_space<hbm>> -> memref<626x128xf32, #tpu.memory_space<hbm>>
      %dma_wait3A_33 = arith.constant 0 : i32
      %dma_wait3A_34 = tpu.memref_slice %arg11[%mul3A_23, %dma_wait3A_33] : memref<10016x128xf32, #tpu.memory_space<vmem_shared>> -> memref<626x128xf32, #tpu.memory_space<vmem_shared>>
      tpu.wait_dma2 semaphore(%run_scoped3A : memref<!tpu.dma_semaphore, #tpu.memory_space<semaphore_mem>>) src(%dma_wait3A_34 : memref<626x128xf32, #tpu.memory_space<vmem_shared>>) dst(%dma_wait3A_32 : memref<626x128xf32, #tpu.memory_space<hbm>>)
      tpu.yield
    }) : () -> ()
    return
  }
}

#map = affine_map<(d0, d1) -> (0, 0, 0)>
#map1 = affine_map<(d0, d1) -> (0, 0)>
module attributes {stable_mosaic.version = 14 : i64} {
  func.func @seg(%arg0: i32, %arg1: i32, %arg2: memref<32x90x112xi32, #tpu.memory_space<hbm>>, %arg3: memref<32x90x112xi32, #tpu.memory_space<hbm>>, %arg4: memref<10000x8xf32, #tpu.memory_space<hbm>>, %arg5: memref<2x10016x8xf32, #tpu.memory_space<hbm>>, %arg6: memref<2x10016x8xf32, #tpu.memory_space<hbm>>, %arg7: memref<90x112xi32, #tpu.memory_space<vmem>>, %arg8: memref<90x112xi32, #tpu.memory_space<vmem>>, %arg9: memref<112x8xf32, #tpu.memory_space<vmem>>, %arg10: memref<112x8xf32, #tpu.memory_space<vmem>>, %arg11: memref<10016x8xf32, #tpu.memory_space<vmem_shared>>, %arg12: memref<!tpu.dma_semaphore, #tpu.memory_space<semaphore_mem>>, %arg13: memref<!tpu.dma_semaphore, #tpu.memory_space<semaphore_mem>>) attributes {dimension_semantics = [#tpu.dimension_semantics<core_parallel>, #tpu.dimension_semantics<subcore_parallel>], iteration_bounds = array<i64: 2, 16>, scalar_prefetch = 0 : i64, scratch_operands = 7 : i64, tpu.core_type = #tpu.core_type<sc_vector_subcore>, window_params = [{transform_indices = #map}, {transform_indices = #map}, {transform_indices = #map1}, {transform_indices = #map}, {transform_indices = #map}]} {
    %mul3A = arith.constant 2 : i32
    %mul3A_0 = arith.muli %arg1, %mul3A : i32
    %add3A = arith.addi %mul3A_0, %arg0 : i32
    %mul3A_1 = arith.constant 626 : i32
    %mul3A_2 = arith.muli %arg1, %mul3A_1 : i32
    %mul3A_3 = arith.constant 626 : i32
    %mul3A_4 = arith.muli %arg1, %mul3A_3 : i32
    "tpu.region"() ({
      %run_scoped3A = tpu.sem_alloc : memref<!tpu.dma_semaphore, #tpu.memory_space<semaphore_mem>>
      %dma_start3A_26 = arith.constant 0 : i32
      %dma_start3A_27 = tpu.memref_slice %arg11[%mul3A_4, %dma_start3A_26] : memref<10016x8xf32, #tpu.memory_space<vmem_shared>> -> memref<626x8xf32, #tpu.memory_space<vmem_shared>>
      %dma_start3A_28 = arith.constant 0 : i32
      %dma_start3A_29 = tpu.memref_slice %arg5[%arg0, %mul3A_2, %dma_start3A_28] : memref<2x10016x8xf32, #tpu.memory_space<hbm>> -> memref<1x626x8xf32, #tpu.memory_space<hbm>>
      %dma_start3A_30 = tpu.memref_squeeze %dma_start3A_29 : memref<1x626x8xf32, #tpu.memory_space<hbm>> -> memref<626x8xf32, #tpu.memory_space<hbm>>
      tpu.enqueue_dma source(%dma_start3A_30 : memref<626x8xf32, #tpu.memory_space<hbm>>) target(%dma_start3A_27 : memref<626x8xf32, #tpu.memory_space<vmem_shared>>) target_semaphore(%run_scoped3A : memref<!tpu.dma_semaphore, #tpu.memory_space<semaphore_mem>>)
      %dma_wait3A = arith.constant 0 : i32
      %dma_wait3A_31 = tpu.memref_slice %arg11[%mul3A_4, %dma_wait3A] : memref<10016x8xf32, #tpu.memory_space<vmem_shared>> -> memref<626x8xf32, #tpu.memory_space<vmem_shared>>
      %dma_wait3A_32 = arith.constant 0 : i32
      %dma_wait3A_33 = tpu.memref_slice %arg5[%arg0, %mul3A_2, %dma_wait3A_32] : memref<2x10016x8xf32, #tpu.memory_space<hbm>> -> memref<1x626x8xf32, #tpu.memory_space<hbm>>
      %dma_wait3A_34 = tpu.memref_squeeze %dma_wait3A_33 : memref<1x626x8xf32, #tpu.memory_space<hbm>> -> memref<626x8xf32, #tpu.memory_space<hbm>>
      tpu.wait_dma2 semaphore(%run_scoped3A : memref<!tpu.dma_semaphore, #tpu.memory_space<semaphore_mem>>) src(%dma_wait3A_34 : memref<626x8xf32, #tpu.memory_space<hbm>>) dst(%dma_wait3A_31 : memref<626x8xf32, #tpu.memory_space<vmem_shared>>)
      tpu.yield
    }) : () -> ()
    "tpu.region"() ({
      %run_scoped3A = tpu.sem_alloc : memref<!tpu.dma_semaphore, #tpu.memory_space<semaphore_mem>>
      %dma_start3A_26 = arith.constant 0 : i32
      %dma_start3A_27 = arith.constant 0 : i32
      %dma_start3A_28 = tpu.memref_slice %arg2[%add3A, %dma_start3A_26, %dma_start3A_27] : memref<32x90x112xi32, #tpu.memory_space<hbm>> -> memref<1x90x112xi32, #tpu.memory_space<hbm>>
      %dma_start3A_29 = tpu.memref_squeeze %dma_start3A_28 : memref<1x90x112xi32, #tpu.memory_space<hbm>> -> memref<90x112xi32, #tpu.memory_space<hbm>>
      %dma_start3A_30 = arith.constant 0 : i32
      %dma_start3A_31 = arith.constant 0 : i32
      %dma_start3A_32 = tpu.memref_slice %arg2[%add3A, %dma_start3A_30, %dma_start3A_31] : memref<32x90x112xi32, #tpu.memory_space<hbm>> -> memref<1x90x112xi32, #tpu.memory_space<hbm>>
      %dma_start3A_33 = tpu.memref_squeeze %dma_start3A_32 : memref<1x90x112xi32, #tpu.memory_space<hbm>> -> memref<90x112xi32, #tpu.memory_space<hbm>>
      tpu.enqueue_dma source(%dma_start3A_33 : memref<90x112xi32, #tpu.memory_space<hbm>>) target(%arg7 : memref<90x112xi32, #tpu.memory_space<vmem>>) target_semaphore(%run_scoped3A : memref<!tpu.dma_semaphore, #tpu.memory_space<semaphore_mem>>)
      %dma_wait3A = arith.constant 0 : i32
      %dma_wait3A_34 = arith.constant 0 : i32
      %dma_wait3A_35 = tpu.memref_slice %arg2[%add3A, %dma_wait3A, %dma_wait3A_34] : memref<32x90x112xi32, #tpu.memory_space<hbm>> -> memref<1x90x112xi32, #tpu.memory_space<hbm>>
      %dma_wait3A_36 = tpu.memref_squeeze %dma_wait3A_35 : memref<1x90x112xi32, #tpu.memory_space<hbm>> -> memref<90x112xi32, #tpu.memory_space<hbm>>
      %dma_wait3A_37 = arith.constant 0 : i32
      %dma_wait3A_38 = arith.constant 0 : i32
      %dma_wait3A_39 = tpu.memref_slice %arg2[%add3A, %dma_wait3A_37, %dma_wait3A_38] : memref<32x90x112xi32, #tpu.memory_space<hbm>> -> memref<1x90x112xi32, #tpu.memory_space<hbm>>
      %dma_wait3A_40 = tpu.memref_squeeze %dma_wait3A_39 : memref<1x90x112xi32, #tpu.memory_space<hbm>> -> memref<90x112xi32, #tpu.memory_space<hbm>>
      tpu.wait_dma2 semaphore(%run_scoped3A : memref<!tpu.dma_semaphore, #tpu.memory_space<semaphore_mem>>) src(%dma_wait3A_40 : memref<90x112xi32, #tpu.memory_space<hbm>>) dst(%arg7 : memref<90x112xi32, #tpu.memory_space<vmem>>)
      tpu.yield
    }) : () -> ()
    "tpu.region"() ({
      %run_scoped3A = tpu.sem_alloc : memref<!tpu.dma_semaphore, #tpu.memory_space<semaphore_mem>>
      %dma_start3A_26 = arith.constant 0 : i32
      %dma_start3A_27 = arith.constant 0 : i32
      %dma_start3A_28 = tpu.memref_slice %arg3[%add3A, %dma_start3A_26, %dma_start3A_27] : memref<32x90x112xi32, #tpu.memory_space<hbm>> -> memref<1x90x112xi32, #tpu.memory_space<hbm>>
      %dma_start3A_29 = tpu.memref_squeeze %dma_start3A_28 : memref<1x90x112xi32, #tpu.memory_space<hbm>> -> memref<90x112xi32, #tpu.memory_space<hbm>>
      %dma_start3A_30 = arith.constant 0 : i32
      %dma_start3A_31 = arith.constant 0 : i32
      %dma_start3A_32 = tpu.memref_slice %arg3[%add3A, %dma_start3A_30, %dma_start3A_31] : memref<32x90x112xi32, #tpu.memory_space<hbm>> -> memref<1x90x112xi32, #tpu.memory_space<hbm>>
      %dma_start3A_33 = tpu.memref_squeeze %dma_start3A_32 : memref<1x90x112xi32, #tpu.memory_space<hbm>> -> memref<90x112xi32, #tpu.memory_space<hbm>>
      tpu.enqueue_dma source(%dma_start3A_33 : memref<90x112xi32, #tpu.memory_space<hbm>>) target(%arg8 : memref<90x112xi32, #tpu.memory_space<vmem>>) target_semaphore(%run_scoped3A : memref<!tpu.dma_semaphore, #tpu.memory_space<semaphore_mem>>)
      %dma_wait3A = arith.constant 0 : i32
      %dma_wait3A_34 = arith.constant 0 : i32
      %dma_wait3A_35 = tpu.memref_slice %arg3[%add3A, %dma_wait3A, %dma_wait3A_34] : memref<32x90x112xi32, #tpu.memory_space<hbm>> -> memref<1x90x112xi32, #tpu.memory_space<hbm>>
      %dma_wait3A_36 = tpu.memref_squeeze %dma_wait3A_35 : memref<1x90x112xi32, #tpu.memory_space<hbm>> -> memref<90x112xi32, #tpu.memory_space<hbm>>
      %dma_wait3A_37 = arith.constant 0 : i32
      %dma_wait3A_38 = arith.constant 0 : i32
      %dma_wait3A_39 = tpu.memref_slice %arg3[%add3A, %dma_wait3A_37, %dma_wait3A_38] : memref<32x90x112xi32, #tpu.memory_space<hbm>> -> memref<1x90x112xi32, #tpu.memory_space<hbm>>
      %dma_wait3A_40 = tpu.memref_squeeze %dma_wait3A_39 : memref<1x90x112xi32, #tpu.memory_space<hbm>> -> memref<90x112xi32, #tpu.memory_space<hbm>>
      tpu.wait_dma2 semaphore(%run_scoped3A : memref<!tpu.dma_semaphore, #tpu.memory_space<semaphore_mem>>) src(%dma_wait3A_40 : memref<90x112xi32, #tpu.memory_space<hbm>>) dst(%arg8 : memref<90x112xi32, #tpu.memory_space<vmem>>)
      tpu.yield
    }) : () -> ()
    %barrier3A = arith.constant 0 : index
    tpu.barrier barrier_id(%barrier3A)
    %dma_start3A = arith.constant 0 : i32
    %dma_start3A_5 = arith.constant 0 : i32
    %dma_start3A_6 = tpu.memref_slice %arg7[%dma_start3A, %dma_start3A_5] : memref<90x112xi32, #tpu.memory_space<vmem>> -> memref<1x112xi32, #tpu.memory_space<vmem>>
    %dma_start3A_7 = tpu.memref_squeeze %dma_start3A_6 : memref<1x112xi32, #tpu.memory_space<vmem>> -> memref<112xi32, #tpu.memory_space<vmem>>
    %dma_start3A_8 = arith.constant 0 : i32
    %dma_start3A_9 = arith.constant 0 : i32
    %dma_start3A_10 = tpu.memref_slice %arg4[%dma_start3A_8, %dma_start3A_9] : memref<10000x8xf32, #tpu.memory_space<hbm>> -> memref<10000x8xf32, #tpu.memory_space<hbm>>
    tpu.enqueue_indirect_dma source(%dma_start3A_10 : memref<10000x8xf32, #tpu.memory_space<hbm>>) target(%arg9 : memref<112x8xf32, #tpu.memory_space<vmem>>) offsets(%dma_start3A_7 : memref<112xi32, #tpu.memory_space<vmem>>) semaphore(%arg12 : memref<!tpu.dma_semaphore, #tpu.memory_space<semaphore_mem>>)
    %while3A = arith.constant 0 : i32
    %while3A_11 = arith.constant 0 : i32
    %while3A_12 = arith.constant 45 : i32
    %while3A_13 = arith.subi %while3A_12, %while3A_11 : i32
    %while3A_14 = arith.addi %while3A_11, %while3A_13 : i32
    %while3A_15 = arith.constant 1 : i32
    %while3A_16 = arith.divsi %while3A_13, %while3A_15 : i32
    %while3A_17 = arith.muli %while3A_16, %while3A_15 : i32
    %while3A_18 = arith.addi %while3A_11, %while3A_17 : i32
    %while3A_19 = arith.constant 1 : i32
    scf.for %while3A_26 = %while3A_11 to %while3A_18 step %while3A_19  : i32 {
      %mul3A_27 = arith.constant 2 : i32
      %mul3A_28 = arith.muli %mul3A_27, %while3A_26 : i32
      %add3A_29 = arith.constant 0 : i32
      %add3A_30 = arith.addi %mul3A_28, %add3A_29 : i32
      %add3A_31 = arith.constant 1 : i32
      %add3A_32 = arith.addi %add3A_30, %add3A_31 : i32
      %lt3A = arith.constant 90 : i32
      %lt3A_33 = arith.cmpi slt, %add3A_32, %lt3A : i32
      %convert_element_type3A = arith.extui %lt3A_33 : i1 to i32
      %cond3A = arith.constant 0 : i32
      %cond3A_34 = arith.cmpi ne, %convert_element_type3A, %cond3A : i32
      scf.if %cond3A_34 {
        %add3A_57 = arith.constant 1 : i32
        %add3A_58 = arith.addi %add3A_30, %add3A_57 : i32
        %dma_start3A_59 = arith.constant 0 : i32
        %dma_start3A_60 = tpu.memref_slice %arg7[%add3A_58, %dma_start3A_59] : memref<90x112xi32, #tpu.memory_space<vmem>> -> memref<1x112xi32, #tpu.memory_space<vmem>>
        %dma_start3A_61 = tpu.memref_squeeze %dma_start3A_60 : memref<1x112xi32, #tpu.memory_space<vmem>> -> memref<112xi32, #tpu.memory_space<vmem>>
        %dma_start3A_62 = arith.constant 0 : i32
        %dma_start3A_63 = arith.constant 0 : i32
        %dma_start3A_64 = tpu.memref_slice %arg4[%dma_start3A_62, %dma_start3A_63] : memref<10000x8xf32, #tpu.memory_space<hbm>> -> memref<10000x8xf32, #tpu.memory_space<hbm>>
        tpu.enqueue_indirect_dma source(%dma_start3A_64 : memref<10000x8xf32, #tpu.memory_space<hbm>>) target(%arg10 : memref<112x8xf32, #tpu.memory_space<vmem>>) offsets(%dma_start3A_61 : memref<112xi32, #tpu.memory_space<vmem>>) semaphore(%arg13 : memref<!tpu.dma_semaphore, #tpu.memory_space<semaphore_mem>>)
      } else {
      }
      %dma_wait3A = arith.constant 0 : i32
      %dma_wait3A_35 = tpu.memref_slice %arg7[%add3A_30, %dma_wait3A] : memref<90x112xi32, #tpu.memory_space<vmem>> -> memref<1x112xi32, #tpu.memory_space<vmem>>
      %dma_wait3A_36 = tpu.memref_squeeze %dma_wait3A_35 : memref<1x112xi32, #tpu.memory_space<vmem>> -> memref<112xi32, #tpu.memory_space<vmem>>
      %dma_wait3A_37 = arith.constant 0 : i32
      %dma_wait3A_38 = arith.constant 0 : i32
      %dma_wait3A_39 = tpu.memref_slice %arg4[%dma_wait3A_37, %dma_wait3A_38] : memref<10000x8xf32, #tpu.memory_space<hbm>> -> memref<10000x8xf32, #tpu.memory_space<hbm>>
      tpu.wait_indirect_dma semaphore(%arg12 : memref<!tpu.dma_semaphore, #tpu.memory_space<semaphore_mem>>) src(%dma_wait3A_39 : memref<10000x8xf32, #tpu.memory_space<hbm>>) dst(%arg9 : memref<112x8xf32, #tpu.memory_space<vmem>>)
      "tpu.region"() ({
        %run_scoped3A = tpu.sem_alloc : memref<!tpu.dma_semaphore, #tpu.memory_space<semaphore_mem>>
        %dma_start3A_57 = arith.constant 0 : i32
        %dma_start3A_58 = tpu.memref_slice %arg8[%add3A_30, %dma_start3A_57] : memref<90x112xi32, #tpu.memory_space<vmem>> -> memref<1x112xi32, #tpu.memory_space<vmem>>
        %dma_start3A_59 = tpu.memref_squeeze %dma_start3A_58 : memref<1x112xi32, #tpu.memory_space<vmem>> -> memref<112xi32, #tpu.memory_space<vmem>>
        %dma_start3A_60 = arith.constant 0 : i32
        %dma_start3A_61 = arith.constant 0 : i32
        %dma_start3A_62 = tpu.memref_slice %arg11[%dma_start3A_60, %dma_start3A_61] : memref<10016x8xf32, #tpu.memory_space<vmem_shared>> -> memref<10016x8xf32, #tpu.memory_space<vmem_shared>>
        tpu.enqueue_indirect_dma source(%arg9 : memref<112x8xf32, #tpu.memory_space<vmem>>) target(%dma_start3A_62 : memref<10016x8xf32, #tpu.memory_space<vmem_shared>>) offsets(%dma_start3A_59 : memref<112xi32, #tpu.memory_space<vmem>>) semaphore(%run_scoped3A : memref<!tpu.dma_semaphore, #tpu.memory_space<semaphore_mem>>) {add = true}
        %dma_wait3A_63 = arith.constant 0 : i32
        %dma_wait3A_64 = tpu.memref_slice %arg8[%add3A_30, %dma_wait3A_63] : memref<90x112xi32, #tpu.memory_space<vmem>> -> memref<1x112xi32, #tpu.memory_space<vmem>>
        %dma_wait3A_65 = tpu.memref_squeeze %dma_wait3A_64 : memref<1x112xi32, #tpu.memory_space<vmem>> -> memref<112xi32, #tpu.memory_space<vmem>>
        %dma_wait3A_66 = arith.constant 0 : i32
        %dma_wait3A_67 = arith.constant 0 : i32
        %dma_wait3A_68 = tpu.memref_slice %arg11[%dma_wait3A_66, %dma_wait3A_67] : memref<10016x8xf32, #tpu.memory_space<vmem_shared>> -> memref<10016x8xf32, #tpu.memory_space<vmem_shared>>
        tpu.wait_indirect_dma semaphore(%run_scoped3A : memref<!tpu.dma_semaphore, #tpu.memory_space<semaphore_mem>>) src(%arg9 : memref<112x8xf32, #tpu.memory_space<vmem>>) dst(%dma_wait3A_68 : memref<10016x8xf32, #tpu.memory_space<vmem_shared>>)
        tpu.yield
      }) : () -> ()
      %mul3A_40 = arith.constant 2 : i32
      %mul3A_41 = arith.muli %mul3A_40, %while3A_26 : i32
      %add3A_42 = arith.constant 1 : i32
      %add3A_43 = arith.addi %mul3A_41, %add3A_42 : i32
      %add3A_44 = arith.constant 1 : i32
      %add3A_45 = arith.addi %add3A_43, %add3A_44 : i32
      %lt3A_46 = arith.constant 90 : i32
      %lt3A_47 = arith.cmpi slt, %add3A_45, %lt3A_46 : i32
      %convert_element_type3A_48 = arith.extui %lt3A_47 : i1 to i32
      %cond3A_49 = arith.constant 0 : i32
      %cond3A_50 = arith.cmpi ne, %convert_element_type3A_48, %cond3A_49 : i32
      scf.if %cond3A_50 {
        %add3A_57 = arith.constant 1 : i32
        %add3A_58 = arith.addi %add3A_43, %add3A_57 : i32
        %dma_start3A_59 = arith.constant 0 : i32
        %dma_start3A_60 = tpu.memref_slice %arg7[%add3A_58, %dma_start3A_59] : memref<90x112xi32, #tpu.memory_space<vmem>> -> memref<1x112xi32, #tpu.memory_space<vmem>>
        %dma_start3A_61 = tpu.memref_squeeze %dma_start3A_60 : memref<1x112xi32, #tpu.memory_space<vmem>> -> memref<112xi32, #tpu.memory_space<vmem>>
        %dma_start3A_62 = arith.constant 0 : i32
        %dma_start3A_63 = arith.constant 0 : i32
        %dma_start3A_64 = tpu.memref_slice %arg4[%dma_start3A_62, %dma_start3A_63] : memref<10000x8xf32, #tpu.memory_space<hbm>> -> memref<10000x8xf32, #tpu.memory_space<hbm>>
        tpu.enqueue_indirect_dma source(%dma_start3A_64 : memref<10000x8xf32, #tpu.memory_space<hbm>>) target(%arg9 : memref<112x8xf32, #tpu.memory_space<vmem>>) offsets(%dma_start3A_61 : memref<112xi32, #tpu.memory_space<vmem>>) semaphore(%arg12 : memref<!tpu.dma_semaphore, #tpu.memory_space<semaphore_mem>>)
      } else {
      }
      %dma_wait3A_51 = arith.constant 0 : i32
      %dma_wait3A_52 = tpu.memref_slice %arg7[%add3A_43, %dma_wait3A_51] : memref<90x112xi32, #tpu.memory_space<vmem>> -> memref<1x112xi32, #tpu.memory_space<vmem>>
      %dma_wait3A_53 = tpu.memref_squeeze %dma_wait3A_52 : memref<1x112xi32, #tpu.memory_space<vmem>> -> memref<112xi32, #tpu.memory_space<vmem>>
      %dma_wait3A_54 = arith.constant 0 : i32
      %dma_wait3A_55 = arith.constant 0 : i32
      %dma_wait3A_56 = tpu.memref_slice %arg4[%dma_wait3A_54, %dma_wait3A_55] : memref<10000x8xf32, #tpu.memory_space<hbm>> -> memref<10000x8xf32, #tpu.memory_space<hbm>>
      tpu.wait_indirect_dma semaphore(%arg13 : memref<!tpu.dma_semaphore, #tpu.memory_space<semaphore_mem>>) src(%dma_wait3A_56 : memref<10000x8xf32, #tpu.memory_space<hbm>>) dst(%arg10 : memref<112x8xf32, #tpu.memory_space<vmem>>)
      "tpu.region"() ({
        %run_scoped3A = tpu.sem_alloc : memref<!tpu.dma_semaphore, #tpu.memory_space<semaphore_mem>>
        %dma_start3A_57 = arith.constant 0 : i32
        %dma_start3A_58 = tpu.memref_slice %arg8[%add3A_43, %dma_start3A_57] : memref<90x112xi32, #tpu.memory_space<vmem>> -> memref<1x112xi32, #tpu.memory_space<vmem>>
        %dma_start3A_59 = tpu.memref_squeeze %dma_start3A_58 : memref<1x112xi32, #tpu.memory_space<vmem>> -> memref<112xi32, #tpu.memory_space<vmem>>
        %dma_start3A_60 = arith.constant 0 : i32
        %dma_start3A_61 = arith.constant 0 : i32
        %dma_start3A_62 = tpu.memref_slice %arg11[%dma_start3A_60, %dma_start3A_61] : memref<10016x8xf32, #tpu.memory_space<vmem_shared>> -> memref<10016x8xf32, #tpu.memory_space<vmem_shared>>
        tpu.enqueue_indirect_dma source(%arg10 : memref<112x8xf32, #tpu.memory_space<vmem>>) target(%dma_start3A_62 : memref<10016x8xf32, #tpu.memory_space<vmem_shared>>) offsets(%dma_start3A_59 : memref<112xi32, #tpu.memory_space<vmem>>) semaphore(%run_scoped3A : memref<!tpu.dma_semaphore, #tpu.memory_space<semaphore_mem>>) {add = true}
        %dma_wait3A_63 = arith.constant 0 : i32
        %dma_wait3A_64 = tpu.memref_slice %arg8[%add3A_43, %dma_wait3A_63] : memref<90x112xi32, #tpu.memory_space<vmem>> -> memref<1x112xi32, #tpu.memory_space<vmem>>
        %dma_wait3A_65 = tpu.memref_squeeze %dma_wait3A_64 : memref<1x112xi32, #tpu.memory_space<vmem>> -> memref<112xi32, #tpu.memory_space<vmem>>
        %dma_wait3A_66 = arith.constant 0 : i32
        %dma_wait3A_67 = arith.constant 0 : i32
        %dma_wait3A_68 = tpu.memref_slice %arg11[%dma_wait3A_66, %dma_wait3A_67] : memref<10016x8xf32, #tpu.memory_space<vmem_shared>> -> memref<10016x8xf32, #tpu.memory_space<vmem_shared>>
        tpu.wait_indirect_dma semaphore(%run_scoped3A : memref<!tpu.dma_semaphore, #tpu.memory_space<semaphore_mem>>) src(%arg10 : memref<112x8xf32, #tpu.memory_space<vmem>>) dst(%dma_wait3A_68 : memref<10016x8xf32, #tpu.memory_space<vmem_shared>>)
        tpu.yield
      }) : () -> ()
    }
    %while3A_20 = arith.constant 1 : i32
    scf.for %while3A_26 = %while3A_18 to %while3A_14 step %while3A_20  : i32 {
      %mul3A_27 = arith.constant 2 : i32
      %mul3A_28 = arith.muli %mul3A_27, %while3A_26 : i32
      %add3A_29 = arith.constant 0 : i32
      %add3A_30 = arith.addi %mul3A_28, %add3A_29 : i32
      %add3A_31 = arith.constant 1 : i32
      %add3A_32 = arith.addi %add3A_30, %add3A_31 : i32
      %lt3A = arith.constant 90 : i32
      %lt3A_33 = arith.cmpi slt, %add3A_32, %lt3A : i32
      %convert_element_type3A = arith.extui %lt3A_33 : i1 to i32
      %cond3A = arith.constant 0 : i32
      %cond3A_34 = arith.cmpi ne, %convert_element_type3A, %cond3A : i32
      scf.if %cond3A_34 {
        %add3A_57 = arith.constant 1 : i32
        %add3A_58 = arith.addi %add3A_30, %add3A_57 : i32
        %dma_start3A_59 = arith.constant 0 : i32
        %dma_start3A_60 = tpu.memref_slice %arg7[%add3A_58, %dma_start3A_59] : memref<90x112xi32, #tpu.memory_space<vmem>> -> memref<1x112xi32, #tpu.memory_space<vmem>>
        %dma_start3A_61 = tpu.memref_squeeze %dma_start3A_60 : memref<1x112xi32, #tpu.memory_space<vmem>> -> memref<112xi32, #tpu.memory_space<vmem>>
        %dma_start3A_62 = arith.constant 0 : i32
        %dma_start3A_63 = arith.constant 0 : i32
        %dma_start3A_64 = tpu.memref_slice %arg4[%dma_start3A_62, %dma_start3A_63] : memref<10000x8xf32, #tpu.memory_space<hbm>> -> memref<10000x8xf32, #tpu.memory_space<hbm>>
        tpu.enqueue_indirect_dma source(%dma_start3A_64 : memref<10000x8xf32, #tpu.memory_space<hbm>>) target(%arg10 : memref<112x8xf32, #tpu.memory_space<vmem>>) offsets(%dma_start3A_61 : memref<112xi32, #tpu.memory_space<vmem>>) semaphore(%arg13 : memref<!tpu.dma_semaphore, #tpu.memory_space<semaphore_mem>>)
      } else {
      }
      %dma_wait3A = arith.constant 0 : i32
      %dma_wait3A_35 = tpu.memref_slice %arg7[%add3A_30, %dma_wait3A] : memref<90x112xi32, #tpu.memory_space<vmem>> -> memref<1x112xi32, #tpu.memory_space<vmem>>
      %dma_wait3A_36 = tpu.memref_squeeze %dma_wait3A_35 : memref<1x112xi32, #tpu.memory_space<vmem>> -> memref<112xi32, #tpu.memory_space<vmem>>
      %dma_wait3A_37 = arith.constant 0 : i32
      %dma_wait3A_38 = arith.constant 0 : i32
      %dma_wait3A_39 = tpu.memref_slice %arg4[%dma_wait3A_37, %dma_wait3A_38] : memref<10000x8xf32, #tpu.memory_space<hbm>> -> memref<10000x8xf32, #tpu.memory_space<hbm>>
      tpu.wait_indirect_dma semaphore(%arg12 : memref<!tpu.dma_semaphore, #tpu.memory_space<semaphore_mem>>) src(%dma_wait3A_39 : memref<10000x8xf32, #tpu.memory_space<hbm>>) dst(%arg9 : memref<112x8xf32, #tpu.memory_space<vmem>>)
      "tpu.region"() ({
        %run_scoped3A = tpu.sem_alloc : memref<!tpu.dma_semaphore, #tpu.memory_space<semaphore_mem>>
        %dma_start3A_57 = arith.constant 0 : i32
        %dma_start3A_58 = tpu.memref_slice %arg8[%add3A_30, %dma_start3A_57] : memref<90x112xi32, #tpu.memory_space<vmem>> -> memref<1x112xi32, #tpu.memory_space<vmem>>
        %dma_start3A_59 = tpu.memref_squeeze %dma_start3A_58 : memref<1x112xi32, #tpu.memory_space<vmem>> -> memref<112xi32, #tpu.memory_space<vmem>>
        %dma_start3A_60 = arith.constant 0 : i32
        %dma_start3A_61 = arith.constant 0 : i32
        %dma_start3A_62 = tpu.memref_slice %arg11[%dma_start3A_60, %dma_start3A_61] : memref<10016x8xf32, #tpu.memory_space<vmem_shared>> -> memref<10016x8xf32, #tpu.memory_space<vmem_shared>>
        tpu.enqueue_indirect_dma source(%arg9 : memref<112x8xf32, #tpu.memory_space<vmem>>) target(%dma_start3A_62 : memref<10016x8xf32, #tpu.memory_space<vmem_shared>>) offsets(%dma_start3A_59 : memref<112xi32, #tpu.memory_space<vmem>>) semaphore(%run_scoped3A : memref<!tpu.dma_semaphore, #tpu.memory_space<semaphore_mem>>) {add = true}
        %dma_wait3A_63 = arith.constant 0 : i32
        %dma_wait3A_64 = tpu.memref_slice %arg8[%add3A_30, %dma_wait3A_63] : memref<90x112xi32, #tpu.memory_space<vmem>> -> memref<1x112xi32, #tpu.memory_space<vmem>>
        %dma_wait3A_65 = tpu.memref_squeeze %dma_wait3A_64 : memref<1x112xi32, #tpu.memory_space<vmem>> -> memref<112xi32, #tpu.memory_space<vmem>>
        %dma_wait3A_66 = arith.constant 0 : i32
        %dma_wait3A_67 = arith.constant 0 : i32
        %dma_wait3A_68 = tpu.memref_slice %arg11[%dma_wait3A_66, %dma_wait3A_67] : memref<10016x8xf32, #tpu.memory_space<vmem_shared>> -> memref<10016x8xf32, #tpu.memory_space<vmem_shared>>
        tpu.wait_indirect_dma semaphore(%run_scoped3A : memref<!tpu.dma_semaphore, #tpu.memory_space<semaphore_mem>>) src(%arg9 : memref<112x8xf32, #tpu.memory_space<vmem>>) dst(%dma_wait3A_68 : memref<10016x8xf32, #tpu.memory_space<vmem_shared>>)
        tpu.yield
      }) : () -> ()
      %mul3A_40 = arith.constant 2 : i32
      %mul3A_41 = arith.muli %mul3A_40, %while3A_26 : i32
      %add3A_42 = arith.constant 1 : i32
      %add3A_43 = arith.addi %mul3A_41, %add3A_42 : i32
      %add3A_44 = arith.constant 1 : i32
      %add3A_45 = arith.addi %add3A_43, %add3A_44 : i32
      %lt3A_46 = arith.constant 90 : i32
      %lt3A_47 = arith.cmpi slt, %add3A_45, %lt3A_46 : i32
      %convert_element_type3A_48 = arith.extui %lt3A_47 : i1 to i32
      %cond3A_49 = arith.constant 0 : i32
      %cond3A_50 = arith.cmpi ne, %convert_element_type3A_48, %cond3A_49 : i32
      scf.if %cond3A_50 {
        %add3A_57 = arith.constant 1 : i32
        %add3A_58 = arith.addi %add3A_43, %add3A_57 : i32
        %dma_start3A_59 = arith.constant 0 : i32
        %dma_start3A_60 = tpu.memref_slice %arg7[%add3A_58, %dma_start3A_59] : memref<90x112xi32, #tpu.memory_space<vmem>> -> memref<1x112xi32, #tpu.memory_space<vmem>>
        %dma_start3A_61 = tpu.memref_squeeze %dma_start3A_60 : memref<1x112xi32, #tpu.memory_space<vmem>> -> memref<112xi32, #tpu.memory_space<vmem>>
        %dma_start3A_62 = arith.constant 0 : i32
        %dma_start3A_63 = arith.constant 0 : i32
        %dma_start3A_64 = tpu.memref_slice %arg4[%dma_start3A_62, %dma_start3A_63] : memref<10000x8xf32, #tpu.memory_space<hbm>> -> memref<10000x8xf32, #tpu.memory_space<hbm>>
        tpu.enqueue_indirect_dma source(%dma_start3A_64 : memref<10000x8xf32, #tpu.memory_space<hbm>>) target(%arg9 : memref<112x8xf32, #tpu.memory_space<vmem>>) offsets(%dma_start3A_61 : memref<112xi32, #tpu.memory_space<vmem>>) semaphore(%arg12 : memref<!tpu.dma_semaphore, #tpu.memory_space<semaphore_mem>>)
      } else {
      }
      %dma_wait3A_51 = arith.constant 0 : i32
      %dma_wait3A_52 = tpu.memref_slice %arg7[%add3A_43, %dma_wait3A_51] : memref<90x112xi32, #tpu.memory_space<vmem>> -> memref<1x112xi32, #tpu.memory_space<vmem>>
      %dma_wait3A_53 = tpu.memref_squeeze %dma_wait3A_52 : memref<1x112xi32, #tpu.memory_space<vmem>> -> memref<112xi32, #tpu.memory_space<vmem>>
      %dma_wait3A_54 = arith.constant 0 : i32
      %dma_wait3A_55 = arith.constant 0 : i32
      %dma_wait3A_56 = tpu.memref_slice %arg4[%dma_wait3A_54, %dma_wait3A_55] : memref<10000x8xf32, #tpu.memory_space<hbm>> -> memref<10000x8xf32, #tpu.memory_space<hbm>>
      tpu.wait_indirect_dma semaphore(%arg13 : memref<!tpu.dma_semaphore, #tpu.memory_space<semaphore_mem>>) src(%dma_wait3A_56 : memref<10000x8xf32, #tpu.memory_space<hbm>>) dst(%arg10 : memref<112x8xf32, #tpu.memory_space<vmem>>)
      "tpu.region"() ({
        %run_scoped3A = tpu.sem_alloc : memref<!tpu.dma_semaphore, #tpu.memory_space<semaphore_mem>>
        %dma_start3A_57 = arith.constant 0 : i32
        %dma_start3A_58 = tpu.memref_slice %arg8[%add3A_43, %dma_start3A_57] : memref<90x112xi32, #tpu.memory_space<vmem>> -> memref<1x112xi32, #tpu.memory_space<vmem>>
        %dma_start3A_59 = tpu.memref_squeeze %dma_start3A_58 : memref<1x112xi32, #tpu.memory_space<vmem>> -> memref<112xi32, #tpu.memory_space<vmem>>
        %dma_start3A_60 = arith.constant 0 : i32
        %dma_start3A_61 = arith.constant 0 : i32
        %dma_start3A_62 = tpu.memref_slice %arg11[%dma_start3A_60, %dma_start3A_61] : memref<10016x8xf32, #tpu.memory_space<vmem_shared>> -> memref<10016x8xf32, #tpu.memory_space<vmem_shared>>
        tpu.enqueue_indirect_dma source(%arg10 : memref<112x8xf32, #tpu.memory_space<vmem>>) target(%dma_start3A_62 : memref<10016x8xf32, #tpu.memory_space<vmem_shared>>) offsets(%dma_start3A_59 : memref<112xi32, #tpu.memory_space<vmem>>) semaphore(%run_scoped3A : memref<!tpu.dma_semaphore, #tpu.memory_space<semaphore_mem>>) {add = true}
        %dma_wait3A_63 = arith.constant 0 : i32
        %dma_wait3A_64 = tpu.memref_slice %arg8[%add3A_43, %dma_wait3A_63] : memref<90x112xi32, #tpu.memory_space<vmem>> -> memref<1x112xi32, #tpu.memory_space<vmem>>
        %dma_wait3A_65 = tpu.memref_squeeze %dma_wait3A_64 : memref<1x112xi32, #tpu.memory_space<vmem>> -> memref<112xi32, #tpu.memory_space<vmem>>
        %dma_wait3A_66 = arith.constant 0 : i32
        %dma_wait3A_67 = arith.constant 0 : i32
        %dma_wait3A_68 = tpu.memref_slice %arg11[%dma_wait3A_66, %dma_wait3A_67] : memref<10016x8xf32, #tpu.memory_space<vmem_shared>> -> memref<10016x8xf32, #tpu.memory_space<vmem_shared>>
        tpu.wait_indirect_dma semaphore(%run_scoped3A : memref<!tpu.dma_semaphore, #tpu.memory_space<semaphore_mem>>) src(%arg10 : memref<112x8xf32, #tpu.memory_space<vmem>>) dst(%dma_wait3A_68 : memref<10016x8xf32, #tpu.memory_space<vmem_shared>>)
        tpu.yield
      }) : () -> ()
    }
    %barrier3A_21 = arith.constant 0 : index
    tpu.barrier barrier_id(%barrier3A_21)
    %mul3A_22 = arith.constant 626 : i32
    %mul3A_23 = arith.muli %arg1, %mul3A_22 : i32
    %mul3A_24 = arith.constant 626 : i32
    %mul3A_25 = arith.muli %arg1, %mul3A_24 : i32
    "tpu.region"() ({
      %run_scoped3A = tpu.sem_alloc : memref<!tpu.dma_semaphore, #tpu.memory_space<semaphore_mem>>
      %dma_start3A_26 = arith.constant 0 : i32
      %dma_start3A_27 = tpu.memref_slice %arg6[%arg0, %mul3A_25, %dma_start3A_26] : memref<2x10016x8xf32, #tpu.memory_space<hbm>> -> memref<1x626x8xf32, #tpu.memory_space<hbm>>
      %dma_start3A_28 = tpu.memref_squeeze %dma_start3A_27 : memref<1x626x8xf32, #tpu.memory_space<hbm>> -> memref<626x8xf32, #tpu.memory_space<hbm>>
      %dma_start3A_29 = arith.constant 0 : i32
      %dma_start3A_30 = tpu.memref_slice %arg11[%mul3A_23, %dma_start3A_29] : memref<10016x8xf32, #tpu.memory_space<vmem_shared>> -> memref<626x8xf32, #tpu.memory_space<vmem_shared>>
      tpu.enqueue_dma source(%dma_start3A_30 : memref<626x8xf32, #tpu.memory_space<vmem_shared>>) target(%dma_start3A_28 : memref<626x8xf32, #tpu.memory_space<hbm>>) target_semaphore(%run_scoped3A : memref<!tpu.dma_semaphore, #tpu.memory_space<semaphore_mem>>)
      %dma_wait3A = arith.constant 0 : i32
      %dma_wait3A_31 = tpu.memref_slice %arg6[%arg0, %mul3A_25, %dma_wait3A] : memref<2x10016x8xf32, #tpu.memory_space<hbm>> -> memref<1x626x8xf32, #tpu.memory_space<hbm>>
      %dma_wait3A_32 = tpu.memref_squeeze %dma_wait3A_31 : memref<1x626x8xf32, #tpu.memory_space<hbm>> -> memref<626x8xf32, #tpu.memory_space<hbm>>
      %dma_wait3A_33 = arith.constant 0 : i32
      %dma_wait3A_34 = tpu.memref_slice %arg11[%mul3A_23, %dma_wait3A_33] : memref<10016x8xf32, #tpu.memory_space<vmem_shared>> -> memref<626x8xf32, #tpu.memory_space<vmem_shared>>
      tpu.wait_dma2 semaphore(%run_scoped3A : memref<!tpu.dma_semaphore, #tpu.memory_space<semaphore_mem>>) src(%dma_wait3A_34 : memref<626x8xf32, #tpu.memory_space<vmem_shared>>) dst(%dma_wait3A_32 : memref<626x8xf32, #tpu.memory_space<hbm>>)
      tpu.yield
    }) : () -> ()
    return
  }
}

#map = affine_map<(d0, d1) -> (0, 0, 0)>
#map1 = affine_map<(d0, d1) -> (0, 0)>
module attributes {stable_mosaic.version = 14 : i64} {
  func.func @deg(%arg0: i32, %arg1: i32, %arg2: memref<32x90x112xi32, #tpu.memory_space<hbm>>, %arg3: memref<112x8xf32, #tpu.memory_space<hbm>>, %arg4: memref<2x10016x8xf32, #tpu.memory_space<hbm>>, %arg5: memref<2x10016x8xf32, #tpu.memory_space<hbm>>, %arg6: memref<90x112xi32, #tpu.memory_space<vmem>>, %arg7: memref<112x8xf32, #tpu.memory_space<vmem>>, %arg8: memref<10016x8xf32, #tpu.memory_space<vmem_shared>>) attributes {dimension_semantics = [#tpu.dimension_semantics<core_parallel>, #tpu.dimension_semantics<subcore_parallel>], iteration_bounds = array<i64: 2, 16>, scalar_prefetch = 0 : i64, scratch_operands = 3 : i64, tpu.core_type = #tpu.core_type<sc_vector_subcore>, window_params = [{transform_indices = #map}, {transform_indices = #map1}, {transform_indices = #map}, {transform_indices = #map}]} {
    %mul3A = arith.constant 2 : i32
    %mul3A_0 = arith.muli %arg1, %mul3A : i32
    %add3A = arith.addi %mul3A_0, %arg0 : i32
    %mul3A_1 = arith.constant 626 : i32
    %mul3A_2 = arith.muli %arg1, %mul3A_1 : i32
    %mul3A_3 = arith.constant 626 : i32
    %mul3A_4 = arith.muli %arg1, %mul3A_3 : i32
    "tpu.region"() ({
      %run_scoped3A = tpu.sem_alloc : memref<!tpu.dma_semaphore, #tpu.memory_space<semaphore_mem>>
      %dma_start3A = arith.constant 0 : i32
      %dma_start3A_20 = tpu.memref_slice %arg8[%mul3A_4, %dma_start3A] : memref<10016x8xf32, #tpu.memory_space<vmem_shared>> -> memref<626x8xf32, #tpu.memory_space<vmem_shared>>
      %dma_start3A_21 = arith.constant 0 : i32
      %dma_start3A_22 = tpu.memref_slice %arg4[%arg0, %mul3A_2, %dma_start3A_21] : memref<2x10016x8xf32, #tpu.memory_space<hbm>> -> memref<1x626x8xf32, #tpu.memory_space<hbm>>
      %dma_start3A_23 = tpu.memref_squeeze %dma_start3A_22 : memref<1x626x8xf32, #tpu.memory_space<hbm>> -> memref<626x8xf32, #tpu.memory_space<hbm>>
      tpu.enqueue_dma source(%dma_start3A_23 : memref<626x8xf32, #tpu.memory_space<hbm>>) target(%dma_start3A_20 : memref<626x8xf32, #tpu.memory_space<vmem_shared>>) target_semaphore(%run_scoped3A : memref<!tpu.dma_semaphore, #tpu.memory_space<semaphore_mem>>)
      %dma_wait3A = arith.constant 0 : i32
      %dma_wait3A_24 = tpu.memref_slice %arg8[%mul3A_4, %dma_wait3A] : memref<10016x8xf32, #tpu.memory_space<vmem_shared>> -> memref<626x8xf32, #tpu.memory_space<vmem_shared>>
      %dma_wait3A_25 = arith.constant 0 : i32
      %dma_wait3A_26 = tpu.memref_slice %arg4[%arg0, %mul3A_2, %dma_wait3A_25] : memref<2x10016x8xf32, #tpu.memory_space<hbm>> -> memref<1x626x8xf32, #tpu.memory_space<hbm>>
      %dma_wait3A_27 = tpu.memref_squeeze %dma_wait3A_26 : memref<1x626x8xf32, #tpu.memory_space<hbm>> -> memref<626x8xf32, #tpu.memory_space<hbm>>
      tpu.wait_dma2 semaphore(%run_scoped3A : memref<!tpu.dma_semaphore, #tpu.memory_space<semaphore_mem>>) src(%dma_wait3A_27 : memref<626x8xf32, #tpu.memory_space<hbm>>) dst(%dma_wait3A_24 : memref<626x8xf32, #tpu.memory_space<vmem_shared>>)
      tpu.yield
    }) : () -> ()
    "tpu.region"() ({
      %run_scoped3A = tpu.sem_alloc : memref<!tpu.dma_semaphore, #tpu.memory_space<semaphore_mem>>
      %dma_start3A = arith.constant 0 : i32
      %dma_start3A_20 = arith.constant 0 : i32
      %dma_start3A_21 = tpu.memref_slice %arg2[%add3A, %dma_start3A, %dma_start3A_20] : memref<32x90x112xi32, #tpu.memory_space<hbm>> -> memref<1x90x112xi32, #tpu.memory_space<hbm>>
      %dma_start3A_22 = tpu.memref_squeeze %dma_start3A_21 : memref<1x90x112xi32, #tpu.memory_space<hbm>> -> memref<90x112xi32, #tpu.memory_space<hbm>>
      %dma_start3A_23 = arith.constant 0 : i32
      %dma_start3A_24 = arith.constant 0 : i32
      %dma_start3A_25 = tpu.memref_slice %arg2[%add3A, %dma_start3A_23, %dma_start3A_24] : memref<32x90x112xi32, #tpu.memory_space<hbm>> -> memref<1x90x112xi32, #tpu.memory_space<hbm>>
      %dma_start3A_26 = tpu.memref_squeeze %dma_start3A_25 : memref<1x90x112xi32, #tpu.memory_space<hbm>> -> memref<90x112xi32, #tpu.memory_space<hbm>>
      tpu.enqueue_dma source(%dma_start3A_26 : memref<90x112xi32, #tpu.memory_space<hbm>>) target(%arg6 : memref<90x112xi32, #tpu.memory_space<vmem>>) target_semaphore(%run_scoped3A : memref<!tpu.dma_semaphore, #tpu.memory_space<semaphore_mem>>)
      %dma_wait3A = arith.constant 0 : i32
      %dma_wait3A_27 = arith.constant 0 : i32
      %dma_wait3A_28 = tpu.memref_slice %arg2[%add3A, %dma_wait3A, %dma_wait3A_27] : memref<32x90x112xi32, #tpu.memory_space<hbm>> -> memref<1x90x112xi32, #tpu.memory_space<hbm>>
      %dma_wait3A_29 = tpu.memref_squeeze %dma_wait3A_28 : memref<1x90x112xi32, #tpu.memory_space<hbm>> -> memref<90x112xi32, #tpu.memory_space<hbm>>
      %dma_wait3A_30 = arith.constant 0 : i32
      %dma_wait3A_31 = arith.constant 0 : i32
      %dma_wait3A_32 = tpu.memref_slice %arg2[%add3A, %dma_wait3A_30, %dma_wait3A_31] : memref<32x90x112xi32, #tpu.memory_space<hbm>> -> memref<1x90x112xi32, #tpu.memory_space<hbm>>
      %dma_wait3A_33 = tpu.memref_squeeze %dma_wait3A_32 : memref<1x90x112xi32, #tpu.memory_space<hbm>> -> memref<90x112xi32, #tpu.memory_space<hbm>>
      tpu.wait_dma2 semaphore(%run_scoped3A : memref<!tpu.dma_semaphore, #tpu.memory_space<semaphore_mem>>) src(%dma_wait3A_33 : memref<90x112xi32, #tpu.memory_space<hbm>>) dst(%arg6 : memref<90x112xi32, #tpu.memory_space<vmem>>)
      tpu.yield
    }) : () -> ()
    "tpu.region"() ({
      %run_scoped3A = tpu.sem_alloc : memref<!tpu.dma_semaphore, #tpu.memory_space<semaphore_mem>>
      tpu.enqueue_dma source(%arg3 : memref<112x8xf32, #tpu.memory_space<hbm>>) target(%arg7 : memref<112x8xf32, #tpu.memory_space<vmem>>) target_semaphore(%run_scoped3A : memref<!tpu.dma_semaphore, #tpu.memory_space<semaphore_mem>>)
      tpu.wait_dma2 semaphore(%run_scoped3A : memref<!tpu.dma_semaphore, #tpu.memory_space<semaphore_mem>>) src(%arg3 : memref<112x8xf32, #tpu.memory_space<hbm>>) dst(%arg7 : memref<112x8xf32, #tpu.memory_space<vmem>>)
      tpu.yield
    }) : () -> ()
    %barrier3A = arith.constant 0 : index
    tpu.barrier barrier_id(%barrier3A)
    %while3A = arith.constant 0 : i32
    %while3A_5 = arith.constant 0 : i32
    %while3A_6 = arith.constant 90 : i32
    %while3A_7 = arith.subi %while3A_6, %while3A_5 : i32
    %while3A_8 = arith.addi %while3A_5, %while3A_7 : i32
    %while3A_9 = arith.constant 1 : i32
    %while3A_10 = arith.divsi %while3A_7, %while3A_9 : i32
    %while3A_11 = arith.muli %while3A_10, %while3A_9 : i32
    %while3A_12 = arith.addi %while3A_5, %while3A_11 : i32
    %while3A_13 = arith.constant 1 : i32
    scf.for %while3A_20 = %while3A_5 to %while3A_12 step %while3A_13  : i32 {
      "tpu.region"() ({
        %run_scoped3A = tpu.sem_alloc : memref<!tpu.dma_semaphore, #tpu.memory_space<semaphore_mem>>
        %dma_start3A = arith.constant 0 : i32
        %dma_start3A_21 = tpu.memref_slice %arg6[%while3A_20, %dma_start3A] : memref<90x112xi32, #tpu.memory_space<vmem>> -> memref<1x112xi32, #tpu.memory_space<vmem>>
        %dma_start3A_22 = tpu.memref_squeeze %dma_start3A_21 : memref<1x112xi32, #tpu.memory_space<vmem>> -> memref<112xi32, #tpu.memory_space<vmem>>
        %dma_start3A_23 = arith.constant 0 : i32
        %dma_start3A_24 = arith.constant 0 : i32
        %dma_start3A_25 = tpu.memref_slice %arg8[%dma_start3A_23, %dma_start3A_24] : memref<10016x8xf32, #tpu.memory_space<vmem_shared>> -> memref<10016x8xf32, #tpu.memory_space<vmem_shared>>
        tpu.enqueue_indirect_dma source(%arg7 : memref<112x8xf32, #tpu.memory_space<vmem>>) target(%dma_start3A_25 : memref<10016x8xf32, #tpu.memory_space<vmem_shared>>) offsets(%dma_start3A_22 : memref<112xi32, #tpu.memory_space<vmem>>) semaphore(%run_scoped3A : memref<!tpu.dma_semaphore, #tpu.memory_space<semaphore_mem>>) {add = true}
        %dma_wait3A = arith.constant 0 : i32
        %dma_wait3A_26 = tpu.memref_slice %arg6[%while3A_20, %dma_wait3A] : memref<90x112xi32, #tpu.memory_space<vmem>> -> memref<1x112xi32, #tpu.memory_space<vmem>>
        %dma_wait3A_27 = tpu.memref_squeeze %dma_wait3A_26 : memref<1x112xi32, #tpu.memory_space<vmem>> -> memref<112xi32, #tpu.memory_space<vmem>>
        %dma_wait3A_28 = arith.constant 0 : i32
        %dma_wait3A_29 = arith.constant 0 : i32
        %dma_wait3A_30 = tpu.memref_slice %arg8[%dma_wait3A_28, %dma_wait3A_29] : memref<10016x8xf32, #tpu.memory_space<vmem_shared>> -> memref<10016x8xf32, #tpu.memory_space<vmem_shared>>
        tpu.wait_indirect_dma semaphore(%run_scoped3A : memref<!tpu.dma_semaphore, #tpu.memory_space<semaphore_mem>>) src(%arg7 : memref<112x8xf32, #tpu.memory_space<vmem>>) dst(%dma_wait3A_30 : memref<10016x8xf32, #tpu.memory_space<vmem_shared>>)
        tpu.yield
      }) : () -> ()
    }
    %while3A_14 = arith.constant 1 : i32
    scf.for %while3A_20 = %while3A_12 to %while3A_8 step %while3A_14  : i32 {
      "tpu.region"() ({
        %run_scoped3A = tpu.sem_alloc : memref<!tpu.dma_semaphore, #tpu.memory_space<semaphore_mem>>
        %dma_start3A = arith.constant 0 : i32
        %dma_start3A_21 = tpu.memref_slice %arg6[%while3A_20, %dma_start3A] : memref<90x112xi32, #tpu.memory_space<vmem>> -> memref<1x112xi32, #tpu.memory_space<vmem>>
        %dma_start3A_22 = tpu.memref_squeeze %dma_start3A_21 : memref<1x112xi32, #tpu.memory_space<vmem>> -> memref<112xi32, #tpu.memory_space<vmem>>
        %dma_start3A_23 = arith.constant 0 : i32
        %dma_start3A_24 = arith.constant 0 : i32
        %dma_start3A_25 = tpu.memref_slice %arg8[%dma_start3A_23, %dma_start3A_24] : memref<10016x8xf32, #tpu.memory_space<vmem_shared>> -> memref<10016x8xf32, #tpu.memory_space<vmem_shared>>
        tpu.enqueue_indirect_dma source(%arg7 : memref<112x8xf32, #tpu.memory_space<vmem>>) target(%dma_start3A_25 : memref<10016x8xf32, #tpu.memory_space<vmem_shared>>) offsets(%dma_start3A_22 : memref<112xi32, #tpu.memory_space<vmem>>) semaphore(%run_scoped3A : memref<!tpu.dma_semaphore, #tpu.memory_space<semaphore_mem>>) {add = true}
        %dma_wait3A = arith.constant 0 : i32
        %dma_wait3A_26 = tpu.memref_slice %arg6[%while3A_20, %dma_wait3A] : memref<90x112xi32, #tpu.memory_space<vmem>> -> memref<1x112xi32, #tpu.memory_space<vmem>>
        %dma_wait3A_27 = tpu.memref_squeeze %dma_wait3A_26 : memref<1x112xi32, #tpu.memory_space<vmem>> -> memref<112xi32, #tpu.memory_space<vmem>>
        %dma_wait3A_28 = arith.constant 0 : i32
        %dma_wait3A_29 = arith.constant 0 : i32
        %dma_wait3A_30 = tpu.memref_slice %arg8[%dma_wait3A_28, %dma_wait3A_29] : memref<10016x8xf32, #tpu.memory_space<vmem_shared>> -> memref<10016x8xf32, #tpu.memory_space<vmem_shared>>
        tpu.wait_indirect_dma semaphore(%run_scoped3A : memref<!tpu.dma_semaphore, #tpu.memory_space<semaphore_mem>>) src(%arg7 : memref<112x8xf32, #tpu.memory_space<vmem>>) dst(%dma_wait3A_30 : memref<10016x8xf32, #tpu.memory_space<vmem_shared>>)
        tpu.yield
      }) : () -> ()
    }
    %barrier3A_15 = arith.constant 0 : index
    tpu.barrier barrier_id(%barrier3A_15)
    %mul3A_16 = arith.constant 626 : i32
    %mul3A_17 = arith.muli %arg1, %mul3A_16 : i32
    %mul3A_18 = arith.constant 626 : i32
    %mul3A_19 = arith.muli %arg1, %mul3A_18 : i32
    "tpu.region"() ({
      %run_scoped3A = tpu.sem_alloc : memref<!tpu.dma_semaphore, #tpu.memory_space<semaphore_mem>>
      %dma_start3A = arith.constant 0 : i32
      %dma_start3A_20 = tpu.memref_slice %arg5[%arg0, %mul3A_19, %dma_start3A] : memref<2x10016x8xf32, #tpu.memory_space<hbm>> -> memref<1x626x8xf32, #tpu.memory_space<hbm>>
      %dma_start3A_21 = tpu.memref_squeeze %dma_start3A_20 : memref<1x626x8xf32, #tpu.memory_space<hbm>> -> memref<626x8xf32, #tpu.memory_space<hbm>>
      %dma_start3A_22 = arith.constant 0 : i32
      %dma_start3A_23 = tpu.memref_slice %arg8[%mul3A_17, %dma_start3A_22] : memref<10016x8xf32, #tpu.memory_space<vmem_shared>> -> memref<626x8xf32, #tpu.memory_space<vmem_shared>>
      tpu.enqueue_dma source(%dma_start3A_23 : memref<626x8xf32, #tpu.memory_space<vmem_shared>>) target(%dma_start3A_21 : memref<626x8xf32, #tpu.memory_space<hbm>>) target_semaphore(%run_scoped3A : memref<!tpu.dma_semaphore, #tpu.memory_space<semaphore_mem>>)
      %dma_wait3A = arith.constant 0 : i32
      %dma_wait3A_24 = tpu.memref_slice %arg5[%arg0, %mul3A_19, %dma_wait3A] : memref<2x10016x8xf32, #tpu.memory_space<hbm>> -> memref<1x626x8xf32, #tpu.memory_space<hbm>>
      %dma_wait3A_25 = tpu.memref_squeeze %dma_wait3A_24 : memref<1x626x8xf32, #tpu.memory_space<hbm>> -> memref<626x8xf32, #tpu.memory_space<hbm>>
      %dma_wait3A_26 = arith.constant 0 : i32
      %dma_wait3A_27 = tpu.memref_slice %arg8[%mul3A_17, %dma_wait3A_26] : memref<10016x8xf32, #tpu.memory_space<vmem_shared>> -> memref<626x8xf32, #tpu.memory_space<vmem_shared>>
      tpu.wait_dma2 semaphore(%run_scoped3A : memref<!tpu.dma_semaphore, #tpu.memory_space<semaphore_mem>>) src(%dma_wait3A_27 : memref<626x8xf32, #tpu.memory_space<vmem_shared>>) dst(%dma_wait3A_25 : memref<626x8xf32, #tpu.memory_space<hbm>>)
      tpu.yield
    }) : () -> ()
    return
  }
}

#map = affine_map<(d0, d1) -> (0, 0, 0)>
#map1 = affine_map<(d0, d1) -> (0, 0)>
module attributes {stable_mosaic.version = 14 : i64} {
  func.func @seg(%arg0: i32, %arg1: i32, %arg2: memref<32x90x112xi32, #tpu.memory_space<hbm>>, %arg3: memref<32x90x112xi32, #tpu.memory_space<hbm>>, %arg4: memref<10000x128xf32, #tpu.memory_space<hbm>>, %arg5: memref<2x10016x128xf32, #tpu.memory_space<hbm>>, %arg6: memref<2x10016x128xf32, #tpu.memory_space<hbm>>, %arg7: memref<90x112xi32, #tpu.memory_space<vmem>>, %arg8: memref<90x112xi32, #tpu.memory_space<vmem>>, %arg9: memref<112x128xf32, #tpu.memory_space<vmem>>, %arg10: memref<112x128xf32, #tpu.memory_space<vmem>>, %arg11: memref<10016x128xf32, #tpu.memory_space<vmem_shared>>, %arg12: memref<!tpu.dma_semaphore, #tpu.memory_space<semaphore_mem>>, %arg13: memref<!tpu.dma_semaphore, #tpu.memory_space<semaphore_mem>>) attributes {dimension_semantics = [#tpu.dimension_semantics<core_parallel>, #tpu.dimension_semantics<subcore_parallel>], iteration_bounds = array<i64: 2, 16>, scalar_prefetch = 0 : i64, scratch_operands = 7 : i64, tpu.core_type = #tpu.core_type<sc_vector_subcore>, window_params = [{transform_indices = #map}, {transform_indices = #map}, {transform_indices = #map1}, {transform_indices = #map}, {transform_indices = #map}]} {
    %mul3A = arith.constant 2 : i32
    %mul3A_0 = arith.muli %arg1, %mul3A : i32
    %add3A = arith.addi %mul3A_0, %arg0 : i32
    %mul3A_1 = arith.constant 626 : i32
    %mul3A_2 = arith.muli %arg1, %mul3A_1 : i32
    %mul3A_3 = arith.constant 626 : i32
    %mul3A_4 = arith.muli %arg1, %mul3A_3 : i32
    "tpu.region"() ({
      %run_scoped3A = tpu.sem_alloc : memref<!tpu.dma_semaphore, #tpu.memory_space<semaphore_mem>>
      %dma_start3A_26 = arith.constant 0 : i32
      %dma_start3A_27 = tpu.memref_slice %arg11[%mul3A_4, %dma_start3A_26] : memref<10016x128xf32, #tpu.memory_space<vmem_shared>> -> memref<626x128xf32, #tpu.memory_space<vmem_shared>>
      %dma_start3A_28 = arith.constant 0 : i32
      %dma_start3A_29 = tpu.memref_slice %arg5[%arg0, %mul3A_2, %dma_start3A_28] : memref<2x10016x128xf32, #tpu.memory_space<hbm>> -> memref<1x626x128xf32, #tpu.memory_space<hbm>>
      %dma_start3A_30 = tpu.memref_squeeze %dma_start3A_29 : memref<1x626x128xf32, #tpu.memory_space<hbm>> -> memref<626x128xf32, #tpu.memory_space<hbm>>
      tpu.enqueue_dma source(%dma_start3A_30 : memref<626x128xf32, #tpu.memory_space<hbm>>) target(%dma_start3A_27 : memref<626x128xf32, #tpu.memory_space<vmem_shared>>) target_semaphore(%run_scoped3A : memref<!tpu.dma_semaphore, #tpu.memory_space<semaphore_mem>>)
      %dma_wait3A = arith.constant 0 : i32
      %dma_wait3A_31 = tpu.memref_slice %arg11[%mul3A_4, %dma_wait3A] : memref<10016x128xf32, #tpu.memory_space<vmem_shared>> -> memref<626x128xf32, #tpu.memory_space<vmem_shared>>
      %dma_wait3A_32 = arith.constant 0 : i32
      %dma_wait3A_33 = tpu.memref_slice %arg5[%arg0, %mul3A_2, %dma_wait3A_32] : memref<2x10016x128xf32, #tpu.memory_space<hbm>> -> memref<1x626x128xf32, #tpu.memory_space<hbm>>
      %dma_wait3A_34 = tpu.memref_squeeze %dma_wait3A_33 : memref<1x626x128xf32, #tpu.memory_space<hbm>> -> memref<626x128xf32, #tpu.memory_space<hbm>>
      tpu.wait_dma2 semaphore(%run_scoped3A : memref<!tpu.dma_semaphore, #tpu.memory_space<semaphore_mem>>) src(%dma_wait3A_34 : memref<626x128xf32, #tpu.memory_space<hbm>>) dst(%dma_wait3A_31 : memref<626x128xf32, #tpu.memory_space<vmem_shared>>)
      tpu.yield
    }) : () -> ()
    "tpu.region"() ({
      %run_scoped3A = tpu.sem_alloc : memref<!tpu.dma_semaphore, #tpu.memory_space<semaphore_mem>>
      %dma_start3A_26 = arith.constant 0 : i32
      %dma_start3A_27 = arith.constant 0 : i32
      %dma_start3A_28 = tpu.memref_slice %arg2[%add3A, %dma_start3A_26, %dma_start3A_27] : memref<32x90x112xi32, #tpu.memory_space<hbm>> -> memref<1x90x112xi32, #tpu.memory_space<hbm>>
      %dma_start3A_29 = tpu.memref_squeeze %dma_start3A_28 : memref<1x90x112xi32, #tpu.memory_space<hbm>> -> memref<90x112xi32, #tpu.memory_space<hbm>>
      %dma_start3A_30 = arith.constant 0 : i32
      %dma_start3A_31 = arith.constant 0 : i32
      %dma_start3A_32 = tpu.memref_slice %arg2[%add3A, %dma_start3A_30, %dma_start3A_31] : memref<32x90x112xi32, #tpu.memory_space<hbm>> -> memref<1x90x112xi32, #tpu.memory_space<hbm>>
      %dma_start3A_33 = tpu.memref_squeeze %dma_start3A_32 : memref<1x90x112xi32, #tpu.memory_space<hbm>> -> memref<90x112xi32, #tpu.memory_space<hbm>>
      tpu.enqueue_dma source(%dma_start3A_33 : memref<90x112xi32, #tpu.memory_space<hbm>>) target(%arg7 : memref<90x112xi32, #tpu.memory_space<vmem>>) target_semaphore(%run_scoped3A : memref<!tpu.dma_semaphore, #tpu.memory_space<semaphore_mem>>)
      %dma_wait3A = arith.constant 0 : i32
      %dma_wait3A_34 = arith.constant 0 : i32
      %dma_wait3A_35 = tpu.memref_slice %arg2[%add3A, %dma_wait3A, %dma_wait3A_34] : memref<32x90x112xi32, #tpu.memory_space<hbm>> -> memref<1x90x112xi32, #tpu.memory_space<hbm>>
      %dma_wait3A_36 = tpu.memref_squeeze %dma_wait3A_35 : memref<1x90x112xi32, #tpu.memory_space<hbm>> -> memref<90x112xi32, #tpu.memory_space<hbm>>
      %dma_wait3A_37 = arith.constant 0 : i32
      %dma_wait3A_38 = arith.constant 0 : i32
      %dma_wait3A_39 = tpu.memref_slice %arg2[%add3A, %dma_wait3A_37, %dma_wait3A_38] : memref<32x90x112xi32, #tpu.memory_space<hbm>> -> memref<1x90x112xi32, #tpu.memory_space<hbm>>
      %dma_wait3A_40 = tpu.memref_squeeze %dma_wait3A_39 : memref<1x90x112xi32, #tpu.memory_space<hbm>> -> memref<90x112xi32, #tpu.memory_space<hbm>>
      tpu.wait_dma2 semaphore(%run_scoped3A : memref<!tpu.dma_semaphore, #tpu.memory_space<semaphore_mem>>) src(%dma_wait3A_40 : memref<90x112xi32, #tpu.memory_space<hbm>>) dst(%arg7 : memref<90x112xi32, #tpu.memory_space<vmem>>)
      tpu.yield
    }) : () -> ()
    "tpu.region"() ({
      %run_scoped3A = tpu.sem_alloc : memref<!tpu.dma_semaphore, #tpu.memory_space<semaphore_mem>>
      %dma_start3A_26 = arith.constant 0 : i32
      %dma_start3A_27 = arith.constant 0 : i32
      %dma_start3A_28 = tpu.memref_slice %arg3[%add3A, %dma_start3A_26, %dma_start3A_27] : memref<32x90x112xi32, #tpu.memory_space<hbm>> -> memref<1x90x112xi32, #tpu.memory_space<hbm>>
      %dma_start3A_29 = tpu.memref_squeeze %dma_start3A_28 : memref<1x90x112xi32, #tpu.memory_space<hbm>> -> memref<90x112xi32, #tpu.memory_space<hbm>>
      %dma_start3A_30 = arith.constant 0 : i32
      %dma_start3A_31 = arith.constant 0 : i32
      %dma_start3A_32 = tpu.memref_slice %arg3[%add3A, %dma_start3A_30, %dma_start3A_31] : memref<32x90x112xi32, #tpu.memory_space<hbm>> -> memref<1x90x112xi32, #tpu.memory_space<hbm>>
      %dma_start3A_33 = tpu.memref_squeeze %dma_start3A_32 : memref<1x90x112xi32, #tpu.memory_space<hbm>> -> memref<90x112xi32, #tpu.memory_space<hbm>>
      tpu.enqueue_dma source(%dma_start3A_33 : memref<90x112xi32, #tpu.memory_space<hbm>>) target(%arg8 : memref<90x112xi32, #tpu.memory_space<vmem>>) target_semaphore(%run_scoped3A : memref<!tpu.dma_semaphore, #tpu.memory_space<semaphore_mem>>)
      %dma_wait3A = arith.constant 0 : i32
      %dma_wait3A_34 = arith.constant 0 : i32
      %dma_wait3A_35 = tpu.memref_slice %arg3[%add3A, %dma_wait3A, %dma_wait3A_34] : memref<32x90x112xi32, #tpu.memory_space<hbm>> -> memref<1x90x112xi32, #tpu.memory_space<hbm>>
      %dma_wait3A_36 = tpu.memref_squeeze %dma_wait3A_35 : memref<1x90x112xi32, #tpu.memory_space<hbm>> -> memref<90x112xi32, #tpu.memory_space<hbm>>
      %dma_wait3A_37 = arith.constant 0 : i32
      %dma_wait3A_38 = arith.constant 0 : i32
      %dma_wait3A_39 = tpu.memref_slice %arg3[%add3A, %dma_wait3A_37, %dma_wait3A_38] : memref<32x90x112xi32, #tpu.memory_space<hbm>> -> memref<1x90x112xi32, #tpu.memory_space<hbm>>
      %dma_wait3A_40 = tpu.memref_squeeze %dma_wait3A_39 : memref<1x90x112xi32, #tpu.memory_space<hbm>> -> memref<90x112xi32, #tpu.memory_space<hbm>>
      tpu.wait_dma2 semaphore(%run_scoped3A : memref<!tpu.dma_semaphore, #tpu.memory_space<semaphore_mem>>) src(%dma_wait3A_40 : memref<90x112xi32, #tpu.memory_space<hbm>>) dst(%arg8 : memref<90x112xi32, #tpu.memory_space<vmem>>)
      tpu.yield
    }) : () -> ()
    %barrier3A = arith.constant 0 : index
    tpu.barrier barrier_id(%barrier3A)
    %dma_start3A = arith.constant 0 : i32
    %dma_start3A_5 = arith.constant 0 : i32
    %dma_start3A_6 = tpu.memref_slice %arg7[%dma_start3A, %dma_start3A_5] : memref<90x112xi32, #tpu.memory_space<vmem>> -> memref<1x112xi32, #tpu.memory_space<vmem>>
    %dma_start3A_7 = tpu.memref_squeeze %dma_start3A_6 : memref<1x112xi32, #tpu.memory_space<vmem>> -> memref<112xi32, #tpu.memory_space<vmem>>
    %dma_start3A_8 = arith.constant 0 : i32
    %dma_start3A_9 = arith.constant 0 : i32
    %dma_start3A_10 = tpu.memref_slice %arg4[%dma_start3A_8, %dma_start3A_9] : memref<10000x128xf32, #tpu.memory_space<hbm>> -> memref<10000x128xf32, #tpu.memory_space<hbm>>
    tpu.enqueue_indirect_dma source(%dma_start3A_10 : memref<10000x128xf32, #tpu.memory_space<hbm>>) target(%arg9 : memref<112x128xf32, #tpu.memory_space<vmem>>) offsets(%dma_start3A_7 : memref<112xi32, #tpu.memory_space<vmem>>) semaphore(%arg12 : memref<!tpu.dma_semaphore, #tpu.memory_space<semaphore_mem>>)
    %while3A = arith.constant 0 : i32
    %while3A_11 = arith.constant 0 : i32
    %while3A_12 = arith.constant 45 : i32
    %while3A_13 = arith.subi %while3A_12, %while3A_11 : i32
    %while3A_14 = arith.addi %while3A_11, %while3A_13 : i32
    %while3A_15 = arith.constant 1 : i32
    %while3A_16 = arith.divsi %while3A_13, %while3A_15 : i32
    %while3A_17 = arith.muli %while3A_16, %while3A_15 : i32
    %while3A_18 = arith.addi %while3A_11, %while3A_17 : i32
    %while3A_19 = arith.constant 1 : i32
    scf.for %while3A_26 = %while3A_11 to %while3A_18 step %while3A_19  : i32 {
      %mul3A_27 = arith.constant 2 : i32
      %mul3A_28 = arith.muli %mul3A_27, %while3A_26 : i32
      %add3A_29 = arith.constant 0 : i32
      %add3A_30 = arith.addi %mul3A_28, %add3A_29 : i32
      %add3A_31 = arith.constant 1 : i32
      %add3A_32 = arith.addi %add3A_30, %add3A_31 : i32
      %lt3A = arith.constant 90 : i32
      %lt3A_33 = arith.cmpi slt, %add3A_32, %lt3A : i32
      %convert_element_type3A = arith.extui %lt3A_33 : i1 to i32
      %cond3A = arith.constant 0 : i32
      %cond3A_34 = arith.cmpi ne, %convert_element_type3A, %cond3A : i32
      scf.if %cond3A_34 {
        %add3A_57 = arith.constant 1 : i32
        %add3A_58 = arith.addi %add3A_30, %add3A_57 : i32
        %dma_start3A_59 = arith.constant 0 : i32
        %dma_start3A_60 = tpu.memref_slice %arg7[%add3A_58, %dma_start3A_59] : memref<90x112xi32, #tpu.memory_space<vmem>> -> memref<1x112xi32, #tpu.memory_space<vmem>>
        %dma_start3A_61 = tpu.memref_squeeze %dma_start3A_60 : memref<1x112xi32, #tpu.memory_space<vmem>> -> memref<112xi32, #tpu.memory_space<vmem>>
        %dma_start3A_62 = arith.constant 0 : i32
        %dma_start3A_63 = arith.constant 0 : i32
        %dma_start3A_64 = tpu.memref_slice %arg4[%dma_start3A_62, %dma_start3A_63] : memref<10000x128xf32, #tpu.memory_space<hbm>> -> memref<10000x128xf32, #tpu.memory_space<hbm>>
        tpu.enqueue_indirect_dma source(%dma_start3A_64 : memref<10000x128xf32, #tpu.memory_space<hbm>>) target(%arg10 : memref<112x128xf32, #tpu.memory_space<vmem>>) offsets(%dma_start3A_61 : memref<112xi32, #tpu.memory_space<vmem>>) semaphore(%arg13 : memref<!tpu.dma_semaphore, #tpu.memory_space<semaphore_mem>>)
      } else {
      }
      %dma_wait3A = arith.constant 0 : i32
      %dma_wait3A_35 = tpu.memref_slice %arg7[%add3A_30, %dma_wait3A] : memref<90x112xi32, #tpu.memory_space<vmem>> -> memref<1x112xi32, #tpu.memory_space<vmem>>
      %dma_wait3A_36 = tpu.memref_squeeze %dma_wait3A_35 : memref<1x112xi32, #tpu.memory_space<vmem>> -> memref<112xi32, #tpu.memory_space<vmem>>
      %dma_wait3A_37 = arith.constant 0 : i32
      %dma_wait3A_38 = arith.constant 0 : i32
      %dma_wait3A_39 = tpu.memref_slice %arg4[%dma_wait3A_37, %dma_wait3A_38] : memref<10000x128xf32, #tpu.memory_space<hbm>> -> memref<10000x128xf32, #tpu.memory_space<hbm>>
      tpu.wait_indirect_dma semaphore(%arg12 : memref<!tpu.dma_semaphore, #tpu.memory_space<semaphore_mem>>) src(%dma_wait3A_39 : memref<10000x128xf32, #tpu.memory_space<hbm>>) dst(%arg9 : memref<112x128xf32, #tpu.memory_space<vmem>>)
      "tpu.region"() ({
        %run_scoped3A = tpu.sem_alloc : memref<!tpu.dma_semaphore, #tpu.memory_space<semaphore_mem>>
        %dma_start3A_57 = arith.constant 0 : i32
        %dma_start3A_58 = tpu.memref_slice %arg8[%add3A_30, %dma_start3A_57] : memref<90x112xi32, #tpu.memory_space<vmem>> -> memref<1x112xi32, #tpu.memory_space<vmem>>
        %dma_start3A_59 = tpu.memref_squeeze %dma_start3A_58 : memref<1x112xi32, #tpu.memory_space<vmem>> -> memref<112xi32, #tpu.memory_space<vmem>>
        %dma_start3A_60 = arith.constant 0 : i32
        %dma_start3A_61 = arith.constant 0 : i32
        %dma_start3A_62 = tpu.memref_slice %arg11[%dma_start3A_60, %dma_start3A_61] : memref<10016x128xf32, #tpu.memory_space<vmem_shared>> -> memref<10016x128xf32, #tpu.memory_space<vmem_shared>>
        tpu.enqueue_indirect_dma source(%arg9 : memref<112x128xf32, #tpu.memory_space<vmem>>) target(%dma_start3A_62 : memref<10016x128xf32, #tpu.memory_space<vmem_shared>>) offsets(%dma_start3A_59 : memref<112xi32, #tpu.memory_space<vmem>>) semaphore(%run_scoped3A : memref<!tpu.dma_semaphore, #tpu.memory_space<semaphore_mem>>) {add = true}
        %dma_wait3A_63 = arith.constant 0 : i32
        %dma_wait3A_64 = tpu.memref_slice %arg8[%add3A_30, %dma_wait3A_63] : memref<90x112xi32, #tpu.memory_space<vmem>> -> memref<1x112xi32, #tpu.memory_space<vmem>>
        %dma_wait3A_65 = tpu.memref_squeeze %dma_wait3A_64 : memref<1x112xi32, #tpu.memory_space<vmem>> -> memref<112xi32, #tpu.memory_space<vmem>>
        %dma_wait3A_66 = arith.constant 0 : i32
        %dma_wait3A_67 = arith.constant 0 : i32
        %dma_wait3A_68 = tpu.memref_slice %arg11[%dma_wait3A_66, %dma_wait3A_67] : memref<10016x128xf32, #tpu.memory_space<vmem_shared>> -> memref<10016x128xf32, #tpu.memory_space<vmem_shared>>
        tpu.wait_indirect_dma semaphore(%run_scoped3A : memref<!tpu.dma_semaphore, #tpu.memory_space<semaphore_mem>>) src(%arg9 : memref<112x128xf32, #tpu.memory_space<vmem>>) dst(%dma_wait3A_68 : memref<10016x128xf32, #tpu.memory_space<vmem_shared>>)
        tpu.yield
      }) : () -> ()
      %mul3A_40 = arith.constant 2 : i32
      %mul3A_41 = arith.muli %mul3A_40, %while3A_26 : i32
      %add3A_42 = arith.constant 1 : i32
      %add3A_43 = arith.addi %mul3A_41, %add3A_42 : i32
      %add3A_44 = arith.constant 1 : i32
      %add3A_45 = arith.addi %add3A_43, %add3A_44 : i32
      %lt3A_46 = arith.constant 90 : i32
      %lt3A_47 = arith.cmpi slt, %add3A_45, %lt3A_46 : i32
      %convert_element_type3A_48 = arith.extui %lt3A_47 : i1 to i32
      %cond3A_49 = arith.constant 0 : i32
      %cond3A_50 = arith.cmpi ne, %convert_element_type3A_48, %cond3A_49 : i32
      scf.if %cond3A_50 {
        %add3A_57 = arith.constant 1 : i32
        %add3A_58 = arith.addi %add3A_43, %add3A_57 : i32
        %dma_start3A_59 = arith.constant 0 : i32
        %dma_start3A_60 = tpu.memref_slice %arg7[%add3A_58, %dma_start3A_59] : memref<90x112xi32, #tpu.memory_space<vmem>> -> memref<1x112xi32, #tpu.memory_space<vmem>>
        %dma_start3A_61 = tpu.memref_squeeze %dma_start3A_60 : memref<1x112xi32, #tpu.memory_space<vmem>> -> memref<112xi32, #tpu.memory_space<vmem>>
        %dma_start3A_62 = arith.constant 0 : i32
        %dma_start3A_63 = arith.constant 0 : i32
        %dma_start3A_64 = tpu.memref_slice %arg4[%dma_start3A_62, %dma_start3A_63] : memref<10000x128xf32, #tpu.memory_space<hbm>> -> memref<10000x128xf32, #tpu.memory_space<hbm>>
        tpu.enqueue_indirect_dma source(%dma_start3A_64 : memref<10000x128xf32, #tpu.memory_space<hbm>>) target(%arg9 : memref<112x128xf32, #tpu.memory_space<vmem>>) offsets(%dma_start3A_61 : memref<112xi32, #tpu.memory_space<vmem>>) semaphore(%arg12 : memref<!tpu.dma_semaphore, #tpu.memory_space<semaphore_mem>>)
      } else {
      }
      %dma_wait3A_51 = arith.constant 0 : i32
      %dma_wait3A_52 = tpu.memref_slice %arg7[%add3A_43, %dma_wait3A_51] : memref<90x112xi32, #tpu.memory_space<vmem>> -> memref<1x112xi32, #tpu.memory_space<vmem>>
      %dma_wait3A_53 = tpu.memref_squeeze %dma_wait3A_52 : memref<1x112xi32, #tpu.memory_space<vmem>> -> memref<112xi32, #tpu.memory_space<vmem>>
      %dma_wait3A_54 = arith.constant 0 : i32
      %dma_wait3A_55 = arith.constant 0 : i32
      %dma_wait3A_56 = tpu.memref_slice %arg4[%dma_wait3A_54, %dma_wait3A_55] : memref<10000x128xf32, #tpu.memory_space<hbm>> -> memref<10000x128xf32, #tpu.memory_space<hbm>>
      tpu.wait_indirect_dma semaphore(%arg13 : memref<!tpu.dma_semaphore, #tpu.memory_space<semaphore_mem>>) src(%dma_wait3A_56 : memref<10000x128xf32, #tpu.memory_space<hbm>>) dst(%arg10 : memref<112x128xf32, #tpu.memory_space<vmem>>)
      "tpu.region"() ({
        %run_scoped3A = tpu.sem_alloc : memref<!tpu.dma_semaphore, #tpu.memory_space<semaphore_mem>>
        %dma_start3A_57 = arith.constant 0 : i32
        %dma_start3A_58 = tpu.memref_slice %arg8[%add3A_43, %dma_start3A_57] : memref<90x112xi32, #tpu.memory_space<vmem>> -> memref<1x112xi32, #tpu.memory_space<vmem>>
        %dma_start3A_59 = tpu.memref_squeeze %dma_start3A_58 : memref<1x112xi32, #tpu.memory_space<vmem>> -> memref<112xi32, #tpu.memory_space<vmem>>
        %dma_start3A_60 = arith.constant 0 : i32
        %dma_start3A_61 = arith.constant 0 : i32
        %dma_start3A_62 = tpu.memref_slice %arg11[%dma_start3A_60, %dma_start3A_61] : memref<10016x128xf32, #tpu.memory_space<vmem_shared>> -> memref<10016x128xf32, #tpu.memory_space<vmem_shared>>
        tpu.enqueue_indirect_dma source(%arg10 : memref<112x128xf32, #tpu.memory_space<vmem>>) target(%dma_start3A_62 : memref<10016x128xf32, #tpu.memory_space<vmem_shared>>) offsets(%dma_start3A_59 : memref<112xi32, #tpu.memory_space<vmem>>) semaphore(%run_scoped3A : memref<!tpu.dma_semaphore, #tpu.memory_space<semaphore_mem>>) {add = true}
        %dma_wait3A_63 = arith.constant 0 : i32
        %dma_wait3A_64 = tpu.memref_slice %arg8[%add3A_43, %dma_wait3A_63] : memref<90x112xi32, #tpu.memory_space<vmem>> -> memref<1x112xi32, #tpu.memory_space<vmem>>
        %dma_wait3A_65 = tpu.memref_squeeze %dma_wait3A_64 : memref<1x112xi32, #tpu.memory_space<vmem>> -> memref<112xi32, #tpu.memory_space<vmem>>
        %dma_wait3A_66 = arith.constant 0 : i32
        %dma_wait3A_67 = arith.constant 0 : i32
        %dma_wait3A_68 = tpu.memref_slice %arg11[%dma_wait3A_66, %dma_wait3A_67] : memref<10016x128xf32, #tpu.memory_space<vmem_shared>> -> memref<10016x128xf32, #tpu.memory_space<vmem_shared>>
        tpu.wait_indirect_dma semaphore(%run_scoped3A : memref<!tpu.dma_semaphore, #tpu.memory_space<semaphore_mem>>) src(%arg10 : memref<112x128xf32, #tpu.memory_space<vmem>>) dst(%dma_wait3A_68 : memref<10016x128xf32, #tpu.memory_space<vmem_shared>>)
        tpu.yield
      }) : () -> ()
    }
    %while3A_20 = arith.constant 1 : i32
    scf.for %while3A_26 = %while3A_18 to %while3A_14 step %while3A_20  : i32 {
      %mul3A_27 = arith.constant 2 : i32
      %mul3A_28 = arith.muli %mul3A_27, %while3A_26 : i32
      %add3A_29 = arith.constant 0 : i32
      %add3A_30 = arith.addi %mul3A_28, %add3A_29 : i32
      %add3A_31 = arith.constant 1 : i32
      %add3A_32 = arith.addi %add3A_30, %add3A_31 : i32
      %lt3A = arith.constant 90 : i32
      %lt3A_33 = arith.cmpi slt, %add3A_32, %lt3A : i32
      %convert_element_type3A = arith.extui %lt3A_33 : i1 to i32
      %cond3A = arith.constant 0 : i32
      %cond3A_34 = arith.cmpi ne, %convert_element_type3A, %cond3A : i32
      scf.if %cond3A_34 {
        %add3A_57 = arith.constant 1 : i32
        %add3A_58 = arith.addi %add3A_30, %add3A_57 : i32
        %dma_start3A_59 = arith.constant 0 : i32
        %dma_start3A_60 = tpu.memref_slice %arg7[%add3A_58, %dma_start3A_59] : memref<90x112xi32, #tpu.memory_space<vmem>> -> memref<1x112xi32, #tpu.memory_space<vmem>>
        %dma_start3A_61 = tpu.memref_squeeze %dma_start3A_60 : memref<1x112xi32, #tpu.memory_space<vmem>> -> memref<112xi32, #tpu.memory_space<vmem>>
        %dma_start3A_62 = arith.constant 0 : i32
        %dma_start3A_63 = arith.constant 0 : i32
        %dma_start3A_64 = tpu.memref_slice %arg4[%dma_start3A_62, %dma_start3A_63] : memref<10000x128xf32, #tpu.memory_space<hbm>> -> memref<10000x128xf32, #tpu.memory_space<hbm>>
        tpu.enqueue_indirect_dma source(%dma_start3A_64 : memref<10000x128xf32, #tpu.memory_space<hbm>>) target(%arg10 : memref<112x128xf32, #tpu.memory_space<vmem>>) offsets(%dma_start3A_61 : memref<112xi32, #tpu.memory_space<vmem>>) semaphore(%arg13 : memref<!tpu.dma_semaphore, #tpu.memory_space<semaphore_mem>>)
      } else {
      }
      %dma_wait3A = arith.constant 0 : i32
      %dma_wait3A_35 = tpu.memref_slice %arg7[%add3A_30, %dma_wait3A] : memref<90x112xi32, #tpu.memory_space<vmem>> -> memref<1x112xi32, #tpu.memory_space<vmem>>
      %dma_wait3A_36 = tpu.memref_squeeze %dma_wait3A_35 : memref<1x112xi32, #tpu.memory_space<vmem>> -> memref<112xi32, #tpu.memory_space<vmem>>
      %dma_wait3A_37 = arith.constant 0 : i32
      %dma_wait3A_38 = arith.constant 0 : i32
      %dma_wait3A_39 = tpu.memref_slice %arg4[%dma_wait3A_37, %dma_wait3A_38] : memref<10000x128xf32, #tpu.memory_space<hbm>> -> memref<10000x128xf32, #tpu.memory_space<hbm>>
      tpu.wait_indirect_dma semaphore(%arg12 : memref<!tpu.dma_semaphore, #tpu.memory_space<semaphore_mem>>) src(%dma_wait3A_39 : memref<10000x128xf32, #tpu.memory_space<hbm>>) dst(%arg9 : memref<112x128xf32, #tpu.memory_space<vmem>>)
      "tpu.region"() ({
        %run_scoped3A = tpu.sem_alloc : memref<!tpu.dma_semaphore, #tpu.memory_space<semaphore_mem>>
        %dma_start3A_57 = arith.constant 0 : i32
        %dma_start3A_58 = tpu.memref_slice %arg8[%add3A_30, %dma_start3A_57] : memref<90x112xi32, #tpu.memory_space<vmem>> -> memref<1x112xi32, #tpu.memory_space<vmem>>
        %dma_start3A_59 = tpu.memref_squeeze %dma_start3A_58 : memref<1x112xi32, #tpu.memory_space<vmem>> -> memref<112xi32, #tpu.memory_space<vmem>>
        %dma_start3A_60 = arith.constant 0 : i32
        %dma_start3A_61 = arith.constant 0 : i32
        %dma_start3A_62 = tpu.memref_slice %arg11[%dma_start3A_60, %dma_start3A_61] : memref<10016x128xf32, #tpu.memory_space<vmem_shared>> -> memref<10016x128xf32, #tpu.memory_space<vmem_shared>>
        tpu.enqueue_indirect_dma source(%arg9 : memref<112x128xf32, #tpu.memory_space<vmem>>) target(%dma_start3A_62 : memref<10016x128xf32, #tpu.memory_space<vmem_shared>>) offsets(%dma_start3A_59 : memref<112xi32, #tpu.memory_space<vmem>>) semaphore(%run_scoped3A : memref<!tpu.dma_semaphore, #tpu.memory_space<semaphore_mem>>) {add = true}
        %dma_wait3A_63 = arith.constant 0 : i32
        %dma_wait3A_64 = tpu.memref_slice %arg8[%add3A_30, %dma_wait3A_63] : memref<90x112xi32, #tpu.memory_space<vmem>> -> memref<1x112xi32, #tpu.memory_space<vmem>>
        %dma_wait3A_65 = tpu.memref_squeeze %dma_wait3A_64 : memref<1x112xi32, #tpu.memory_space<vmem>> -> memref<112xi32, #tpu.memory_space<vmem>>
        %dma_wait3A_66 = arith.constant 0 : i32
        %dma_wait3A_67 = arith.constant 0 : i32
        %dma_wait3A_68 = tpu.memref_slice %arg11[%dma_wait3A_66, %dma_wait3A_67] : memref<10016x128xf32, #tpu.memory_space<vmem_shared>> -> memref<10016x128xf32, #tpu.memory_space<vmem_shared>>
        tpu.wait_indirect_dma semaphore(%run_scoped3A : memref<!tpu.dma_semaphore, #tpu.memory_space<semaphore_mem>>) src(%arg9 : memref<112x128xf32, #tpu.memory_space<vmem>>) dst(%dma_wait3A_68 : memref<10016x128xf32, #tpu.memory_space<vmem_shared>>)
        tpu.yield
      }) : () -> ()
      %mul3A_40 = arith.constant 2 : i32
      %mul3A_41 = arith.muli %mul3A_40, %while3A_26 : i32
      %add3A_42 = arith.constant 1 : i32
      %add3A_43 = arith.addi %mul3A_41, %add3A_42 : i32
      %add3A_44 = arith.constant 1 : i32
      %add3A_45 = arith.addi %add3A_43, %add3A_44 : i32
      %lt3A_46 = arith.constant 90 : i32
      %lt3A_47 = arith.cmpi slt, %add3A_45, %lt3A_46 : i32
      %convert_element_type3A_48 = arith.extui %lt3A_47 : i1 to i32
      %cond3A_49 = arith.constant 0 : i32
      %cond3A_50 = arith.cmpi ne, %convert_element_type3A_48, %cond3A_49 : i32
      scf.if %cond3A_50 {
        %add3A_57 = arith.constant 1 : i32
        %add3A_58 = arith.addi %add3A_43, %add3A_57 : i32
        %dma_start3A_59 = arith.constant 0 : i32
        %dma_start3A_60 = tpu.memref_slice %arg7[%add3A_58, %dma_start3A_59] : memref<90x112xi32, #tpu.memory_space<vmem>> -> memref<1x112xi32, #tpu.memory_space<vmem>>
        %dma_start3A_61 = tpu.memref_squeeze %dma_start3A_60 : memref<1x112xi32, #tpu.memory_space<vmem>> -> memref<112xi32, #tpu.memory_space<vmem>>
        %dma_start3A_62 = arith.constant 0 : i32
        %dma_start3A_63 = arith.constant 0 : i32
        %dma_start3A_64 = tpu.memref_slice %arg4[%dma_start3A_62, %dma_start3A_63] : memref<10000x128xf32, #tpu.memory_space<hbm>> -> memref<10000x128xf32, #tpu.memory_space<hbm>>
        tpu.enqueue_indirect_dma source(%dma_start3A_64 : memref<10000x128xf32, #tpu.memory_space<hbm>>) target(%arg9 : memref<112x128xf32, #tpu.memory_space<vmem>>) offsets(%dma_start3A_61 : memref<112xi32, #tpu.memory_space<vmem>>) semaphore(%arg12 : memref<!tpu.dma_semaphore, #tpu.memory_space<semaphore_mem>>)
      } else {
      }
      %dma_wait3A_51 = arith.constant 0 : i32
      %dma_wait3A_52 = tpu.memref_slice %arg7[%add3A_43, %dma_wait3A_51] : memref<90x112xi32, #tpu.memory_space<vmem>> -> memref<1x112xi32, #tpu.memory_space<vmem>>
      %dma_wait3A_53 = tpu.memref_squeeze %dma_wait3A_52 : memref<1x112xi32, #tpu.memory_space<vmem>> -> memref<112xi32, #tpu.memory_space<vmem>>
      %dma_wait3A_54 = arith.constant 0 : i32
      %dma_wait3A_55 = arith.constant 0 : i32
      %dma_wait3A_56 = tpu.memref_slice %arg4[%dma_wait3A_54, %dma_wait3A_55] : memref<10000x128xf32, #tpu.memory_space<hbm>> -> memref<10000x128xf32, #tpu.memory_space<hbm>>
      tpu.wait_indirect_dma semaphore(%arg13 : memref<!tpu.dma_semaphore, #tpu.memory_space<semaphore_mem>>) src(%dma_wait3A_56 : memref<10000x128xf32, #tpu.memory_space<hbm>>) dst(%arg10 : memref<112x128xf32, #tpu.memory_space<vmem>>)
      "tpu.region"() ({
        %run_scoped3A = tpu.sem_alloc : memref<!tpu.dma_semaphore, #tpu.memory_space<semaphore_mem>>
        %dma_start3A_57 = arith.constant 0 : i32
        %dma_start3A_58 = tpu.memref_slice %arg8[%add3A_43, %dma_start3A_57] : memref<90x112xi32, #tpu.memory_space<vmem>> -> memref<1x112xi32, #tpu.memory_space<vmem>>
        %dma_start3A_59 = tpu.memref_squeeze %dma_start3A_58 : memref<1x112xi32, #tpu.memory_space<vmem>> -> memref<112xi32, #tpu.memory_space<vmem>>
        %dma_start3A_60 = arith.constant 0 : i32
        %dma_start3A_61 = arith.constant 0 : i32
        %dma_start3A_62 = tpu.memref_slice %arg11[%dma_start3A_60, %dma_start3A_61] : memref<10016x128xf32, #tpu.memory_space<vmem_shared>> -> memref<10016x128xf32, #tpu.memory_space<vmem_shared>>
        tpu.enqueue_indirect_dma source(%arg10 : memref<112x128xf32, #tpu.memory_space<vmem>>) target(%dma_start3A_62 : memref<10016x128xf32, #tpu.memory_space<vmem_shared>>) offsets(%dma_start3A_59 : memref<112xi32, #tpu.memory_space<vmem>>) semaphore(%run_scoped3A : memref<!tpu.dma_semaphore, #tpu.memory_space<semaphore_mem>>) {add = true}
        %dma_wait3A_63 = arith.constant 0 : i32
        %dma_wait3A_64 = tpu.memref_slice %arg8[%add3A_43, %dma_wait3A_63] : memref<90x112xi32, #tpu.memory_space<vmem>> -> memref<1x112xi32, #tpu.memory_space<vmem>>
        %dma_wait3A_65 = tpu.memref_squeeze %dma_wait3A_64 : memref<1x112xi32, #tpu.memory_space<vmem>> -> memref<112xi32, #tpu.memory_space<vmem>>
        %dma_wait3A_66 = arith.constant 0 : i32
        %dma_wait3A_67 = arith.constant 0 : i32
        %dma_wait3A_68 = tpu.memref_slice %arg11[%dma_wait3A_66, %dma_wait3A_67] : memref<10016x128xf32, #tpu.memory_space<vmem_shared>> -> memref<10016x128xf32, #tpu.memory_space<vmem_shared>>
        tpu.wait_indirect_dma semaphore(%run_scoped3A : memref<!tpu.dma_semaphore, #tpu.memory_space<semaphore_mem>>) src(%arg10 : memref<112x128xf32, #tpu.memory_space<vmem>>) dst(%dma_wait3A_68 : memref<10016x128xf32, #tpu.memory_space<vmem_shared>>)
        tpu.yield
      }) : () -> ()
    }
    %barrier3A_21 = arith.constant 0 : index
    tpu.barrier barrier_id(%barrier3A_21)
    %mul3A_22 = arith.constant 626 : i32
    %mul3A_23 = arith.muli %arg1, %mul3A_22 : i32
    %mul3A_24 = arith.constant 626 : i32
    %mul3A_25 = arith.muli %arg1, %mul3A_24 : i32
    "tpu.region"() ({
      %run_scoped3A = tpu.sem_alloc : memref<!tpu.dma_semaphore, #tpu.memory_space<semaphore_mem>>
      %dma_start3A_26 = arith.constant 0 : i32
      %dma_start3A_27 = tpu.memref_slice %arg6[%arg0, %mul3A_25, %dma_start3A_26] : memref<2x10016x128xf32, #tpu.memory_space<hbm>> -> memref<1x626x128xf32, #tpu.memory_space<hbm>>
      %dma_start3A_28 = tpu.memref_squeeze %dma_start3A_27 : memref<1x626x128xf32, #tpu.memory_space<hbm>> -> memref<626x128xf32, #tpu.memory_space<hbm>>
      %dma_start3A_29 = arith.constant 0 : i32
      %dma_start3A_30 = tpu.memref_slice %arg11[%mul3A_23, %dma_start3A_29] : memref<10016x128xf32, #tpu.memory_space<vmem_shared>> -> memref<626x128xf32, #tpu.memory_space<vmem_shared>>
      tpu.enqueue_dma source(%dma_start3A_30 : memref<626x128xf32, #tpu.memory_space<vmem_shared>>) target(%dma_start3A_28 : memref<626x128xf32, #tpu.memory_space<hbm>>) target_semaphore(%run_scoped3A : memref<!tpu.dma_semaphore, #tpu.memory_space<semaphore_mem>>)
      %dma_wait3A = arith.constant 0 : i32
      %dma_wait3A_31 = tpu.memref_slice %arg6[%arg0, %mul3A_25, %dma_wait3A] : memref<2x10016x128xf32, #tpu.memory_space<hbm>> -> memref<1x626x128xf32, #tpu.memory_space<hbm>>
      %dma_wait3A_32 = tpu.memref_squeeze %dma_wait3A_31 : memref<1x626x128xf32, #tpu.memory_space<hbm>> -> memref<626x128xf32, #tpu.memory_space<hbm>>
      %dma_wait3A_33 = arith.constant 0 : i32
      %dma_wait3A_34 = tpu.memref_slice %arg11[%mul3A_23, %dma_wait3A_33] : memref<10016x128xf32, #tpu.memory_space<vmem_shared>> -> memref<626x128xf32, #tpu.memory_space<vmem_shared>>
      tpu.wait_dma2 semaphore(%run_scoped3A : memref<!tpu.dma_semaphore, #tpu.memory_space<semaphore_mem>>) src(%dma_wait3A_34 : memref<626x128xf32, #tpu.memory_space<vmem_shared>>) dst(%dma_wait3A_32 : memref<626x128xf32, #tpu.memory_space<hbm>>)
      tpu.yield
    }) : () -> ()
    return
  }
}

module attributes {stable_mosaic.version = 14 : i64} {
  func.func @_tc_mlp(%arg0: i32, %arg1: memref<1000x128xf32, #tpu.memory_space<vmem>>, %arg2: memref<128x128xf32, #tpu.memory_space<vmem>>, %arg3: memref<1x128xf32, #tpu.memory_space<vmem>>, %arg4: memref<128x128xf32, #tpu.memory_space<vmem>>, %arg5: memref<1x128xf32, #tpu.memory_space<vmem>>, %arg6: memref<128x128xf32, #tpu.memory_space<vmem>>, %arg7: memref<1x128xf32, #tpu.memory_space<vmem>>, %arg8: memref<128x128xf32, #tpu.memory_space<vmem>>, %arg9: memref<2x1000x8xf32, #tpu.memory_space<vmem>>, %arg10: memref<1000x128xf32, #tpu.memory_space<vmem>>) attributes {dimension_semantics = [#tpu.dimension_semantics<arbitrary>], iteration_bounds = array<i64: 10>, scalar_prefetch = 0 : i64, scratch_operands = 0 : i64, tpu.core_type = #tpu.core_type<tc>, window_params = [{transform_indices = @transform_0, window_bounds = array<i64: 1000, 128>}, {pipeline_mode = #tpu.pipeline_mode<synchronous>, transform_indices = @transform_1, window_bounds = array<i64: 128, 128>}, {pipeline_mode = #tpu.pipeline_mode<synchronous>, transform_indices = @transform_2, window_bounds = array<i64: 1, 128>}, {pipeline_mode = #tpu.pipeline_mode<synchronous>, transform_indices = @transform_3, window_bounds = array<i64: 128, 128>}, {pipeline_mode = #tpu.pipeline_mode<synchronous>, transform_indices = @transform_4, window_bounds = array<i64: 1, 128>}, {pipeline_mode = #tpu.pipeline_mode<synchronous>, transform_indices = @transform_5, window_bounds = array<i64: 128, 128>}, {pipeline_mode = #tpu.pipeline_mode<synchronous>, transform_indices = @transform_6, window_bounds = array<i64: 1, 128>}, {pipeline_mode = #tpu.pipeline_mode<synchronous>, transform_indices = @transform_7, window_bounds = array<i64: 128, 128>}, {transform_indices = @transform_8, window_bounds = array<i64: 2, 1000, 8>}, {transform_indices = @transform_9, window_bounds = array<i64: 1000, 128>}]} {
    %get3A = arith.constant 0 : index
    %get3A_0 = arith.constant 0 : index
    %get3A_1 = arith.constant 0 : index
    %get3A_2 = vector.load %arg9[%get3A, %get3A_0, %get3A_1] : memref<2x1000x8xf32, #tpu.memory_space<vmem>>, vector<2x1000x8xf32>
    %slice3A = vector.extract_strided_slice %get3A_2 {offsets = [0, 0, 0], sizes = [1, 1000, 8], strides = [1, 1, 1]} : vector<2x1000x8xf32> to vector<1x1000x8xf32>
    %squeeze3A = vector.shape_cast %slice3A : vector<1x1000x8xf32> to vector<1000x8xf32>
    %slice3A_3 = vector.extract_strided_slice %get3A_2 {offsets = [1, 0, 0], sizes = [1, 1000, 8], strides = [1, 1, 1]} : vector<2x1000x8xf32> to vector<1x1000x8xf32>
    %squeeze3A_4 = vector.shape_cast %slice3A_3 : vector<1x1000x8xf32> to vector<1000x8xf32>
    %add3A = arith.addf %squeeze3A, %squeeze3A_4 : vector<1000x8xf32>
    %add3A_5 = arith.constant 1.000000e+00 : f32
    %add3A_6 = vector.broadcast %add3A_5 : f32 to vector<1000x8xf32>
    %add3A_7 = arith.addf %add3A, %add3A_6 : vector<1000x8xf32>
    %rsqrt3A = math.rsqrt %add3A_7 : vector<1000x8xf32>
    %slice3A_8 = vector.extract_strided_slice %rsqrt3A {offsets = [0, 0], sizes = [1000, 1], strides = [1, 1]} : vector<1000x8xf32> to vector<1000x1xf32>
    %get3A_9 = arith.constant 0 : index
    %get3A_10 = arith.constant 0 : index
    %get3A_11 = vector.load %arg1[%get3A_9, %get3A_10] : memref<1000x128xf32, #tpu.memory_space<vmem>>, vector<1000x128xf32>
    %get3A_12 = arith.constant 0 : index
    %get3A_13 = arith.constant 0 : index
    %get3A_14 = vector.load %arg2[%get3A_12, %get3A_13] : memref<128x128xf32, #tpu.memory_space<vmem>>, vector<128x128xf32>
    %dot_general3A = arith.constant dense<0.000000e+00> : vector<1000x128xf32>
    %dot_general3A_15 = tpu.matmul %get3A_11, %get3A_14, %dot_general3A {dimension_numbers = #tpu.dot_dimension_numbers<[1], [0], [0], [1], [0, 0, 1, 1], [], []>, transpose_lhs_hint = false} : vector<1000x128xf32>, vector<128x128xf32>, vector<1000x128xf32> -> vector<1000x128xf32>
    %get3A_16 = arith.constant 0 : index
    %get3A_17 = arith.constant 0 : index
    %get3A_18 = vector.load %arg3[%get3A_16, %get3A_17] : memref<1x128xf32, #tpu.memory_space<vmem>>, vector<1x128xf32>
    %add3A_19 = vector.broadcast %get3A_18 : vector<1x128xf32> to vector<1000x128xf32>
    %add3A_20 = arith.addf %dot_general3A_15, %add3A_19 : vector<1000x128xf32>
    %ge3A = arith.constant 0.000000e+00 : f32
    %ge3A_21 = vector.broadcast %ge3A : f32 to vector<1000x128xf32>
    %ge3A_22 = arith.cmpf oge, %add3A_20, %ge3A_21 : vector<1000x128xf32>
    %mul3A = arith.constant 0.00999999977 : f32
    %mul3A_23 = vector.broadcast %mul3A : f32 to vector<1000x128xf32>
    %mul3A_24 = arith.mulf %mul3A_23, %add3A_20 : vector<1000x128xf32>
    %select_n3A = arith.select %ge3A_22, %add3A_20, %mul3A_24 : vector<1000x128xi1>, vector<1000x128xf32>
    %get3A_25 = arith.constant 0 : index
    %get3A_26 = arith.constant 0 : index
    %get3A_27 = vector.load %arg4[%get3A_25, %get3A_26] : memref<128x128xf32, #tpu.memory_space<vmem>>, vector<128x128xf32>
    %dot_general3A_28 = arith.constant dense<0.000000e+00> : vector<1000x128xf32>
    %dot_general3A_29 = tpu.matmul %select_n3A, %get3A_27, %dot_general3A_28 {dimension_numbers = #tpu.dot_dimension_numbers<[1], [0], [0], [1], [0, 0, 1, 1], [], []>, transpose_lhs_hint = false} : vector<1000x128xf32>, vector<128x128xf32>, vector<1000x128xf32> -> vector<1000x128xf32>
    %get3A_30 = arith.constant 0 : index
    %get3A_31 = arith.constant 0 : index
    %get3A_32 = vector.load %arg5[%get3A_30, %get3A_31] : memref<1x128xf32, #tpu.memory_space<vmem>>, vector<1x128xf32>
    %add3A_33 = vector.broadcast %get3A_32 : vector<1x128xf32> to vector<1000x128xf32>
    %add3A_34 = arith.addf %dot_general3A_29, %add3A_33 : vector<1000x128xf32>
    %ge3A_35 = arith.constant 0.000000e+00 : f32
    %ge3A_36 = vector.broadcast %ge3A_35 : f32 to vector<1000x128xf32>
    %ge3A_37 = arith.cmpf oge, %add3A_34, %ge3A_36 : vector<1000x128xf32>
    %mul3A_38 = arith.constant 0.00999999977 : f32
    %mul3A_39 = vector.broadcast %mul3A_38 : f32 to vector<1000x128xf32>
    %mul3A_40 = arith.mulf %mul3A_39, %add3A_34 : vector<1000x128xf32>
    %select_n3A_41 = arith.select %ge3A_37, %add3A_34, %mul3A_40 : vector<1000x128xi1>, vector<1000x128xf32>
    %get3A_42 = arith.constant 0 : index
    %get3A_43 = arith.constant 0 : index
    %get3A_44 = vector.load %arg6[%get3A_42, %get3A_43] : memref<128x128xf32, #tpu.memory_space<vmem>>, vector<128x128xf32>
    %dot_general3A_45 = arith.constant dense<0.000000e+00> : vector<1000x128xf32>
    %dot_general3A_46 = tpu.matmul %select_n3A_41, %get3A_44, %dot_general3A_45 {dimension_numbers = #tpu.dot_dimension_numbers<[1], [0], [0], [1], [0, 0, 1, 1], [], []>, transpose_lhs_hint = false} : vector<1000x128xf32>, vector<128x128xf32>, vector<1000x128xf32> -> vector<1000x128xf32>
    %get3A_47 = arith.constant 0 : index
    %get3A_48 = arith.constant 0 : index
    %get3A_49 = vector.load %arg7[%get3A_47, %get3A_48] : memref<1x128xf32, #tpu.memory_space<vmem>>, vector<1x128xf32>
    %add3A_50 = vector.broadcast %get3A_49 : vector<1x128xf32> to vector<1000x128xf32>
    %add3A_51 = arith.addf %dot_general3A_46, %add3A_50 : vector<1000x128xf32>
    %ge3A_52 = arith.constant 0.000000e+00 : f32
    %ge3A_53 = vector.broadcast %ge3A_52 : f32 to vector<1000x128xf32>
    %ge3A_54 = arith.cmpf oge, %add3A_51, %ge3A_53 : vector<1000x128xf32>
    %mul3A_55 = arith.constant 0.00999999977 : f32
    %mul3A_56 = vector.broadcast %mul3A_55 : f32 to vector<1000x128xf32>
    %mul3A_57 = arith.mulf %mul3A_56, %add3A_51 : vector<1000x128xf32>
    %select_n3A_58 = arith.select %ge3A_54, %add3A_51, %mul3A_57 : vector<1000x128xi1>, vector<1000x128xf32>
    %get3A_59 = arith.constant 0 : index
    %get3A_60 = arith.constant 0 : index
    %get3A_61 = vector.load %arg8[%get3A_59, %get3A_60] : memref<128x128xf32, #tpu.memory_space<vmem>>, vector<128x128xf32>
    %dot_general3A_62 = arith.constant dense<0.000000e+00> : vector<1000x128xf32>
    %dot_general3A_63 = tpu.matmul %select_n3A_58, %get3A_61, %dot_general3A_62 {dimension_numbers = #tpu.dot_dimension_numbers<[1], [0], [0], [1], [0, 0, 1, 1], [], []>, transpose_lhs_hint = false} : vector<1000x128xf32>, vector<128x128xf32>, vector<1000x128xf32> -> vector<1000x128xf32>
    %mul3A_64 = vector.broadcast %slice3A_8 : vector<1000x1xf32> to vector<1000x128xf32>
    %mul3A_65 = arith.mulf %mul3A_64, %dot_general3A_63 : vector<1000x128xf32>
    %swap3A = arith.constant 0 : index
    %swap3A_66 = arith.constant 0 : index
    %swap3A_67 = vector.load %arg10[%swap3A, %swap3A_66] : memref<1000x128xf32, #tpu.memory_space<vmem>>, vector<1000x128xf32>
    tpu.vector_store %arg10[%swap3A, %swap3A_66], %mul3A_65 {strides = array<i32>} : memref<1000x128xf32, #tpu.memory_space<vmem>>, vector<1000x128xf32>,
    return
  }
  func.func @transform_0(%arg0: i32) -> (i32, i32) {
    %c0_i32 = arith.constant 0 : i32
    %c0_i32_0 = arith.constant 0 : i32
    return %arg0, %c0_i32 : i32, i32
  }
  func.func @transform_1(%arg0: i32) -> (i32, i32) {
    %c0_i32 = arith.constant 0 : i32
    %c0_i32_0 = arith.constant 0 : i32
    %c0_i32_1 = arith.constant 0 : i32
    return %c0_i32, %c0_i32_0 : i32, i32
  }
  func.func @transform_2(%arg0: i32) -> (i32, i32) {
    %c0_i32 = arith.constant 0 : i32
    %c0_i32_0 = arith.constant 0 : i32
    %c0_i32_1 = arith.constant 0 : i32
    return %c0_i32, %c0_i32_0 : i32, i32
  }
  func.func @transform_3(%arg0: i32) -> (i32, i32) {
    %c0_i32 = arith.constant 0 : i32
    %c0_i32_0 = arith.constant 0 : i32
    %c0_i32_1 = arith.constant 0 : i32
    return %c0_i32, %c0_i32_0 : i32, i32
  }
  func.func @transform_4(%arg0: i32) -> (i32, i32) {
    %c0_i32 = arith.constant 0 : i32
    %c0_i32_0 = arith.constant 0 : i32
    %c0_i32_1 = arith.constant 0 : i32
    return %c0_i32, %c0_i32_0 : i32, i32
  }
  func.func @transform_5(%arg0: i32) -> (i32, i32) {
    %c0_i32 = arith.constant 0 : i32
    %c0_i32_0 = arith.constant 0 : i32
    %c0_i32_1 = arith.constant 0 : i32
    return %c0_i32, %c0_i32_0 : i32, i32
  }
  func.func @transform_6(%arg0: i32) -> (i32, i32) {
    %c0_i32 = arith.constant 0 : i32
    %c0_i32_0 = arith.constant 0 : i32
    %c0_i32_1 = arith.constant 0 : i32
    return %c0_i32, %c0_i32_0 : i32, i32
  }
  func.func @transform_7(%arg0: i32) -> (i32, i32) {
    %c0_i32 = arith.constant 0 : i32
    %c0_i32_0 = arith.constant 0 : i32
    %c0_i32_1 = arith.constant 0 : i32
    return %c0_i32, %c0_i32_0 : i32, i32
  }
  func.func @transform_8(%arg0: i32) -> (i32, i32, i32) {
    %c0_i32 = arith.constant 0 : i32
    %c0_i32_0 = arith.constant 0 : i32
    %c0_i32_1 = arith.constant 0 : i32
    return %c0_i32, %arg0, %c0_i32_0 : i32, i32, i32
  }
  func.func @transform_9(%arg0: i32) -> (i32, i32) {
    %c0_i32 = arith.constant 0 : i32
    %c0_i32_0 = arith.constant 0 : i32
    return %arg0, %c0_i32 : i32, i32
  }
}

module attributes {stable_mosaic.version = 14 : i64} {
  func.func @_tc_mid(%arg0: i32, %arg1: memref<2x1000x128xf32, #tpu.memory_space<vmem>>, %arg2: memref<1000x128xf32, #tpu.memory_space<vmem>>, %arg3: memref<2x1000x8xf32, #tpu.memory_space<vmem>>, %arg4: memref<1x128xf32, #tpu.memory_space<vmem>>, %arg5: memref<128x128xf32, #tpu.memory_space<vmem>>, %arg6: memref<1000x128xf32, #tpu.memory_space<vmem>>) attributes {dimension_semantics = [#tpu.dimension_semantics<arbitrary>], iteration_bounds = array<i64: 10>, scalar_prefetch = 0 : i64, scratch_operands = 0 : i64, tpu.core_type = #tpu.core_type<tc>, window_params = [{transform_indices = @transform_0, window_bounds = array<i64: 2, 1000, 128>}, {transform_indices = @transform_1, window_bounds = array<i64: 1000, 128>}, {transform_indices = @transform_2, window_bounds = array<i64: 2, 1000, 8>}, {pipeline_mode = #tpu.pipeline_mode<synchronous>, transform_indices = @transform_3, window_bounds = array<i64: 1, 128>}, {pipeline_mode = #tpu.pipeline_mode<synchronous>, transform_indices = @transform_4, window_bounds = array<i64: 128, 128>}, {transform_indices = @transform_5, window_bounds = array<i64: 1000, 128>}]} {
    %get3A = arith.constant 0 : index
    %get3A_0 = arith.constant 0 : index
    %get3A_1 = arith.constant 0 : index
    %get3A_2 = vector.load %arg3[%get3A, %get3A_0, %get3A_1] : memref<2x1000x8xf32, #tpu.memory_space<vmem>>, vector<2x1000x8xf32>
    %slice3A = vector.extract_strided_slice %get3A_2 {offsets = [0, 0, 0], sizes = [1, 1000, 8], strides = [1, 1, 1]} : vector<2x1000x8xf32> to vector<1x1000x8xf32>
    %squeeze3A = vector.shape_cast %slice3A : vector<1x1000x8xf32> to vector<1000x8xf32>
    %slice3A_3 = vector.extract_strided_slice %get3A_2 {offsets = [1, 0, 0], sizes = [1, 1000, 8], strides = [1, 1, 1]} : vector<2x1000x8xf32> to vector<1x1000x8xf32>
    %squeeze3A_4 = vector.shape_cast %slice3A_3 : vector<1x1000x8xf32> to vector<1000x8xf32>
    %add3A = arith.addf %squeeze3A, %squeeze3A_4 : vector<1000x8xf32>
    %add3A_5 = arith.constant 1.000000e+00 : f32
    %add3A_6 = vector.broadcast %add3A_5 : f32 to vector<1000x8xf32>
    %add3A_7 = arith.addf %add3A, %add3A_6 : vector<1000x8xf32>
    %rsqrt3A = math.rsqrt %add3A_7 : vector<1000x8xf32>
    %slice3A_8 = vector.extract_strided_slice %rsqrt3A {offsets = [0, 0], sizes = [1000, 1], strides = [1, 1]} : vector<1000x8xf32> to vector<1000x1xf32>
    %get3A_9 = arith.constant 0 : index
    %get3A_10 = arith.constant 0 : index
    %get3A_11 = arith.constant 0 : index
    %get3A_12 = vector.load %arg1[%get3A_9, %get3A_10, %get3A_11] : memref<2x1000x128xf32, #tpu.memory_space<vmem>>, vector<1x1000x128xf32>
    %get3A_13 = vector.shape_cast %get3A_12 : vector<1x1000x128xf32> to vector<1000x128xf32>
    %get3A_14 = arith.constant 1 : index
    %get3A_15 = arith.constant 0 : index
    %get3A_16 = arith.constant 0 : index
    %get3A_17 = vector.load %arg1[%get3A_14, %get3A_15, %get3A_16] : memref<2x1000x128xf32, #tpu.memory_space<vmem>>, vector<1x1000x128xf32>
    %get3A_18 = vector.shape_cast %get3A_17 : vector<1x1000x128xf32> to vector<1000x128xf32>
    %add3A_19 = arith.addf %get3A_13, %get3A_18 : vector<1000x128xf32>
    %get3A_20 = arith.constant 0 : index
    %get3A_21 = arith.constant 0 : index
    %get3A_22 = vector.load %arg2[%get3A_20, %get3A_21] : memref<1000x128xf32, #tpu.memory_space<vmem>>, vector<1000x128xf32>
    %add3A_23 = arith.addf %add3A_19, %get3A_22 : vector<1000x128xf32>
    %mul3A = vector.broadcast %slice3A_8 : vector<1000x1xf32> to vector<1000x128xf32>
    %mul3A_24 = arith.mulf %mul3A, %add3A_23 : vector<1000x128xf32>
    %get3A_25 = arith.constant 0 : index
    %get3A_26 = arith.constant 0 : index
    %get3A_27 = vector.load %arg4[%get3A_25, %get3A_26] : memref<1x128xf32, #tpu.memory_space<vmem>>, vector<1x128xf32>
    %add3A_28 = vector.broadcast %get3A_27 : vector<1x128xf32> to vector<1000x128xf32>
    %add3A_29 = arith.addf %mul3A_24, %add3A_28 : vector<1000x128xf32>
    %ge3A = arith.constant 0.000000e+00 : f32
    %ge3A_30 = vector.broadcast %ge3A : f32 to vector<1000x128xf32>
    %ge3A_31 = arith.cmpf oge, %add3A_29, %ge3A_30 : vector<1000x128xf32>
    %mul3A_32 = arith.constant 0.00999999977 : f32
    %mul3A_33 = vector.broadcast %mul3A_32 : f32 to vector<1000x128xf32>
    %mul3A_34 = arith.mulf %mul3A_33, %add3A_29 : vector<1000x128xf32>
    %select_n3A = arith.select %ge3A_31, %add3A_29, %mul3A_34 : vector<1000x128xi1>, vector<1000x128xf32>
    %get3A_35 = arith.constant 0 : index
    %get3A_36 = arith.constant 0 : index
    %get3A_37 = vector.load %arg5[%get3A_35, %get3A_36] : memref<128x128xf32, #tpu.memory_space<vmem>>, vector<128x128xf32>
    %dot_general3A = arith.constant dense<0.000000e+00> : vector<1000x128xf32>
    %dot_general3A_38 = tpu.matmul %select_n3A, %get3A_37, %dot_general3A {dimension_numbers = #tpu.dot_dimension_numbers<[1], [0], [0], [1], [0, 0, 1, 1], [], []>, transpose_lhs_hint = false} : vector<1000x128xf32>, vector<128x128xf32>, vector<1000x128xf32> -> vector<1000x128xf32>
    %mul3A_39 = vector.broadcast %slice3A_8 : vector<1000x1xf32> to vector<1000x128xf32>
    %mul3A_40 = arith.mulf %mul3A_39, %dot_general3A_38 : vector<1000x128xf32>
    %swap3A = arith.constant 0 : index
    %swap3A_41 = arith.constant 0 : index
    %swap3A_42 = vector.load %arg6[%swap3A, %swap3A_41] : memref<1000x128xf32, #tpu.memory_space<vmem>>, vector<1000x128xf32>
    tpu.vector_store %arg6[%swap3A, %swap3A_41], %mul3A_40 {strides = array<i32>} : memref<1000x128xf32, #tpu.memory_space<vmem>>, vector<1000x128xf32>,
    return
  }
  func.func @transform_0(%arg0: i32) -> (i32, i32, i32) {
    %c0_i32 = arith.constant 0 : i32
    %c0_i32_0 = arith.constant 0 : i32
    %c0_i32_1 = arith.constant 0 : i32
    return %c0_i32, %arg0, %c0_i32_0 : i32, i32, i32
  }
  func.func @transform_1(%arg0: i32) -> (i32, i32) {
    %c0_i32 = arith.constant 0 : i32
    %c0_i32_0 = arith.constant 0 : i32
    return %arg0, %c0_i32 : i32, i32
  }
  func.func @transform_2(%arg0: i32) -> (i32, i32, i32) {
    %c0_i32 = arith.constant 0 : i32
    %c0_i32_0 = arith.constant 0 : i32
    %c0_i32_1 = arith.constant 0 : i32
    return %c0_i32, %arg0, %c0_i32_0 : i32, i32, i32
  }
  func.func @transform_3(%arg0: i32) -> (i32, i32) {
    %c0_i32 = arith.constant 0 : i32
    %c0_i32_0 = arith.constant 0 : i32
    %c0_i32_1 = arith.constant 0 : i32
    return %c0_i32, %c0_i32_0 : i32, i32
  }
  func.func @transform_4(%arg0: i32) -> (i32, i32) {
    %c0_i32 = arith.constant 0 : i32
    %c0_i32_0 = arith.constant 0 : i32
    %c0_i32_1 = arith.constant 0 : i32
    return %c0_i32, %c0_i32_0 : i32, i32
  }
  func.func @transform_5(%arg0: i32) -> (i32, i32) {
    %c0_i32 = arith.constant 0 : i32
    %c0_i32_0 = arith.constant 0 : i32
    return %arg0, %c0_i32 : i32, i32
  }
}

module attributes {stable_mosaic.version = 14 : i64} {
  func.func @_tc_last128(%arg0: i32, %arg1: memref<2x1000x128xf32, #tpu.memory_space<vmem>>, %arg2: memref<1000x128xf32, #tpu.memory_space<vmem>>, %arg3: memref<2x1000x8xf32, #tpu.memory_space<vmem>>, %arg4: memref<1x128xf32, #tpu.memory_space<vmem>>, %arg5: memref<128x1xf32, #tpu.memory_space<vmem>>, %arg6: memref<1000x8xf32, #tpu.memory_space<vmem>>) attributes {dimension_semantics = [#tpu.dimension_semantics<arbitrary>], iteration_bounds = array<i64: 10>, scalar_prefetch = 0 : i64, scratch_operands = 0 : i64, tpu.core_type = #tpu.core_type<tc>, window_params = [{transform_indices = @transform_0, window_bounds = array<i64: 2, 1000, 128>}, {transform_indices = @transform_1, window_bounds = array<i64: 1000, 128>}, {transform_indices = @transform_2, window_bounds = array<i64: 2, 1000, 8>}, {pipeline_mode = #tpu.pipeline_mode<synchronous>, transform_indices = @transform_3, window_bounds = array<i64: 1, 128>}, {pipeline_mode = #tpu.pipeline_mode<synchronous>, transform_indices = @transform_4, window_bounds = array<i64: 128, 1>}, {transform_indices = @transform_5, window_bounds = array<i64: 1000, 8>}]} {
    %get3A = arith.constant 0 : index
    %get3A_0 = arith.constant 0 : index
    %get3A_1 = arith.constant 0 : index
    %get3A_2 = vector.load %arg3[%get3A, %get3A_0, %get3A_1] : memref<2x1000x8xf32, #tpu.memory_space<vmem>>, vector<2x1000x8xf32>
    %slice3A = vector.extract_strided_slice %get3A_2 {offsets = [0, 0, 0], sizes = [1, 1000, 8], strides = [1, 1, 1]} : vector<2x1000x8xf32> to vector<1x1000x8xf32>
    %squeeze3A = vector.shape_cast %slice3A : vector<1x1000x8xf32> to vector<1000x8xf32>
    %slice3A_3 = vector.extract_strided_slice %get3A_2 {offsets = [1, 0, 0], sizes = [1, 1000, 8], strides = [1, 1, 1]} : vector<2x1000x8xf32> to vector<1x1000x8xf32>
    %squeeze3A_4 = vector.shape_cast %slice3A_3 : vector<1x1000x8xf32> to vector<1000x8xf32>
    %add3A = arith.addf %squeeze3A, %squeeze3A_4 : vector<1000x8xf32>
    %add3A_5 = arith.constant 1.000000e+00 : f32
    %add3A_6 = vector.broadcast %add3A_5 : f32 to vector<1000x8xf32>
    %add3A_7 = arith.addf %add3A, %add3A_6 : vector<1000x8xf32>
    %rsqrt3A = math.rsqrt %add3A_7 : vector<1000x8xf32>
    %slice3A_8 = vector.extract_strided_slice %rsqrt3A {offsets = [0, 0], sizes = [1000, 1], strides = [1, 1]} : vector<1000x8xf32> to vector<1000x1xf32>
    %get3A_9 = arith.constant 0 : index
    %get3A_10 = arith.constant 0 : index
    %get3A_11 = arith.constant 0 : index
    %get3A_12 = vector.load %arg1[%get3A_9, %get3A_10, %get3A_11] : memref<2x1000x128xf32, #tpu.memory_space<vmem>>, vector<1x1000x128xf32>
    %get3A_13 = vector.shape_cast %get3A_12 : vector<1x1000x128xf32> to vector<1000x128xf32>
    %get3A_14 = arith.constant 1 : index
    %get3A_15 = arith.constant 0 : index
    %get3A_16 = arith.constant 0 : index
    %get3A_17 = vector.load %arg1[%get3A_14, %get3A_15, %get3A_16] : memref<2x1000x128xf32, #tpu.memory_space<vmem>>, vector<1x1000x128xf32>
    %get3A_18 = vector.shape_cast %get3A_17 : vector<1x1000x128xf32> to vector<1000x128xf32>
    %add3A_19 = arith.addf %get3A_13, %get3A_18 : vector<1000x128xf32>
    %get3A_20 = arith.constant 0 : index
    %get3A_21 = arith.constant 0 : index
    %get3A_22 = vector.load %arg2[%get3A_20, %get3A_21] : memref<1000x128xf32, #tpu.memory_space<vmem>>, vector<1000x128xf32>
    %add3A_23 = arith.addf %add3A_19, %get3A_22 : vector<1000x128xf32>
    %mul3A = vector.broadcast %slice3A_8 : vector<1000x1xf32> to vector<1000x128xf32>
    %mul3A_24 = arith.mulf %mul3A, %add3A_23 : vector<1000x128xf32>
    %get3A_25 = arith.constant 0 : index
    %get3A_26 = arith.constant 0 : index
    %get3A_27 = vector.load %arg4[%get3A_25, %get3A_26] : memref<1x128xf32, #tpu.memory_space<vmem>>, vector<1x128xf32>
    %add3A_28 = vector.broadcast %get3A_27 : vector<1x128xf32> to vector<1000x128xf32>
    %add3A_29 = arith.addf %mul3A_24, %add3A_28 : vector<1000x128xf32>
    %ge3A = arith.constant 0.000000e+00 : f32
    %ge3A_30 = vector.broadcast %ge3A : f32 to vector<1000x128xf32>
    %ge3A_31 = arith.cmpf oge, %add3A_29, %ge3A_30 : vector<1000x128xf32>
    %mul3A_32 = arith.constant 0.00999999977 : f32
    %mul3A_33 = vector.broadcast %mul3A_32 : f32 to vector<1000x128xf32>
    %mul3A_34 = arith.mulf %mul3A_33, %add3A_29 : vector<1000x128xf32>
    %select_n3A = arith.select %ge3A_31, %add3A_29, %mul3A_34 : vector<1000x128xi1>, vector<1000x128xf32>
    %get3A_35 = arith.constant 0 : index
    %get3A_36 = arith.constant 0 : index
    %get3A_37 = vector.load %arg5[%get3A_35, %get3A_36] : memref<128x1xf32, #tpu.memory_space<vmem>>, vector<128x1xf32>
    %dot_general3A = arith.constant dense<0.000000e+00> : vector<1000x1xf32>
    %dot_general3A_38 = tpu.matmul %select_n3A, %get3A_37, %dot_general3A {dimension_numbers = #tpu.dot_dimension_numbers<[1], [0], [0], [1], [0, 0, 1, 1], [], []>, transpose_lhs_hint = false} : vector<1000x128xf32>, vector<128x1xf32>, vector<1000x1xf32> -> vector<1000x1xf32>
    %mul3A_39 = arith.mulf %slice3A_8, %dot_general3A_38 : vector<1000x1xf32>
    %broadcast_in_dim3A = vector.shape_cast %mul3A_39 : vector<1000x1xf32> to vector<1000x1xf32>
    %broadcast_in_dim3A_40 = vector.broadcast %broadcast_in_dim3A : vector<1000x1xf32> to vector<1000x8xf32>
    %swap3A = arith.constant 0 : index
    %swap3A_41 = arith.constant 0 : index
    %swap3A_42 = vector.load %arg6[%swap3A, %swap3A_41] : memref<1000x8xf32, #tpu.memory_space<vmem>>, vector<1000x8xf32>
    tpu.vector_store %arg6[%swap3A, %swap3A_41], %broadcast_in_dim3A_40 {strides = array<i32>} : memref<1000x8xf32, #tpu.memory_space<vmem>>, vector<1000x8xf32>,
    return
  }
  func.func @transform_0(%arg0: i32) -> (i32, i32, i32) {
    %c0_i32 = arith.constant 0 : i32
    %c0_i32_0 = arith.constant 0 : i32
    %c0_i32_1 = arith.constant 0 : i32
    return %c0_i32, %arg0, %c0_i32_0 : i32, i32, i32
  }
  func.func @transform_1(%arg0: i32) -> (i32, i32) {
    %c0_i32 = arith.constant 0 : i32
    %c0_i32_0 = arith.constant 0 : i32
    return %arg0, %c0_i32 : i32, i32
  }
  func.func @transform_2(%arg0: i32) -> (i32, i32, i32) {
    %c0_i32 = arith.constant 0 : i32
    %c0_i32_0 = arith.constant 0 : i32
    %c0_i32_1 = arith.constant 0 : i32
    return %c0_i32, %arg0, %c0_i32_0 : i32, i32, i32
  }
  func.func @transform_3(%arg0: i32) -> (i32, i32) {
    %c0_i32 = arith.constant 0 : i32
    %c0_i32_0 = arith.constant 0 : i32
    %c0_i32_1 = arith.constant 0 : i32
    return %c0_i32, %c0_i32_0 : i32, i32
  }
  func.func @transform_4(%arg0: i32) -> (i32, i32) {
    %c0_i32 = arith.constant 0 : i32
    %c0_i32_0 = arith.constant 0 : i32
    %c0_i32_1 = arith.constant 0 : i32
    return %c0_i32, %c0_i32_0 : i32, i32
  }
  func.func @transform_5(%arg0: i32) -> (i32, i32) {
    %c0_i32 = arith.constant 0 : i32
    %c0_i32_0 = arith.constant 0 : i32
    return %arg0, %c0_i32 : i32, i32
  }
}

module attributes {stable_mosaic.version = 14 : i64} {
  func.func @_tc_final(%arg0: i32, %arg1: memref<2x1000x8xf32, #tpu.memory_space<vmem>>, %arg2: memref<1000x8xf32, #tpu.memory_space<vmem>>, %arg3: memref<2x1000x8xf32, #tpu.memory_space<vmem>>, %arg4: memref<1x8xf32, #tpu.memory_space<vmem>>, %arg5: memref<1000x1xf32, #tpu.memory_space<vmem>>) attributes {dimension_semantics = [#tpu.dimension_semantics<arbitrary>], iteration_bounds = array<i64: 10>, scalar_prefetch = 0 : i64, scratch_operands = 0 : i64, tpu.core_type = #tpu.core_type<tc>, window_params = [{transform_indices = @transform_0, window_bounds = array<i64: 2, 1000, 8>}, {transform_indices = @transform_1, window_bounds = array<i64: 1000, 8>}, {transform_indices = @transform_2, window_bounds = array<i64: 2, 1000, 8>}, {pipeline_mode = #tpu.pipeline_mode<synchronous>, transform_indices = @transform_3, window_bounds = array<i64: 1, 8>}, {transform_indices = @transform_4, window_bounds = array<i64: 1000, 1>}]} {
    %get3A = arith.constant 0 : index
    %get3A_0 = arith.constant 0 : index
    %get3A_1 = arith.constant 0 : index
    %get3A_2 = vector.load %arg3[%get3A, %get3A_0, %get3A_1] : memref<2x1000x8xf32, #tpu.memory_space<vmem>>, vector<2x1000x8xf32>
    %slice3A = vector.extract_strided_slice %get3A_2 {offsets = [0, 0, 0], sizes = [1, 1000, 8], strides = [1, 1, 1]} : vector<2x1000x8xf32> to vector<1x1000x8xf32>
    %squeeze3A = vector.shape_cast %slice3A : vector<1x1000x8xf32> to vector<1000x8xf32>
    %slice3A_3 = vector.extract_strided_slice %get3A_2 {offsets = [1, 0, 0], sizes = [1, 1000, 8], strides = [1, 1, 1]} : vector<2x1000x8xf32> to vector<1x1000x8xf32>
    %squeeze3A_4 = vector.shape_cast %slice3A_3 : vector<1x1000x8xf32> to vector<1000x8xf32>
    %add3A = arith.addf %squeeze3A, %squeeze3A_4 : vector<1000x8xf32>
    %add3A_5 = arith.constant 1.000000e+00 : f32
    %add3A_6 = vector.broadcast %add3A_5 : f32 to vector<1000x8xf32>
    %add3A_7 = arith.addf %add3A, %add3A_6 : vector<1000x8xf32>
    %rsqrt3A = math.rsqrt %add3A_7 : vector<1000x8xf32>
    %slice3A_8 = vector.extract_strided_slice %rsqrt3A {offsets = [0, 0], sizes = [1000, 1], strides = [1, 1]} : vector<1000x8xf32> to vector<1000x1xf32>
    %get3A_9 = arith.constant 0 : index
    %get3A_10 = arith.constant 0 : index
    %get3A_11 = arith.constant 0 : index
    %get3A_12 = vector.load %arg1[%get3A_9, %get3A_10, %get3A_11] : memref<2x1000x8xf32, #tpu.memory_space<vmem>>, vector<1x1000x8xf32>
    %get3A_13 = vector.shape_cast %get3A_12 : vector<1x1000x8xf32> to vector<1000x8xf32>
    %get3A_14 = arith.constant 1 : index
    %get3A_15 = arith.constant 0 : index
    %get3A_16 = arith.constant 0 : index
    %get3A_17 = vector.load %arg1[%get3A_14, %get3A_15, %get3A_16] : memref<2x1000x8xf32, #tpu.memory_space<vmem>>, vector<1x1000x8xf32>
    %get3A_18 = vector.shape_cast %get3A_17 : vector<1x1000x8xf32> to vector<1000x8xf32>
    %add3A_19 = arith.addf %get3A_13, %get3A_18 : vector<1000x8xf32>
    %get3A_20 = arith.constant 0 : index
    %get3A_21 = arith.constant 0 : index
    %get3A_22 = vector.load %arg2[%get3A_20, %get3A_21] : memref<1000x8xf32, #tpu.memory_space<vmem>>, vector<1000x8xf32>
    %add3A_23 = arith.addf %add3A_19, %get3A_22 : vector<1000x8xf32>
    %mul3A = vector.broadcast %slice3A_8 : vector<1000x1xf32> to vector<1000x8xf32>
    %mul3A_24 = arith.mulf %mul3A, %add3A_23 : vector<1000x8xf32>
    %get3A_25 = arith.constant 0 : index
    %get3A_26 = arith.constant 0 : index
    %get3A_27 = vector.load %arg4[%get3A_25, %get3A_26] : memref<1x8xf32, #tpu.memory_space<vmem>>, vector<1x8xf32>
    %add3A_28 = vector.broadcast %get3A_27 : vector<1x8xf32> to vector<1000x8xf32>
    %add3A_29 = arith.addf %mul3A_24, %add3A_28 : vector<1000x8xf32>
    %slice3A_30 = vector.extract_strided_slice %add3A_29 {offsets = [0, 0], sizes = [1000, 1], strides = [1, 1]} : vector<1000x8xf32> to vector<1000x1xf32>
    %swap3A = arith.constant 0 : index
    %swap3A_31 = arith.constant 0 : index
    %swap3A_32 = vector.load %arg5[%swap3A, %swap3A_31] : memref<1000x1xf32, #tpu.memory_space<vmem>>, vector<1000x1xf32>
    tpu.vector_store %arg5[%swap3A, %swap3A_31], %slice3A_30 {strides = array<i32>} : memref<1000x1xf32, #tpu.memory_space<vmem>>, vector<1000x1xf32>,
    return
  }
  func.func @transform_0(%arg0: i32) -> (i32, i32, i32) {
    %c0_i32 = arith.constant 0 : i32
    %c0_i32_0 = arith.constant 0 : i32
    %c0_i32_1 = arith.constant 0 : i32
    return %c0_i32, %arg0, %c0_i32_0 : i32, i32, i32
  }
  func.func @transform_1(%arg0: i32) -> (i32, i32) {
    %c0_i32 = arith.constant 0 : i32
    %c0_i32_0 = arith.constant 0 : i32
    return %arg0, %c0_i32 : i32, i32
  }
  func.func @transform_2(%arg0: i32) -> (i32, i32, i32) {
    %c0_i32 = arith.constant 0 : i32
    %c0_i32_0 = arith.constant 0 : i32
    %c0_i32_1 = arith.constant 0 : i32
    return %c0_i32, %arg0, %c0_i32_0 : i32, i32, i32
  }
  func.func @transform_3(%arg0: i32) -> (i32, i32) {
    %c0_i32 = arith.constant 0 : i32
    %c0_i32_0 = arith.constant 0 : i32
    %c0_i32_1 = arith.constant 0 : i32
    return %c0_i32, %c0_i32_0 : i32, i32
  }
  func.func @transform_4(%arg0: i32) -> (i32, i32) {
    %c0_i32 = arith.constant 0 : i32
    %c0_i32_0 = arith.constant 0 : i32
    return %arg0, %c0_i32 : i32, i32
  }
}

</mosaic_0001>

<sc_bundles>
// kernel: kernel.10.cloned.1.call-start
scs
__scs_entry_jumppad:
0x0: {  	(pc) =	sbr.rel $0x88, $3  }
0x1: {  	(tag) =	ssettag $0x0;
	lr =	simm.s32 $0x1  }
0x2: {  	[smem:$0x3F93] =	sst lr;
	_ =	strace $0xD0000000  }
0x3: {  	_ = 	snop  }
0x4: {  	_ = 	snop  }
0x5: {  	_ = 	snop  }
0x6: {  	_ = 	snop  }
0x7: {  	_ = 	snop  }
__scs_overlays_trampoline_lowered:
0x8: {  	[smem:$0x3FA2] =	sst s0  }
0x9: {  	[smem:$0x3FA3] =	sst s1  }
0xa: {  	[smem:$0x3FA4] =	sst s2  }
0xb: {  	[smem:$0x3FA5] =	sst s3  }
0xc: {  	[smem:$0x3FA6] =	sst s4  }
0xd: {  	[smem:$0x3FA7] =	sst s5  }
0xe: {  	[smem:$0x3FA8] =	sst s6  }
0xf: {  	[smem:$0x3FA9] =	sst s7  }
0x10: {  	[smem:$0x3FAA] =	sst s8  }
0x11: {  	[smem:$0x3FAB] =	sst s9;
	s0 =	simm.s32 @!p0 $0x0  }
0x12: {  	s1 =	sld [smem:$0x3F91];
	s0 =	simm.s32 @p0 $0x1  }
0x13: {  	[smem:$0x3FAC] =	sst s0;
	s0 =	simm.s32 @!p1 $0x0  }
0x14: {  	s2 =	sld [smem:$0x3F90];
	s0 =	simm.s32 @p1 $0x1  }
0x15: {  	[smem:$0x3FAD] =	sst s0;
	s0 =	simm.s32 @!p2 $0x0  }
0x16: {  	s3 =	sld [smem:$0x3FDB];
	s0 =	simm.s32 @p2 $0x1  }
0x17: {  	s4 =	simm.s32 $0x1BF5;
	[smem:$0x3FAF] =	sst s0  }
0x18: {  	s0 =	sld [smem:$0x3F92];
	_ =	swait.ge [sflag:s4], $0x0  }
0x19: {  	s7 =	sld [smem:$0x3F93]  }
0x1a: {  	s8 =	sadd.s32 $0xFFFFE003, lr  }
0x1b: {  	s9 =	sadd.s32 $0xFFFFFEF7, lr;
	s5 =	simm.s32 $0xFFFFFFFF;
	p2 =	slt.u32 s8, $0xFFFFF086  }
0x1c: {  	p1 =	slt.u32 s9, $0xF7A;
	s5 =	simm.s32 @!p2 $0x0  }
0x1d: {  	s5 =	simm.s32 @p1 $0x1;
	p0 =	seq.s32 s7, s2  }
0x1e: {  	s7 =	smul.u32 @!p0 $0xF7A, s2;
	p2 =	seq.s32 @!p0 s5, $0x0  }
0x1f: {  	s9 =	smul.u32 $0xF7A, s1;
	s8 =	simm.s32 @!p0 $0x1BF5;
	p2 =	por !p2, p0  }
0x20: {  	[sflag:s8] =	ssyncset.s32 @!p0 $0xFFFFF086;
	s6 =	sadd.s32 @!p0 s3, s7;
	s7 =	simm.s32 @!p0 $0x108  }
0x21: {  	s3 =	sadd.s32 s3, s9;
	s6 =	sadd.s32 @!p0 $0x88, s6;
	s7 =	simm.s32 @p2 $0x1082  }
0x22: {  	[simem:s7], [sflag:s8] =	dma.local @!p0 [hbm:s6], $0xF7A  }
0x23: {  	s9 =	sor.u32 $0xD0000000, s2;
	s6 =	simm.s32 $0x108;
	_ =	swait.ge @!p0 [sflag:s8], $0x0  }
0x24: {  	s3 =	sadd.s32 $0x88, s3;
	s6 =	simm.s32 @!p1 $0x1082;
	[sflag:s4] =	ssyncset.s32 $0xFFFFF086  }
0x25: {  	[simem:s6], [sflag:s4] =	dma.local [hbm:s3], $0xF7A  }
0x26: {  	[smem:$0x3F93] =	sst s1;
	(tag) =	ssettag s2;
	_ =	strace s9  }
0x27: {  	s1 =	sld [smem:$0x3FA3]  }
0x28: {  	s2 =	sld [smem:$0x3FA4]  }
0x29: {  	s4 =	sld [smem:$0x3FA6]  }
0x2a: {  	p0 =	seq.s32 s5, $0x0;
	s5 =	sld [smem:$0x3FA7]  }
0x2b: {  	s6 =	sld [smem:$0x3FA8]  }
0x2c: {  	s7 =	sld [smem:$0x3FA9]  }
0x2d: {  	s3 =	simm.s32 $0x108;
	s8 =	sld [smem:$0x3FAA]  }
0x2e: {  	s3 =	simm.s32 @!p0 $0x1082;
	s9 =	sld [smem:$0x3FAB]  }
0x2f: {  	lr =	sadd.s32 s0, s3;
	s0 =	sld [smem:$0x3FA2]  }
0x30: {  	s3 =	sld [smem:$0x3FA5]  }
0x31: {  	[smem:$0x3FAE] =	sst s10  }
0x32: {  	s10 =	sld [smem:$0x3FAC];
	_ =	sdelay $0x3  }
0x33: {  	p0 =	seq.s32 s10, $0x1;
	s10 =	sld [smem:$0x3FAE];
	_ =	sdelay $0x3  }
0x34: {  	[smem:$0x3FAE] =	sst s10  }
0x35: {  	s10 =	sld [smem:$0x3FAD];
	_ =	sdelay $0x3  }
0x36: {  	p1 =	seq.s32 s10, $0x1;
	s10 =	sld [smem:$0x3FAE];
	_ =	sdelay $0x3  }
0x37: {  	[smem:$0x3FAE] =	sst s10  }
0x38: {  	s10 =	sld [smem:$0x3FAF]  }
0x39: {  	_ = 	snop;
	(pc) =	sbr.ind lr, $3  }
0x3a: {  	_ = 	snop  }
0x3b: {  	_ = 	snop  }
0x3c: {  	p2 =	seq.s32 s10, $0x1;
	s10 =	sld [smem:$0x3FAE]  }
0x3d: {  	_ =	shalt  }
0x3e: {  	_ =	shalt  }
0x3f: {  	_ =	shalt  }
0x40: {  	_ =	shalt  }
0x41: {  	_ =	shalt  }
0x42: {  	_ =	shalt  }
0x43: {  	_ =	shalt  }
0x44: {  	_ =	shalt  }
0x45: {  	_ =	shalt  }
0x46: {  	_ =	shalt  }
0x47: {  	_ =	shalt  }
0x48: {  	_ =	shalt  }
0x49: {  	_ =	shalt  }
0x4a: {  	_ =	shalt  }
0x4b: {  	_ =	shalt  }
0x4c: {  	_ =	shalt  }
0x4d: {  	_ =	shalt  }
0x4e: {  	_ =	shalt  }
0x4f: {  	_ =	shalt  }
0x50: {  	_ =	shalt  }
0x51: {  	_ =	shalt  }
0x52: {  	_ =	shalt  }
0x53: {  	_ =	shalt  }
0x54: {  	_ =	shalt  }
0x55: {  	_ =	shalt  }
0x56: {  	_ =	shalt  }
0x57: {  	_ =	shalt  }
0x58: {  	_ =	shalt  }
0x59: {  	_ =	shalt  }
0x5a: {  	_ =	shalt  }
0x5b: {  	_ =	shalt  }
0x5c: {  	_ =	shalt  }
0x5d: {  	_ =	shalt  }
0x5e: {  	_ =	shalt  }
0x5f: {  	_ =	shalt  }
0x60: {  	_ =	shalt  }
0x61: {  	_ =	shalt  }
0x62: {  	_ =	shalt  }
0x63: {  	_ =	shalt  }
0x64: {  	_ =	shalt  }
0x65: {  	_ =	shalt  }
0x66: {  	_ =	shalt  }
0x67: {  	_ =	shalt  }
0x68: {  	_ =	shalt  }
0x69: {  	_ =	shalt  }
0x6a: {  	_ =	shalt  }
0x6b: {  	_ =	shalt  }
0x6c: {  	_ =	shalt  }
0x6d: {  	_ =	shalt  }
0x6e: {  	_ =	shalt  }
0x6f: {  	_ =	shalt  }
0x70: {  	_ =	shalt  }
0x71: {  	_ =	shalt  }
0x72: {  	_ =	shalt  }
0x73: {  	_ =	shalt  }
0x74: {  	_ =	shalt  }
0x75: {  	_ =	shalt  }
0x76: {  	_ =	shalt  }
0x77: {  	_ =	shalt  }
0x78: {  	_ =	shalt  }
0x79: {  	_ =	shalt  }
0x7a: {  	_ =	shalt  }
0x7b: {  	_ =	shalt  }
0x7c: {  	_ =	shalt  }
0x7d: {  	_ =	shalt  }
0x7e: {  	_ =	shalt  }
0x7f: {  	_ =	shalt  }
0x80: {  	_ =	shalt  }
0x81: {  	_ =	shalt  }
0x82: {  	_ =	shalt  }
0x83: {  	_ =	shalt  }
0x84: {  	_ =	shalt  }
0x85: {  	_ =	shalt  }
0x86: {  	_ =	shalt  }
0x87: {  	_ =	shalt  }
.Lfunc_end0:
.L_simem_size_0:
called_computation_lowered:
.L_overlay_start_0:
0x88: {  	s2 =	sld [smem:$0x3FD9]  }
0x89: {  	s3 =	sld [smem:$0x3FFE];
	_ =	sdelay $0x1  }
0x8a: {  	s1 =	srdreg.scid  }
0x8b: {  	s0 =	sand.u32 $0x1, s1  }
0x8c: {  	s17 =	sshll.u32 s0, $0xA;
	s2 =	sadd.s32 s3, s2  }
0x8d: {  	s2 =	sadd.s32 s2, s17  }
0x8e: {  	[smem:$0x3FBA] =	sst s2  }
0x8f: {  	_ = 	snop  }
0x90: {  	s2 =	sld [smem:$0x3FD0];
	(tm) =	ssettm $0x1  }
0x91: {  	s18 =	sld [smem:$0x3FFB];
	_ =	sdelay $0x3  }
0x92: {  	_ =	strace s18  }
0x93: {  	s3 =	sld [smem:$0x3FFC];
	_ =	sdelay $0x3  }
0x94: {  	_ =	strace s3  }
0x95: {  	s3 =	sld [smem:$0x3FFD];
	_ =	sdelay $0x3  }
0x96: {  	_ =	strace s3  }
0x97: {  	_ =	strace $0x8FFFFFFF  }
0x98: {  	s19 =	sld [smem:$0x3FDB];
	_ =	sdelay $0x1  }
0x99: {  	s4 =	simm.s32 $_scs_section_size  }
0x9a: {  	s5 =	simm.s32 $_size__tile_overlayer_lowered;
	s6 =	simm.s32 $_tile_overlayer_lowered  }
0x9b: {  	s22 =	simm.s32 $0x1BFF;
	s21 =	sshll.u32 s6, $0x1;
	s3 =	sadd.s32 s4, s19  }
0x9c: {  	s7 =	simm.s32 $0x0;
	s20 =	sshll.u32 s5, $0x1;
	s5 =	sadd.s32 s21, s3  }
0x9d: {  	[timem:s7], [sflag:s22] =	dma.local [hbm:s5], s20  }
0x9e: {  	_ =	swait.ge [sflag:s22], s20  }
0x9f: {  	s4 =	ssub.s32 $0x0, s20;
	[sflag:s22] =	ssyncset.done $0x0  }
0xa0: {  	[sflag:s22] =	ssyncadd.s32 s4;
	_ =	sdelay $0x1  }
0xa1: {  	s23 =	simm.s32 $0x1B8B  }
0xa2: {  	_ =	swait.ge [sflag:s23], $0x1  }
0xa3: {  	[sflag:s23] =	ssyncset.done $0x0  }
0xa4: {  	s25 =	simm.s32 $0x1B8E;
	s24 =	sld [smem:$0x3FFE];
	[sflag:s23] =	ssyncadd.s32 $0xFFFFFFFF  }
0xa5: {  	s26 =	simm.s32 $execute0_lowered;
	[smem:$0x3FD2] =	sst s25  }
0xa6: {  	s5 =	sshll.u32 s26, $0x1;
	_ =	strace $0x80000046;
	[dreg:$0x1] =	wrdreg $0xFFFFFFFF  }
0xa7: {  	s28 =	simm.s32 $_size_execute0_lowered;
	s3 =	sadd.s32 s3, s5;
	[dreg:$0x0] =	wrdreg $0x0  }
0xa8: {  	s5 =	sshll.u32 s28, $0x1;
	[dreg:$0x2] =	wrdreg s3  }
0xa9: {  	[dreg:$0x3] =	wrdreg s5  }
0xaa: {  	[dreg:$0x4] =	wrdreg $0xC0  }
0xab: {  	_ =	task [dreg:s7], $0x5FFFF  }
0xac: {  	[dreg:$0x1] =	wrdreg $0xFFFFFFFF  }
0xad: {  	[dreg:$0x0] =	wrdreg $0x60  }
0xae: {  	[dreg:$0x2] =	wrdreg s24  }
0xaf: {  	[dreg:$0x3] =	wrdreg s2  }
0xb0: {  	[dreg:$0x4] =	wrdreg $0x2AE00  }
0xb1: {  	[dreg:$0x5] =	wrdreg $0x9  }
0xb2: {  	_ =	task.clear_ibuf [dreg:s7], $0x6FFFF;
	_ =	strace $0x90000046  }
0xb3: {  	s29 =	simm.s32 $0x9;
	_ =	strace $0x80000048  }
0xb4: {  	_ =	swait.ge [sflag:s29], $0x1  }
0xb5: {  	[sflag:s29] =	ssyncadd.s32 $0xFFFFFFFF  }
0xb6: {  	_ =	strace $0x90000048  }
0xb7: {  	_ =	sfence  }
0xb8: {  	s30 =	sld [smem:$0x0];
	_ =	sdelay $0x2  }
0xb9: {  	s31 =	sshll.u32 s1, $0xD;
	s1 =	sshrl.u32 s1, $0x2  }
0xba: {  	s3 =	sand.u32 $0x4000, s31;
	s1 =	sadd.s32 s1, s30  }
0xbb: {  	s0 =	sor.u32 s3, s0;
	s1 =	sshll.u32 s1, $0x11  }
0xbc: {  	s0 =	sor.u32 s1, s0  }
0xbd: {  	s0 =	sadd.s32 $0x8F2B, s0  }
0xbe: {  	[sflag:s0] =	ssyncadd.remote.s32 $0x1  }
0xbf: {  	_ =	sfence.sel $0xFFFF  }
0xc0: {  	[dreg:$0x0] =	wrdreg $0xFFFFFFFF;
	(pc) =	sbr.abs _section_cstart, $3  }
0xc1: {  	[dreg:$0x1] =	wrdreg $0xFFFFFFFF  }
0xc2: {  	_ =	task.clear_ibuf [dreg:s7], $0x2FFFF;
	_ =	strace $0x9FFFFFFF  }
0xc3: {  	(tm) =	ssettm $0x7FFFFFFF  }
tec
execute0_lowered:
.L_overlay_start_1:
0x0: {  	(tag) =	ssettag $0x1  }
0x1: {  	s5 =	rddreg [dreg:$0x0]  }
0x2: {  	s2 =	rddreg [dreg:$0x1]  }
0x3: {  	s3 =	rddreg [dreg:$0x2];
	s4 =	srdreg.scid  }
0x4: {  	s1 =	stileid.u32;
	s0 =	rddreg [dreg:$0x3];
	s12 =	simm.s32 $0x2760  }
0x5: {  	s13 =	simm.s32 $0x70;
	s14 =	simm.s32 $0x0;
	s6 =	sand.u32 $0x1, s4  }
0x6: {  	s7 =	smul.u32 $0x1390, s1;
	s4 =	simm.s32 $0x0;
	s8 =	sshll.u32 s1, $0x1  }
0x7: {  	s31 =	sshll.u32 s1, $0x6;
	s9 =	smul.u32 $0x13900, s6;
	s8 =	sor.u32 s6, s8  }
0x8: {  	[smem:$0x7FF] =	sst s4;
	s6 =	ssub.s32 $0x2, s6;
	s8 =	smul.u32 $0x4EC, s8  }
0x9: {  	_ =	strace $0x80000047;
	s10 =	sshrl.u32 s6, $0x1;
	s9 =	sadd.s32 s7, s9  }
0xa: {  	s11 =	sadd.s32 s7, s3;
	s10 =	ssub.s32 s6, s10;
	s9 =	sshrl.u32 s9, $0x3  }
0xb: {  	s6 =	sor.u32 $0x1C01, s31;
	s8 =	sadd.s32 s8, s5;
	s9 =	sadd.s32 s9, s5  }
0xc: {  	s7 =	sadd.s32 $0x3400, s8;
	s5 =	sadd.s32 $0xD200, s9;
	s8 =	sadd.s32 $0x12200, s9  }
0xd: {  	s9 =	smax.u32 s10, $0x1;
	s10 =	sshrl.u32 s11, $0x3;
	s11 =	simm.s32 $0x1  }
.LBB2_1:
0xe: {  	[spmem:s10], [sflag:s6] =	dma.local [hbm:s5], $0x272  }
0xf: {  	_ =	swait.ge [sflag:s11], $0x272  }
0x10: {  	[sflag:s11] =	ssyncset.done $0x0  }
0x11: {  	[sflag:s11] =	ssyncadd.s32 $0xFFFFFD8E  }
0x12: {  	[tilespmem:s4], [sflag:$0x1] =	stream.linear.gather [hbm4b:s7+s4], $0x2760, $0x38;
	[tilespmem:$0x3E70] =	vst v63  }
0x13: {  	_ =	swait.ge [sflag:s11], $0x2760  }
0x14: {  	[sflag:s11] =	ssyncset.done $0x0  }
0x15: {  	[sflag:s11] =	ssyncadd.s32 $0xFFFFD8A0  }
0x16: {  	[tilespmem:s12], [sflag:$0x1] =	stream.linear.gather [hbm4b:s2+s4], $0x380, $0x38;
	[tilespmem:$0x3E70] =	vst v63  }
0x17: {  	_ =	swait.ge [sflag:s11], $0x380  }
0x18: {  	[sflag:s11] =	ssyncset.done $0x0  }
0x19: {  	[sflag:s11] =	ssyncadd.s32 $0xFFFFFC80  }
0x1a: {  	s15 =	simm.s32 $0x0;
	[bflag:$0x0] =	sbarrier.arrive $0xFFFF  }
0x1b: {  	[spmem:s3] =	stream.indirect.scatter.add.f32 [tilespmem:s12], [sflag:$0x1], $0x8, s15, s13, $0xb8;
	[tilespmem:$0x3E70] =	vst v63  }
0x1c: {  	_ =	swait.ge [sflag:s11], $0x380  }
0x1d: {  	s15 =	simm.s32 $0x1C0;
	[sflag:s11] =	ssyncset.done $0x0  }
.LBB2_2:
0x1e: {  	s16 =	sshra.s32 s15, $0x2;
	[sflag:s11] =	ssyncadd.s32 $0xFFFFFC80;
	p0 =	sne.s32 s15, $0x9BC0  }
0x1f: {  	[spmem:s3] =	stream.indirect.scatter.add.f32 [tilespmem:s12], [sflag:$0x1], $0x8, s16, s13, $0xb8;
	[tilespmem:$0x3E70] =	vst v63  }
.Ltmp0:
0x20: {  	_ = 	snop;
	(pc) =	sbr.rel @p0 .LBB2_2-.Ltmp0, $4  }
0x21: {  	_ = 	snop  }
0x22: {  	s15 =	sadd.s32 $0x1C0, s15  }
0x23: {  	_ =	swait.ge [sflag:s11], $0x380  }
0x24: {  	[sflag:s11] =	ssyncset.done $0x0  }
0x25: {  	s14 =	sadd.s32 $0x1, s14  }
0x26: {  	[sflag:s11] =	ssyncadd.s32 $0xFFFFFC80;
	p0 =	sne.s32 s14, s9  }
.Ltmp1:
0x27: {  	[bflag:$0x0] =	sbarrier.arrive $0xFFFF;
	(pc) =	sbr.rel @p0 .LBB2_1-.Ltmp1, $4  }
0x28: {  	[hbm:s8], [sflag:s6] =	dma.local [spmem:s10], $0x272  }
0x29: {  	_ =	swait.ge [sflag:s11], $0x272  }
0x2a: {  	[sflag:s11] =	ssyncset.done $0x0  }
0x2b: {  	[sflag:s11] =	ssyncadd.s32 $0xFFFFFD8E  }
0x2c: {  	_ =	sfence.sel $0x180000  }
0x2d: {  	[bflag:$0x0] =	sbarrier.arrive $0xFFFF  }
0x2e: {  	p0 =	sne.s32 s1, $0x0;
	_ =	strace $0x90000047  }
0x2f: {  	s0 =	sadd.s32 @!p0 $0x100000, s0;
	[bflag:$0x2] =	sbarrier.arrive $0xFFFF  }
0x30: {  	[sflag:s0] =	ssyncadd.tile.s32 @!p0 $0x1;
	_ =	shalt  }
.Lfunc_end2:
_tile_overlayer_lowered:
.L_overlay_start_2:
0x31: {  	(tag) =	ssettag $0x2  }
0x32: {  	s0 =	rddreg [dreg:$0x0];
	s2 =	stileid.u32  }
0x33: {  	s1 =	rddreg [dreg:$0x1];
	p0 =	sne.s32 s2, $0x0  }
0x34: {  	s3 =	rddreg [dreg:$0x2];
	[bflag:$0x3] =	sbarrier.arrive $0xFFFF;
	s2 =	simm.s32 @!p0 $0x1C01  }
0x35: {  	[timem:s3], [sflag:s2] =	dma.local @!p0 [hbm:s0], s1  }
0x36: {  	s0 =	simm.s32 @!p0 $0x1  }
0x37: {  	_ =	swait.ge @!p0 [sflag:s0], s1  }
0x38: {  	s1 =	ssub.s32 @!p0 $0x0, s1;
	[sflag:s0] =	ssyncset.done @!p0 $0x0  }
0x39: {  	[sflag:s0] =	ssyncadd.s32 @!p0 s1  }
0x3a: {  	[bflag:$0x3] =	sbarrier.arrive $0xFFFF  }
0x3b: {  	_ =	shalt  }

// kernel: kernel.13.cloned.1.call-start
scs
__scs_entry_jumppad:
0x0: {  	(pc) =	sbr.rel $0x88, $3  }
0x1: {  	(tag) =	ssettag $0x0;
	lr =	simm.s32 $0x1  }
0x2: {  	[smem:$0x3F93] =	sst lr;
	_ =	strace $0xD0000000  }
0x3: {  	_ = 	snop  }
0x4: {  	_ = 	snop  }
0x5: {  	_ = 	snop  }
0x6: {  	_ = 	snop  }
0x7: {  	_ = 	snop  }
__scs_overlays_trampoline_lowered:
0x8: {  	[smem:$0x3FA2] =	sst s0  }
0x9: {  	[smem:$0x3FA3] =	sst s1  }
0xa: {  	[smem:$0x3FA4] =	sst s2  }
0xb: {  	[smem:$0x3FA5] =	sst s3  }
0xc: {  	[smem:$0x3FA6] =	sst s4  }
0xd: {  	[smem:$0x3FA7] =	sst s5  }
0xe: {  	[smem:$0x3FA8] =	sst s6  }
0xf: {  	[smem:$0x3FA9] =	sst s7  }
0x10: {  	[smem:$0x3FAA] =	sst s8  }
0x11: {  	[smem:$0x3FAB] =	sst s9;
	s0 =	simm.s32 @!p0 $0x0  }
0x12: {  	s1 =	sld [smem:$0x3F91];
	s0 =	simm.s32 @p0 $0x1  }
0x13: {  	[smem:$0x3FAC] =	sst s0;
	s0 =	simm.s32 @!p1 $0x0  }
0x14: {  	s2 =	sld [smem:$0x3F90];
	s0 =	simm.s32 @p1 $0x1  }
0x15: {  	[smem:$0x3FAD] =	sst s0;
	s0 =	simm.s32 @!p2 $0x0  }
0x16: {  	s3 =	sld [smem:$0x3FDB];
	s0 =	simm.s32 @p2 $0x1  }
0x17: {  	s4 =	simm.s32 $0x1BF5;
	[smem:$0x3FAF] =	sst s0  }
0x18: {  	s0 =	sld [smem:$0x3F92];
	_ =	swait.ge [sflag:s4], $0x0  }
0x19: {  	s7 =	sld [smem:$0x3F93]  }
0x1a: {  	s8 =	sadd.s32 $0xFFFFE003, lr  }
0x1b: {  	s9 =	sadd.s32 $0xFFFFFEF7, lr;
	s5 =	simm.s32 $0xFFFFFFFF;
	p2 =	slt.u32 s8, $0xFFFFF086  }
0x1c: {  	p1 =	slt.u32 s9, $0xF7A;
	s5 =	simm.s32 @!p2 $0x0  }
0x1d: {  	s5 =	simm.s32 @p1 $0x1;
	p0 =	seq.s32 s7, s2  }
0x1e: {  	s7 =	smul.u32 @!p0 $0xF7A, s2;
	p2 =	seq.s32 @!p0 s5, $0x0  }
0x1f: {  	s9 =	smul.u32 $0xF7A, s1;
	s8 =	simm.s32 @!p0 $0x1BF5;
	p2 =	por !p2, p0  }
0x20: {  	[sflag:s8] =	ssyncset.s32 @!p0 $0xFFFFF086;
	s6 =	sadd.s32 @!p0 s3, s7;
	s7 =	simm.s32 @!p0 $0x108  }
0x21: {  	s3 =	sadd.s32 s3, s9;
	s6 =	sadd.s32 @!p0 $0x88, s6;
	s7 =	simm.s32 @p2 $0x1082  }
0x22: {  	[simem:s7], [sflag:s8] =	dma.local @!p0 [hbm:s6], $0xF7A  }
0x23: {  	s9 =	sor.u32 $0xD0000000, s2;
	s6 =	simm.s32 $0x108;
	_ =	swait.ge @!p0 [sflag:s8], $0x0  }
0x24: {  	s3 =	sadd.s32 $0x88, s3;
	s6 =	simm.s32 @!p1 $0x1082;
	[sflag:s4] =	ssyncset.s32 $0xFFFFF086  }
0x25: {  	[simem:s6], [sflag:s4] =	dma.local [hbm:s3], $0xF7A  }
0x26: {  	[smem:$0x3F93] =	sst s1;
	(tag) =	ssettag s2;
	_ =	strace s9  }
0x27: {  	s1 =	sld [smem:$0x3FA3]  }
0x28: {  	s2 =	sld [smem:$0x3FA4]  }
0x29: {  	s4 =	sld [smem:$0x3FA6]  }
0x2a: {  	p0 =	seq.s32 s5, $0x0;
	s5 =	sld [smem:$0x3FA7]  }
0x2b: {  	s6 =	sld [smem:$0x3FA8]  }
0x2c: {  	s7 =	sld [smem:$0x3FA9]  }
0x2d: {  	s3 =	simm.s32 $0x108;
	s8 =	sld [smem:$0x3FAA]  }
0x2e: {  	s3 =	simm.s32 @!p0 $0x1082;
	s9 =	sld [smem:$0x3FAB]  }
0x2f: {  	lr =	sadd.s32 s0, s3;
	s0 =	sld [smem:$0x3FA2]  }
0x30: {  	s3 =	sld [smem:$0x3FA5]  }
0x31: {  	[smem:$0x3FAE] =	sst s10  }
0x32: {  	s10 =	sld [smem:$0x3FAC];
	_ =	sdelay $0x3  }
0x33: {  	p0 =	seq.s32 s10, $0x1;
	s10 =	sld [smem:$0x3FAE];
	_ =	sdelay $0x3  }
0x34: {  	[smem:$0x3FAE] =	sst s10  }
0x35: {  	s10 =	sld [smem:$0x3FAD];
	_ =	sdelay $0x3  }
0x36: {  	p1 =	seq.s32 s10, $0x1;
	s10 =	sld [smem:$0x3FAE];
	_ =	sdelay $0x3  }
0x37: {  	[smem:$0x3FAE] =	sst s10  }
0x38: {  	s10 =	sld [smem:$0x3FAF]  }
0x39: {  	_ = 	snop;
	(pc) =	sbr.ind lr, $3  }
0x3a: {  	_ = 	snop  }
0x3b: {  	_ = 	snop  }
0x3c: {  	p2 =	seq.s32 s10, $0x1;
	s10 =	sld [smem:$0x3FAE]  }
0x3d: {  	_ =	shalt  }
0x3e: {  	_ =	shalt  }
0x3f: {  	_ =	shalt  }
0x40: {  	_ =	shalt  }
0x41: {  	_ =	shalt  }
0x42: {  	_ =	shalt  }
0x43: {  	_ =	shalt  }
0x44: {  	_ =	shalt  }
0x45: {  	_ =	shalt  }
0x46: {  	_ =	shalt  }
0x47: {  	_ =	shalt  }
0x48: {  	_ =	shalt  }
0x49: {  	_ =	shalt  }
0x4a: {  	_ =	shalt  }
0x4b: {  	_ =	shalt  }
0x4c: {  	_ =	shalt  }
0x4d: {  	_ =	shalt  }
0x4e: {  	_ =	shalt  }
0x4f: {  	_ =	shalt  }
0x50: {  	_ =	shalt  }
0x51: {  	_ =	shalt  }
0x52: {  	_ =	shalt  }
0x53: {  	_ =	shalt  }
0x54: {  	_ =	shalt  }
0x55: {  	_ =	shalt  }
0x56: {  	_ =	shalt  }
0x57: {  	_ =	shalt  }
0x58: {  	_ =	shalt  }
0x59: {  	_ =	shalt  }
0x5a: {  	_ =	shalt  }
0x5b: {  	_ =	shalt  }
0x5c: {  	_ =	shalt  }
0x5d: {  	_ =	shalt  }
0x5e: {  	_ =	shalt  }
0x5f: {  	_ =	shalt  }
0x60: {  	_ =	shalt  }
0x61: {  	_ =	shalt  }
0x62: {  	_ =	shalt  }
0x63: {  	_ =	shalt  }
0x64: {  	_ =	shalt  }
0x65: {  	_ =	shalt  }
0x66: {  	_ =	shalt  }
0x67: {  	_ =	shalt  }
0x68: {  	_ =	shalt  }
0x69: {  	_ =	shalt  }
0x6a: {  	_ =	shalt  }
0x6b: {  	_ =	shalt  }
0x6c: {  	_ =	shalt  }
0x6d: {  	_ =	shalt  }
0x6e: {  	_ =	shalt  }
0x6f: {  	_ =	shalt  }
0x70: {  	_ =	shalt  }
0x71: {  	_ =	shalt  }
0x72: {  	_ =	shalt  }
0x73: {  	_ =	shalt  }
0x74: {  	_ =	shalt  }
0x75: {  	_ =	shalt  }
0x76: {  	_ =	shalt  }
0x77: {  	_ =	shalt  }
0x78: {  	_ =	shalt  }
0x79: {  	_ =	shalt  }
0x7a: {  	_ =	shalt  }
0x7b: {  	_ =	shalt  }
0x7c: {  	_ =	shalt  }
0x7d: {  	_ =	shalt  }
0x7e: {  	_ =	shalt  }
0x7f: {  	_ =	shalt  }
0x80: {  	_ =	shalt  }
0x81: {  	_ =	shalt  }
0x82: {  	_ =	shalt  }
0x83: {  	_ =	shalt  }
0x84: {  	_ =	shalt  }
0x85: {  	_ =	shalt  }
0x86: {  	_ =	shalt  }
0x87: {  	_ =	shalt  }
.Lfunc_end0:
.L_simem_size_0:
called_computation.1_lowered:
.L_overlay_start_0:
0x88: {  	s2 =	sld [smem:$0x3FD9]  }
0x89: {  	s3 =	sld [smem:$0x3FFE];
	_ =	sdelay $0x1  }
0x8a: {  	s1 =	srdreg.scid  }
0x8b: {  	s0 =	sand.u32 $0x1, s1  }
0x8c: {  	s16 =	sshll.u32 s0, $0xA;
	s2 =	sadd.s32 s3, s2  }
0x8d: {  	s2 =	sadd.s32 s2, s16  }
0x8e: {  	[smem:$0x3FBA] =	sst s2  }
0x8f: {  	_ = 	snop  }
0x90: {  	(tm) =	ssettm $0x1  }
0x91: {  	s17 =	sld [smem:$0x3FFB];
	_ =	sdelay $0x3  }
0x92: {  	_ =	strace s17  }
0x93: {  	s2 =	sld [smem:$0x3FFC];
	_ =	sdelay $0x3  }
0x94: {  	_ =	strace s2  }
0x95: {  	s2 =	sld [smem:$0x3FFD];
	_ =	sdelay $0x3  }
0x96: {  	_ =	strace s2  }
0x97: {  	_ =	strace $0x8FFFFFFF  }
0x98: {  	s18 =	sld [smem:$0x3FDB];
	_ =	sdelay $0x1  }
0x99: {  	s19 =	simm.s32 $_scs_section_size  }
0x9a: {  	s4 =	simm.s32 $_size__tile_overlayer_lowered;
	s5 =	simm.s32 $_tile_overlayer_lowered  }
0x9b: {  	s22 =	simm.s32 $0x1BFF;
	s21 =	sshll.u32 s5, $0x1;
	s2 =	sadd.s32 s19, s18  }
0x9c: {  	s6 =	simm.s32 $0x0;
	s20 =	sshll.u32 s4, $0x1;
	s4 =	sadd.s32 s21, s2  }
0x9d: {  	[timem:s6], [sflag:s22] =	dma.local [hbm:s4], s20  }
0x9e: {  	_ =	swait.ge [sflag:s22], s20  }
0x9f: {  	s3 =	ssub.s32 $0x0, s20;
	[sflag:s22] =	ssyncset.done $0x0  }
0xa0: {  	[sflag:s22] =	ssyncadd.s32 s3;
	_ =	sdelay $0x1  }
0xa1: {  	s23 =	simm.s32 $0x1B8B  }
0xa2: {  	_ =	swait.ge [sflag:s23], $0x1  }
0xa3: {  	[sflag:s23] =	ssyncset.done $0x0  }
0xa4: {  	s25 =	simm.s32 $0x1B8E;
	s24 =	sld [smem:$0x3FFE];
	[sflag:s23] =	ssyncadd.s32 $0xFFFFFFFF  }
0xa5: {  	s26 =	simm.s32 $execute0_lowered;
	[smem:$0x3FD2] =	sst s25  }
0xa6: {  	s4 =	sshll.u32 s26, $0x1;
	_ =	strace $0x80000049;
	[dreg:$0x1] =	wrdreg $0xFFFFFFFF  }
0xa7: {  	s28 =	simm.s32 $_size_execute0_lowered;
	s2 =	sadd.s32 s2, s4;
	[dreg:$0x0] =	wrdreg $0x0  }
0xa8: {  	s4 =	sshll.u32 s28, $0x1;
	[dreg:$0x2] =	wrdreg s2  }
0xa9: {  	[dreg:$0x3] =	wrdreg s4  }
0xaa: {  	[dreg:$0x4] =	wrdreg $0xC0  }
0xab: {  	_ =	task [dreg:s6], $0x5FFFF  }
0xac: {  	[dreg:$0x1] =	wrdreg $0xFFFFFFFF  }
0xad: {  	[dreg:$0x0] =	wrdreg $0x60  }
0xae: {  	[dreg:$0x2] =	wrdreg s24  }
0xaf: {  	[dreg:$0x3] =	wrdreg $0xBEC00  }
0xb0: {  	[dreg:$0x4] =	wrdreg $0x9  }
0xb1: {  	_ =	task.clear_ibuf [dreg:s6], $0x5FFFF;
	_ =	strace $0x90000049  }
0xb2: {  	s29 =	simm.s32 $0x9;
	_ =	strace $0x8000004B  }
0xb3: {  	_ =	swait.ge [sflag:s29], $0x1  }
0xb4: {  	[sflag:s29] =	ssyncadd.s32 $0xFFFFFFFF  }
0xb5: {  	_ =	strace $0x9000004B  }
0xb6: {  	_ =	sfence  }
0xb7: {  	s30 =	sld [smem:$0x0];
	_ =	sdelay $0x2  }
0xb8: {  	s31 =	sshll.u32 s1, $0xD;
	s1 =	sshrl.u32 s1, $0x2  }
0xb9: {  	s3 =	sand.u32 $0x4000, s31;
	s1 =	sadd.s32 s1, s30  }
0xba: {  	s0 =	sor.u32 s3, s0;
	s1 =	sshll.u32 s1, $0x11  }
0xbb: {  	s0 =	sor.u32 s1, s0  }
0xbc: {  	s0 =	sadd.s32 $0x8F2B, s0  }
0xbd: {  	[sflag:s0] =	ssyncadd.remote.s32 $0x1  }
0xbe: {  	_ =	sfence.sel $0xFFFF  }
0xbf: {  	[dreg:$0x0] =	wrdreg $0xFFFFFFFF;
	(pc) =	sbr.abs _section_cstart, $3  }
0xc0: {  	[dreg:$0x1] =	wrdreg $0xFFFFFFFF  }
0xc1: {  	_ =	task.clear_ibuf [dreg:s6], $0x2FFFF;
	_ =	strace $0x9FFFFFFF  }
0xc2: {  	(tm) =	ssettm $0x7FFFFFFF  }
0xc3: {  	_ =	shalt  }
tec
execute0_lowered:
.L_overlay_start_1:
0x0: {  	(tag) =	ssettag $0x1  }
0x1: {  	s5 =	rddreg [dreg:$0x0]  }
0x2: {  	s2 =	rddreg [dreg:$0x1]  }
0x3: {  	s0 =	rddreg [dreg:$0x2]  }
0x4: {  	s3 =	srdreg.scid;
	s1 =	stileid.u32;
	s13 =	simm.s32 $0x2760  }
0x5: {  	s14 =	simm.s32 $0x70;
	s15 =	simm.s32 $0x4EC0;
	s16 =	simm.s32 $0x86C0  }
0x6: {  	s17 =	simm.s32 $0x1;
	s18 =	simm.s32 $0x2;
	s19 =	simm.s32 $0x26F0  }
0x7: {  	s20 =	simm.s32 $0x4DE0;
	s21 =	simm.s32 $0x4E50;
	s22 =	simm.s32 $0x0  }
0x8: {  	s4 =	sand.u32 $0x1, s3;
	s6 =	sshll.u32 s1, $0x1;
	s7 =	smul.u32 $0x13900, s1  }
0x9: {  	s3 =	simm.s32 $0x0;
	s31 =	sshll.u32 s1, $0x6;
	s6 =	sor.u32 s4, s6  }
0xa: {  	s8 =	smul.u32 $0x139000, s4;
	[smem:$0x7FF] =	sst s3;
	s29 =	ssub.s32 $0x2, s4  }
0xb: {  	s4 =	sadd.s32 $0x6F400, s5;
	s6 =	smul.u32 $0x4EC, s6;
	_ =	strace $0x8000004A  }
0xc: {  	s30 =	sshrl.u32 s29, $0x1;
	s12 =	sadd.s32 s7, s2;
	s8 =	sadd.s32 s7, s8  }
0xd: {  	s11 =	ssub.s32 s29, s30;
	s9 =	sadd.s32 s6, s5;
	s28 =	sshrl.u32 s8, $0x3  }
0xe: {  	s6 =	sor.u32 $0x1C03, s31;
	s10 =	sadd.s32 s28, s5;
	s7 =	sadd.s32 $0x17200, s9  }
0xf: {  	s8 =	sadd.s32 $0x3400, s9;
	s5 =	sadd.s32 $0x96600, s10;
	s9 =	sadd.s32 $0xE4A00, s10  }
0x10: {  	s10 =	smax.u32 s11, $0x1;
	s11 =	sshrl.u32 s12, $0x3;
	s12 =	simm.s32 $0x3  }
.LBB2_1:
0x11: {  	[spmem:s11], [sflag:s6] =	dma.local [hbm:s5], $0x2720  }
0x12: {  	_ =	swait.ge [sflag:s12], $0x2720  }
0x13: {  	[sflag:s12] =	ssyncset.done $0x0  }
0x14: {  	[sflag:s12] =	ssyncadd.s32 $0xFFFFD8E0  }
0x15: {  	[tilespmem:s3], [sflag:$0x3] =	stream.linear.gather [hbm4b:s7+s3], $0x2760, $0x38;
	[tilespmem:$0x1F7C0] =	vst v63  }
0x16: {  	_ =	swait.ge [sflag:s12], $0x2760  }
0x17: {  	[sflag:s12] =	ssyncset.done $0x0  }
0x18: {  	[sflag:s12] =	ssyncadd.s32 $0xFFFFD8A0  }
0x19: {  	[tilespmem:s13], [sflag:$0x3] =	stream.linear.gather [hbm4b:s8+s3], $0x2760, $0x38;
	[tilespmem:$0x1F7C0] =	vst v63  }
0x1a: {  	_ =	swait.ge [sflag:s12], $0x2760  }
0x1b: {  	[sflag:s12] =	ssyncset.done $0x0  }
0x1c: {  	[sflag:s12] =	ssyncadd.s32 $0xFFFFD8A0  }
0x1d: {  	[bflag:$0x0] =	sbarrier.arrive $0xFFFF  }
0x1e: {  	[tilespmem:s15], [sflag:$0x1] =	stream.indirect.gather [hbm4b:s4+s14], $0x80, s3, s14, $0xb8;
	[tilespmem:$0x1F7C0] =	vst v63  }
0x1f: {  	s23 =	simm.s32 $0x70  }
0x20: {  	[tilespmem:s16], [sflag:$0x2] =	stream.indirect.gather [hbm4b:s4+s14], $0x80, s23, s14, $0xb8;
	[tilespmem:$0x1F7C0] =	vst v63  }
0x21: {  	_ =	swait.ge [sflag:s17], $0x3800  }
0x22: {  	[sflag:s17] =	ssyncset.done $0x0  }
0x23: {  	s29 =	simm.s32 $0x2760;
	[sflag:s17] =	ssyncadd.s32 $0xFFFFC800  }
0x24: {  	[spmem:s2] =	stream.indirect.scatter.add.f32 [tilespmem:s15], [sflag:$0x3], $0x80, s29, s14, $0xb8;
	[tilespmem:$0x1F7C0] =	vst v63  }
0x25: {  	_ =	swait.ge [sflag:s12], $0x3800  }
0x26: {  	[sflag:s12] =	ssyncset.done $0x0  }
0x27: {  	s30 =	simm.s32 $0xE0;
	[sflag:s12] =	ssyncadd.s32 $0xFFFFC800  }
0x28: {  	[tilespmem:s15], [sflag:$0x1] =	stream.indirect.gather [hbm4b:s4+s14], $0x80, s30, s14, $0xb8;
	[tilespmem:$0x1F7C0] =	vst v63  }
0x29: {  	_ =	swait.ge [sflag:s18], $0x3800  }
0x2a: {  	[sflag:s18] =	ssyncset.done $0x0  }
0x2b: {  	s31 =	simm.s32 $0x27D0;
	[sflag:s18] =	ssyncadd.s32 $0xFFFFC800  }
0x2c: {  	[spmem:s2] =	stream.indirect.scatter.add.f32 [tilespmem:s16], [sflag:$0x3], $0x80, s31, s14, $0xb8;
	[tilespmem:$0x1F7C0] =	vst v63  }
0x2d: {  	_ =	swait.ge [sflag:s12], $0x3800  }
0x2e: {  	s24 =	simm.s32 $0x700;
	s23 =	simm.s32 $0xE0;
	[sflag:s12] =	ssyncset.done $0x0  }
.LBB2_2:
0x2f: {  	s25 =	sadd.s32 $0x70, s23  }
0x30: {  	[sflag:s12] =	ssyncadd.s32 $0xFFFFC800;
	s26 =	smov.u32 s24;
	s28 =	sadd.s32 $0x380, s24  }
0x31: {  	[tilespmem:s16], [sflag:$0x2] =	stream.indirect.gather [hbm4b:s4+s14], $0x80, s25, s14, $0xb8;
	[tilespmem:$0x1F7C0] =	vst v63  }
0x32: {  	p0 =	sne.s32 s24, $0x9680;
	_ =	swait.ge [sflag:s17], $0x3800  }
0x33: {  	[sflag:s17] =	ssyncset.done $0x0  }
0x34: {  	s24 =	sadd.s32 $0x2760, s23;
	[sflag:s17] =	ssyncadd.s32 $0xFFFFC800  }
0x35: {  	[spmem:s2] =	stream.indirect.scatter.add.f32 [tilespmem:s15], [sflag:$0x3], $0x80, s24, s14, $0xb8;
	[tilespmem:$0x1F7C0] =	vst v63  }
0x36: {  	_ =	swait.ge [sflag:s12], $0x3800  }
0x37: {  	[sflag:s12] =	ssyncset.done $0x0  }
0x38: {  	s24 =	sadd.s32 $0xE0, s23;
	[sflag:s12] =	ssyncadd.s32 $0xFFFFC800  }
0x39: {  	[tilespmem:s15], [sflag:$0x1] =	stream.indirect.gather [hbm4b:s4+s14], $0x80, s24, s14, $0xb8;
	[tilespmem:$0x1F7C0] =	vst v63  }
0x3a: {  	_ =	swait.ge [sflag:s18], $0x3800  }
.Ltmp0:
0x3b: {  	[sflag:s18] =	ssyncset.done $0x0;
	(pc) =	sbr.rel @p0 .LBB2_2-.Ltmp0, $4  }
0x3c: {  	s23 =	sadd.s32 $0x27D0, s23;
	[sflag:s18] =	ssyncadd.s32 $0xFFFFC800  }
0x3d: {  	[spmem:s2] =	stream.indirect.scatter.add.f32 [tilespmem:s16], [sflag:$0x3], $0x80, s23, s14, $0xb8;
	[tilespmem:$0x1F7C0] =	vst v63  }
0x3e: {  	_ =	swait.ge [sflag:s12], $0x3800  }
0x3f: {  	s24 =	smov.u32 s28;
	s23 =	sshra.s32 s26, $0x2;
	[sflag:s12] =	ssyncset.done $0x0  }
0x40: {  	s24 =	sadd.s32 $0x70, s23;
	[sflag:s12] =	ssyncadd.s32 $0xFFFFC800  }
0x41: {  	[tilespmem:s16], [sflag:$0x2] =	stream.indirect.gather [hbm4b:s4+s14], $0x80, s24, s14, $0xb8;
	[tilespmem:$0x1F7C0] =	vst v63  }
0x42: {  	_ =	swait.ge [sflag:s17], $0x3800  }
0x43: {  	[sflag:s17] =	ssyncset.done $0x0  }
0x44: {  	s29 =	sadd.s32 $0x2760, s23;
	[sflag:s17] =	ssyncadd.s32 $0xFFFFC800  }
0x45: {  	[spmem:s2] =	stream.indirect.scatter.add.f32 [tilespmem:s15], [sflag:$0x3], $0x80, s29, s14, $0xb8;
	[tilespmem:$0x1F7C0] =	vst v63  }
0x46: {  	_ =	swait.ge [sflag:s12], $0x3800  }
0x47: {  	[sflag:s12] =	ssyncset.done $0x0  }
0x48: {  	s30 =	sadd.s32 $0xE0, s23;
	[sflag:s12] =	ssyncadd.s32 $0xFFFFC800  }
0x49: {  	[tilespmem:s15], [sflag:$0x1] =	stream.indirect.gather [hbm4b:s4+s14], $0x80, s30, s14, $0xb8;
	[tilespmem:$0x1F7C0] =	vst v63  }
0x4a: {  	_ =	swait.ge [sflag:s18], $0x3800  }
0x4b: {  	[sflag:s18] =	ssyncset.done $0x0  }
0x4c: {  	s31 =	sadd.s32 $0x27D0, s23;
	[sflag:s18] =	ssyncadd.s32 $0xFFFFC800  }
0x4d: {  	[spmem:s2] =	stream.indirect.scatter.add.f32 [tilespmem:s16], [sflag:$0x3], $0x80, s31, s14, $0xb8;
	[tilespmem:$0x1F7C0] =	vst v63  }
0x4e: {  	_ =	swait.ge [sflag:s12], $0x3800  }
0x4f: {  	[sflag:s12] =	ssyncset.done $0x0  }
0x50: {  	[sflag:s12] =	ssyncadd.s32 $0xFFFFC800  }
0x51: {  	[tilespmem:s16], [sflag:$0x2] =	stream.indirect.gather [hbm4b:s4+s14], $0x80, s19, s14, $0xb8;
	[tilespmem:$0x1F7C0] =	vst v63  }
0x52: {  	_ =	swait.ge [sflag:s17], $0x3800  }
0x53: {  	[sflag:s17] =	ssyncset.done $0x0  }
0x54: {  	[sflag:s17] =	ssyncadd.s32 $0xFFFFC800  }
0x55: {  	[spmem:s2] =	stream.indirect.scatter.add.f32 [tilespmem:s15], [sflag:$0x3], $0x80, s20, s14, $0xb8;
	[tilespmem:$0x1F7C0] =	vst v63  }
0x56: {  	_ =	swait.ge [sflag:s12], $0x3800  }
0x57: {  	[sflag:s12] =	ssyncset.done $0x0  }
0x58: {  	[sflag:s12] =	ssyncadd.s32 $0xFFFFC800  }
0x59: {  	_ =	swait.ge [sflag:s18], $0x3800  }
0x5a: {  	[sflag:s18] =	ssyncset.done $0x0  }
0x5b: {  	[sflag:s18] =	ssyncadd.s32 $0xFFFFC800  }
0x5c: {  	[spmem:s2] =	stream.indirect.scatter.add.f32 [tilespmem:s16], [sflag:$0x3], $0x80, s21, s14, $0xb8;
	[tilespmem:$0x1F7C0] =	vst v63  }
0x5d: {  	_ =	swait.ge [sflag:s12], $0x3800  }
0x5e: {  	s22 =	sadd.s32 $0x1, s22;
	[sflag:s12] =	ssyncset.done $0x0  }
0x5f: {  	p0 =	sne.s32 s22, s10;
	[sflag:s12] =	ssyncadd.s32 $0xFFFFC800  }
.Ltmp1:
0x60: {  	[bflag:$0x0] =	sbarrier.arrive $0xFFFF;
	(pc) =	sbr.rel @p0 .LBB2_1-.Ltmp1, $4  }
0x61: {  	[hbm:s9], [sflag:s6] =	dma.local [spmem:s11], $0x2720  }
0x62: {  	_ =	swait.ge [sflag:s12], $0x2720  }
0x63: {  	[sflag:s12] =	ssyncset.done $0x0  }
0x64: {  	[sflag:s12] =	ssyncadd.s32 $0xFFFFD8E0  }
0x65: {  	_ =	sfence.sel $0x180000  }
0x66: {  	[bflag:$0x0] =	sbarrier.arrive $0xFFFF  }
0x67: {  	p0 =	sne.s32 s1, $0x0;
	_ =	strace $0x9000004A  }
0x68: {  	s0 =	sadd.s32 @!p0 $0x100000, s0;
	[bflag:$0x2] =	sbarrier.arrive $0xFFFF  }
0x69: {  	[sflag:s0] =	ssyncadd.tile.s32 @!p0 $0x1;
	_ =	shalt  }
.Lfunc_end2:
_tile_overlayer_lowered:
.L_overlay_start_2:
0x6a: {  	(tag) =	ssettag $0x2  }
0x6b: {  	s0 =	rddreg [dreg:$0x0];
	s2 =	stileid.u32  }
0x6c: {  	s1 =	rddreg [dreg:$0x1];
	p0 =	sne.s32 s2, $0x0  }
0x6d: {  	s3 =	rddreg [dreg:$0x2];
	[bflag:$0x3] =	sbarrier.arrive $0xFFFF;
	s2 =	simm.s32 @!p0 $0x1C03  }
0x6e: {  	[timem:s3], [sflag:s2] =	dma.local @!p0 [hbm:s0], s1  }
0x6f: {  	s0 =	simm.s32 @!p0 $0x3  }
0x70: {  	_ =	swait.ge @!p0 [sflag:s0], s1  }
0x71: {  	s1 =	ssub.s32 @!p0 $0x0, s1;
	[sflag:s0] =	ssyncset.done @!p0 $0x0  }
0x72: {  	[sflag:s0] =	ssyncadd.s32 @!p0 s1  }
0x73: {  	[bflag:$0x3] =	sbarrier.arrive $0xFFFF  }
0x74: {  	_ =	shalt  }

// kernel: kernel.16.cloned.1.call-start
scs
__scs_entry_jumppad:
0x0: {  	(pc) =	sbr.rel $0x88, $3  }
0x1: {  	(tag) =	ssettag $0x0;
	lr =	simm.s32 $0x1  }
0x2: {  	[smem:$0x3F93] =	sst lr;
	_ =	strace $0xD0000000  }
0x3: {  	_ = 	snop  }
0x4: {  	_ = 	snop  }
0x5: {  	_ = 	snop  }
0x6: {  	_ = 	snop  }
0x7: {  	_ = 	snop  }
__scs_overlays_trampoline_lowered:
0x8: {  	[smem:$0x3FA2] =	sst s0  }
0x9: {  	[smem:$0x3FA3] =	sst s1  }
0xa: {  	[smem:$0x3FA4] =	sst s2  }
0xb: {  	[smem:$0x3FA5] =	sst s3  }
0xc: {  	[smem:$0x3FA6] =	sst s4  }
0xd: {  	[smem:$0x3FA7] =	sst s5  }
0xe: {  	[smem:$0x3FA8] =	sst s6  }
0xf: {  	[smem:$0x3FA9] =	sst s7  }
0x10: {  	[smem:$0x3FAA] =	sst s8  }
0x11: {  	[smem:$0x3FAB] =	sst s9;
	s0 =	simm.s32 @!p0 $0x0  }
0x12: {  	s1 =	sld [smem:$0x3F91];
	s0 =	simm.s32 @p0 $0x1  }
0x13: {  	[smem:$0x3FAC] =	sst s0;
	s0 =	simm.s32 @!p1 $0x0  }
0x14: {  	s2 =	sld [smem:$0x3F90];
	s0 =	simm.s32 @p1 $0x1  }
0x15: {  	[smem:$0x3FAD] =	sst s0;
	s0 =	simm.s32 @!p2 $0x0  }
0x16: {  	s3 =	sld [smem:$0x3FDB];
	s0 =	simm.s32 @p2 $0x1  }
0x17: {  	s4 =	simm.s32 $0x1BF5;
	[smem:$0x3FAF] =	sst s0  }
0x18: {  	s0 =	sld [smem:$0x3F92];
	_ =	swait.ge [sflag:s4], $0x0  }
0x19: {  	s7 =	sld [smem:$0x3F93]  }
0x1a: {  	s8 =	sadd.s32 $0xFFFFE003, lr  }
0x1b: {  	s9 =	sadd.s32 $0xFFFFFEF7, lr;
	s5 =	simm.s32 $0xFFFFFFFF;
	p2 =	slt.u32 s8, $0xFFFFF086  }
0x1c: {  	p1 =	slt.u32 s9, $0xF7A;
	s5 =	simm.s32 @!p2 $0x0  }
0x1d: {  	s5 =	simm.s32 @p1 $0x1;
	p0 =	seq.s32 s7, s2  }
0x1e: {  	s7 =	smul.u32 @!p0 $0xF7A, s2;
	p2 =	seq.s32 @!p0 s5, $0x0  }
0x1f: {  	s9 =	smul.u32 $0xF7A, s1;
	s8 =	simm.s32 @!p0 $0x1BF5;
	p2 =	por !p2, p0  }
0x20: {  	[sflag:s8] =	ssyncset.s32 @!p0 $0xFFFFF086;
	s6 =	sadd.s32 @!p0 s3, s7;
	s7 =	simm.s32 @!p0 $0x108  }
0x21: {  	s3 =	sadd.s32 s3, s9;
	s6 =	sadd.s32 @!p0 $0x88, s6;
	s7 =	simm.s32 @p2 $0x1082  }
0x22: {  	[simem:s7], [sflag:s8] =	dma.local @!p0 [hbm:s6], $0xF7A  }
0x23: {  	s9 =	sor.u32 $0xD0000000, s2;
	s6 =	simm.s32 $0x108;
	_ =	swait.ge @!p0 [sflag:s8], $0x0  }
0x24: {  	s3 =	sadd.s32 $0x88, s3;
	s6 =	simm.s32 @!p1 $0x1082;
	[sflag:s4] =	ssyncset.s32 $0xFFFFF086  }
0x25: {  	[simem:s6], [sflag:s4] =	dma.local [hbm:s3], $0xF7A  }
0x26: {  	[smem:$0x3F93] =	sst s1;
	(tag) =	ssettag s2;
	_ =	strace s9  }
0x27: {  	s1 =	sld [smem:$0x3FA3]  }
0x28: {  	s2 =	sld [smem:$0x3FA4]  }
0x29: {  	s4 =	sld [smem:$0x3FA6]  }
0x2a: {  	p0 =	seq.s32 s5, $0x0;
	s5 =	sld [smem:$0x3FA7]  }
0x2b: {  	s6 =	sld [smem:$0x3FA8]  }
0x2c: {  	s7 =	sld [smem:$0x3FA9]  }
0x2d: {  	s3 =	simm.s32 $0x108;
	s8 =	sld [smem:$0x3FAA]  }
0x2e: {  	s3 =	simm.s32 @!p0 $0x1082;
	s9 =	sld [smem:$0x3FAB]  }
0x2f: {  	lr =	sadd.s32 s0, s3;
	s0 =	sld [smem:$0x3FA2]  }
0x30: {  	s3 =	sld [smem:$0x3FA5]  }
0x31: {  	[smem:$0x3FAE] =	sst s10  }
0x32: {  	s10 =	sld [smem:$0x3FAC];
	_ =	sdelay $0x3  }
0x33: {  	p0 =	seq.s32 s10, $0x1;
	s10 =	sld [smem:$0x3FAE];
	_ =	sdelay $0x3  }
0x34: {  	[smem:$0x3FAE] =	sst s10  }
0x35: {  	s10 =	sld [smem:$0x3FAD];
	_ =	sdelay $0x3  }
0x36: {  	p1 =	seq.s32 s10, $0x1;
	s10 =	sld [smem:$0x3FAE];
	_ =	sdelay $0x3  }
0x37: {  	[smem:$0x3FAE] =	sst s10  }
0x38: {  	s10 =	sld [smem:$0x3FAF]  }
0x39: {  	_ = 	snop;
	(pc) =	sbr.ind lr, $3  }
0x3a: {  	_ = 	snop  }
0x3b: {  	_ = 	snop  }
0x3c: {  	p2 =	seq.s32 s10, $0x1;
	s10 =	sld [smem:$0x3FAE]  }
0x3d: {  	_ =	shalt  }
0x3e: {  	_ =	shalt  }
0x3f: {  	_ =	shalt  }
0x40: {  	_ =	shalt  }
0x41: {  	_ =	shalt  }
0x42: {  	_ =	shalt  }
0x43: {  	_ =	shalt  }
0x44: {  	_ =	shalt  }
0x45: {  	_ =	shalt  }
0x46: {  	_ =	shalt  }
0x47: {  	_ =	shalt  }
0x48: {  	_ =	shalt  }
0x49: {  	_ =	shalt  }
0x4a: {  	_ =	shalt  }
0x4b: {  	_ =	shalt  }
0x4c: {  	_ =	shalt  }
0x4d: {  	_ =	shalt  }
0x4e: {  	_ =	shalt  }
0x4f: {  	_ =	shalt  }
0x50: {  	_ =	shalt  }
0x51: {  	_ =	shalt  }
0x52: {  	_ =	shalt  }
0x53: {  	_ =	shalt  }
0x54: {  	_ =	shalt  }
0x55: {  	_ =	shalt  }
0x56: {  	_ =	shalt  }
0x57: {  	_ =	shalt  }
0x58: {  	_ =	shalt  }
0x59: {  	_ =	shalt  }
0x5a: {  	_ =	shalt  }
0x5b: {  	_ =	shalt  }
0x5c: {  	_ =	shalt  }
0x5d: {  	_ =	shalt  }
0x5e: {  	_ =	shalt  }
0x5f: {  	_ =	shalt  }
0x60: {  	_ =	shalt  }
0x61: {  	_ =	shalt  }
0x62: {  	_ =	shalt  }
0x63: {  	_ =	shalt  }
0x64: {  	_ =	shalt  }
0x65: {  	_ =	shalt  }
0x66: {  	_ =	shalt  }
0x67: {  	_ =	shalt  }
0x68: {  	_ =	shalt  }
0x69: {  	_ =	shalt  }
0x6a: {  	_ =	shalt  }
0x6b: {  	_ =	shalt  }
0x6c: {  	_ =	shalt  }
0x6d: {  	_ =	shalt  }
0x6e: {  	_ =	shalt  }
0x6f: {  	_ =	shalt  }
0x70: {  	_ =	shalt  }
0x71: {  	_ =	shalt  }
0x72: {  	_ =	shalt  }
0x73: {  	_ =	shalt  }
0x74: {  	_ =	shalt  }
0x75: {  	_ =	shalt  }
0x76: {  	_ =	shalt  }
0x77: {  	_ =	shalt  }
0x78: {  	_ =	shalt  }
0x79: {  	_ =	shalt  }
0x7a: {  	_ =	shalt  }
0x7b: {  	_ =	shalt  }
0x7c: {  	_ =	shalt  }
0x7d: {  	_ =	shalt  }
0x7e: {  	_ =	shalt  }
0x7f: {  	_ =	shalt  }
0x80: {  	_ =	shalt  }
0x81: {  	_ =	shalt  }
0x82: {  	_ =	shalt  }
0x83: {  	_ =	shalt  }
0x84: {  	_ =	shalt  }
0x85: {  	_ =	shalt  }
0x86: {  	_ =	shalt  }
0x87: {  	_ =	shalt  }
.Lfunc_end0:
.L_simem_size_0:
called_computation.2_lowered:
.L_overlay_start_0:
0x88: {  	s2 =	sld [smem:$0x3FD9]  }
0x89: {  	s3 =	sld [smem:$0x3FFE];
	_ =	sdelay $0x1  }
0x8a: {  	s1 =	srdreg.scid  }
0x8b: {  	s0 =	sand.u32 $0x1, s1  }
0x8c: {  	s16 =	sshll.u32 s0, $0xA;
	s2 =	sadd.s32 s3, s2  }
0x8d: {  	s2 =	sadd.s32 s2, s16  }
0x8e: {  	[smem:$0x3FBA] =	sst s2  }
0x8f: {  	_ = 	snop  }
0x90: {  	(tm) =	ssettm $0x1  }
0x91: {  	s17 =	sld [smem:$0x3FFB];
	_ =	sdelay $0x3  }
0x92: {  	_ =	strace s17  }
0x93: {  	s2 =	sld [smem:$0x3FFC];
	_ =	sdelay $0x3  }
0x94: {  	_ =	strace s2  }
0x95: {  	s2 =	sld [smem:$0x3FFD];
	_ =	sdelay $0x3  }
0x96: {  	_ =	strace s2  }
0x97: {  	_ =	strace $0x8FFFFFFF  }
0x98: {  	s18 =	sld [smem:$0x3FDB];
	_ =	sdelay $0x1  }
0x99: {  	s19 =	simm.s32 $_scs_section_size  }
0x9a: {  	s4 =	simm.s32 $_size__tile_overlayer_lowered;
	s5 =	simm.s32 $_tile_overlayer_lowered  }
0x9b: {  	s22 =	simm.s32 $0x1BFF;
	s21 =	sshll.u32 s5, $0x1;
	s2 =	sadd.s32 s19, s18  }
0x9c: {  	s6 =	simm.s32 $0x0;
	s20 =	sshll.u32 s4, $0x1;
	s4 =	sadd.s32 s21, s2  }
0x9d: {  	[timem:s6], [sflag:s22] =	dma.local [hbm:s4], s20  }
0x9e: {  	_ =	swait.ge [sflag:s22], s20  }
0x9f: {  	s3 =	ssub.s32 $0x0, s20;
	[sflag:s22] =	ssyncset.done $0x0  }
0xa0: {  	[sflag:s22] =	ssyncadd.s32 s3;
	_ =	sdelay $0x1  }
0xa1: {  	s23 =	simm.s32 $0x1B8B  }
0xa2: {  	_ =	swait.ge [sflag:s23], $0x1  }
0xa3: {  	[sflag:s23] =	ssyncset.done $0x0  }
0xa4: {  	s25 =	simm.s32 $0x1B8E;
	s24 =	sld [smem:$0x3FFE];
	[sflag:s23] =	ssyncadd.s32 $0xFFFFFFFF  }
0xa5: {  	s26 =	simm.s32 $execute0_lowered;
	[smem:$0x3FD2] =	sst s25  }
0xa6: {  	s4 =	sshll.u32 s26, $0x1;
	_ =	strace $0x8000004C;
	[dreg:$0x1] =	wrdreg $0xFFFFFFFF  }
0xa7: {  	s28 =	simm.s32 $_size_execute0_lowered;
	s2 =	sadd.s32 s2, s4;
	[dreg:$0x0] =	wrdreg $0x0  }
0xa8: {  	s4 =	sshll.u32 s28, $0x1;
	[dreg:$0x2] =	wrdreg s2  }
0xa9: {  	[dreg:$0x3] =	wrdreg s4  }
0xaa: {  	[dreg:$0x4] =	wrdreg $0xC0  }
0xab: {  	_ =	task [dreg:s6], $0x5FFFF  }
0xac: {  	[dreg:$0x1] =	wrdreg $0xFFFFFFFF  }
0xad: {  	[dreg:$0x0] =	wrdreg $0x60  }
0xae: {  	[dreg:$0x2] =	wrdreg s24  }
0xaf: {  	[dreg:$0x3] =	wrdreg $0xBEC00  }
0xb0: {  	[dreg:$0x4] =	wrdreg $0x9  }
0xb1: {  	_ =	task.clear_ibuf [dreg:s6], $0x5FFFF;
	_ =	strace $0x9000004C  }
0xb2: {  	s29 =	simm.s32 $0x9;
	_ =	strace $0x8000004E  }
0xb3: {  	_ =	swait.ge [sflag:s29], $0x1  }
0xb4: {  	[sflag:s29] =	ssyncadd.s32 $0xFFFFFFFF  }
0xb5: {  	_ =	strace $0x9000004E  }
0xb6: {  	_ =	sfence  }
0xb7: {  	s30 =	sld [smem:$0x0];
	_ =	sdelay $0x2  }
0xb8: {  	s31 =	sshll.u32 s1, $0xD;
	s1 =	sshrl.u32 s1, $0x2  }
0xb9: {  	s3 =	sand.u32 $0x4000, s31;
	s1 =	sadd.s32 s1, s30  }
0xba: {  	s0 =	sor.u32 s3, s0;
	s1 =	sshll.u32 s1, $0x11  }
0xbb: {  	s0 =	sor.u32 s1, s0  }
0xbc: {  	s0 =	sadd.s32 $0x8F2B, s0  }
0xbd: {  	[sflag:s0] =	ssyncadd.remote.s32 $0x1  }
0xbe: {  	_ =	sfence.sel $0xFFFF  }
0xbf: {  	[dreg:$0x0] =	wrdreg $0xFFFFFFFF;
	(pc) =	sbr.abs _section_cstart, $3  }
0xc0: {  	[dreg:$0x1] =	wrdreg $0xFFFFFFFF  }
0xc1: {  	_ =	task.clear_ibuf [dreg:s6], $0x2FFFF;
	_ =	strace $0x9FFFFFFF  }
0xc2: {  	(tm) =	ssettm $0x7FFFFFFF  }
0xc3: {  	_ =	shalt  }
tec
execute0_lowered:
.L_overlay_start_1:
0x0: {  	(tag) =	ssettag $0x1  }
0x1: {  	s5 =	rddreg [dreg:$0x0]  }
0x2: {  	s2 =	rddreg [dreg:$0x1]  }
0x3: {  	s0 =	rddreg [dreg:$0x2]  }
0x4: {  	s3 =	srdreg.scid;
	s1 =	stileid.u32;
	s13 =	simm.s32 $0x2760  }
0x5: {  	s14 =	simm.s32 $0x70;
	s15 =	simm.s32 $0x4EC0;
	s16 =	simm.s32 $0x86C0  }
0x6: {  	s17 =	simm.s32 $0x1;
	s18 =	simm.s32 $0x2;
	s19 =	simm.s32 $0x26F0  }
0x7: {  	s20 =	simm.s32 $0x4DE0;
	s21 =	simm.s32 $0x4E50;
	s22 =	simm.s32 $0x0  }
0x8: {  	s4 =	sand.u32 $0x1, s3;
	s6 =	sshll.u32 s1, $0x1;
	s7 =	smul.u32 $0x13900, s1  }
0x9: {  	s3 =	simm.s32 $0x0;
	s31 =	sshll.u32 s1, $0x6;
	s6 =	sor.u32 s4, s6  }
0xa: {  	s8 =	smul.u32 $0x139000, s4;
	[smem:$0x7FF] =	sst s3;
	s29 =	ssub.s32 $0x2, s4  }
0xb: {  	s4 =	sadd.s32 $0x6F400, s5;
	s6 =	smul.u32 $0x4EC, s6;
	_ =	strace $0x8000004D  }
0xc: {  	s30 =	sshrl.u32 s29, $0x1;
	s12 =	sadd.s32 s7, s2;
	s8 =	sadd.s32 s7, s8  }
0xd: {  	s11 =	ssub.s32 s29, s30;
	s9 =	sadd.s32 s6, s5;
	s28 =	sshrl.u32 s8, $0x3  }
0xe: {  	s6 =	sor.u32 $0x1C03, s31;
	s10 =	sadd.s32 s28, s5;
	s7 =	sadd.s32 $0x17200, s9  }
0xf: {  	s8 =	sadd.s32 $0x3400, s9;
	s5 =	sadd.s32 $0x96600, s10;
	s9 =	sadd.s32 $0xE4A00, s10  }
0x10: {  	s10 =	smax.u32 s11, $0x1;
	s11 =	sshrl.u32 s12, $0x3;
	s12 =	simm.s32 $0x3  }
.LBB2_1:
0x11: {  	[spmem:s11], [sflag:s6] =	dma.local [hbm:s5], $0x2720  }
0x12: {  	_ =	swait.ge [sflag:s12], $0x2720  }
0x13: {  	[sflag:s12] =	ssyncset.done $0x0  }
0x14: {  	[sflag:s12] =	ssyncadd.s32 $0xFFFFD8E0  }
0x15: {  	[tilespmem:s3], [sflag:$0x3] =	stream.linear.gather [hbm4b:s7+s3], $0x2760, $0x38;
	[tilespmem:$0x1F7C0] =	vst v63  }
0x16: {  	_ =	swait.ge [sflag:s12], $0x2760  }
0x17: {  	[sflag:s12] =	ssyncset.done $0x0  }
0x18: {  	[sflag:s12] =	ssyncadd.s32 $0xFFFFD8A0  }
0x19: {  	[tilespmem:s13], [sflag:$0x3] =	stream.linear.gather [hbm4b:s8+s3], $0x2760, $0x38;
	[tilespmem:$0x1F7C0] =	vst v63  }
0x1a: {  	_ =	swait.ge [sflag:s12], $0x2760  }
0x1b: {  	[sflag:s12] =	ssyncset.done $0x0  }
0x1c: {  	[sflag:s12] =	ssyncadd.s32 $0xFFFFD8A0  }
0x1d: {  	[bflag:$0x0] =	sbarrier.arrive $0xFFFF  }
0x1e: {  	[tilespmem:s15], [sflag:$0x1] =	stream.indirect.gather [hbm4b:s4+s14], $0x80, s3, s14, $0xb8;
	[tilespmem:$0x1F7C0] =	vst v63  }
0x1f: {  	s23 =	simm.s32 $0x70  }
0x20: {  	[tilespmem:s16], [sflag:$0x2] =	stream.indirect.gather [hbm4b:s4+s14], $0x80, s23, s14, $0xb8;
	[tilespmem:$0x1F7C0] =	vst v63  }
0x21: {  	_ =	swait.ge [sflag:s17], $0x3800  }
0x22: {  	[sflag:s17] =	ssyncset.done $0x0  }
0x23: {  	s29 =	simm.s32 $0x2760;
	[sflag:s17] =	ssyncadd.s32 $0xFFFFC800  }
0x24: {  	[spmem:s2] =	stream.indirect.scatter.add.f32 [tilespmem:s15], [sflag:$0x3], $0x80, s29, s14, $0xb8;
	[tilespmem:$0x1F7C0] =	vst v63  }
0x25: {  	_ =	swait.ge [sflag:s12], $0x3800  }
0x26: {  	[sflag:s12] =	ssyncset.done $0x0  }
0x27: {  	s30 =	simm.s32 $0xE0;
	[sflag:s12] =	ssyncadd.s32 $0xFFFFC800  }
0x28: {  	[tilespmem:s15], [sflag:$0x1] =	stream.indirect.gather [hbm4b:s4+s14], $0x80, s30, s14, $0xb8;
	[tilespmem:$0x1F7C0] =	vst v63  }
0x29: {  	_ =	swait.ge [sflag:s18], $0x3800  }
0x2a: {  	[sflag:s18] =	ssyncset.done $0x0  }
0x2b: {  	s31 =	simm.s32 $0x27D0;
	[sflag:s18] =	ssyncadd.s32 $0xFFFFC800  }
0x2c: {  	[spmem:s2] =	stream.indirect.scatter.add.f32 [tilespmem:s16], [sflag:$0x3], $0x80, s31, s14, $0xb8;
	[tilespmem:$0x1F7C0] =	vst v63  }
0x2d: {  	_ =	swait.ge [sflag:s12], $0x3800  }
0x2e: {  	s24 =	simm.s32 $0x700;
	s23 =	simm.s32 $0xE0;
	[sflag:s12] =	ssyncset.done $0x0  }
.LBB2_2:
0x2f: {  	s25 =	sadd.s32 $0x70, s23  }
0x30: {  	[sflag:s12] =	ssyncadd.s32 $0xFFFFC800;
	s26 =	smov.u32 s24;
	s28 =	sadd.s32 $0x380, s24  }
0x31: {  	[tilespmem:s16], [sflag:$0x2] =	stream.indirect.gather [hbm4b:s4+s14], $0x80, s25, s14, $0xb8;
	[tilespmem:$0x1F7C0] =	vst v63  }
0x32: {  	p0 =	sne.s32 s24, $0x9680;
	_ =	swait.ge [sflag:s17], $0x3800  }
0x33: {  	[sflag:s17] =	ssyncset.done $0x0  }
0x34: {  	s24 =	sadd.s32 $0x2760, s23;
	[sflag:s17] =	ssyncadd.s32 $0xFFFFC800  }
0x35: {  	[spmem:s2] =	stream.indirect.scatter.add.f32 [tilespmem:s15], [sflag:$0x3], $0x80, s24, s14, $0xb8;
	[tilespmem:$0x1F7C0] =	vst v63  }
0x36: {  	_ =	swait.ge [sflag:s12], $0x3800  }
0x37: {  	[sflag:s12] =	ssyncset.done $0x0  }
0x38: {  	s24 =	sadd.s32 $0xE0, s23;
	[sflag:s12] =	ssyncadd.s32 $0xFFFFC800  }
0x39: {  	[tilespmem:s15], [sflag:$0x1] =	stream.indirect.gather [hbm4b:s4+s14], $0x80, s24, s14, $0xb8;
	[tilespmem:$0x1F7C0] =	vst v63  }
0x3a: {  	_ =	swait.ge [sflag:s18], $0x3800  }
.Ltmp0:
0x3b: {  	[sflag:s18] =	ssyncset.done $0x0;
	(pc) =	sbr.rel @p0 .LBB2_2-.Ltmp0, $4  }
0x3c: {  	s23 =	sadd.s32 $0x27D0, s23;
	[sflag:s18] =	ssyncadd.s32 $0xFFFFC800  }
0x3d: {  	[spmem:s2] =	stream.indirect.scatter.add.f32 [tilespmem:s16], [sflag:$0x3], $0x80, s23, s14, $0xb8;
	[tilespmem:$0x1F7C0] =	vst v63  }
0x3e: {  	_ =	swait.ge [sflag:s12], $0x3800  }
0x3f: {  	s24 =	smov.u32 s28;
	s23 =	sshra.s32 s26, $0x2;
	[sflag:s12] =	ssyncset.done $0x0  }
0x40: {  	s24 =	sadd.s32 $0x70, s23;
	[sflag:s12] =	ssyncadd.s32 $0xFFFFC800  }
0x41: {  	[tilespmem:s16], [sflag:$0x2] =	stream.indirect.gather [hbm4b:s4+s14], $0x80, s24, s14, $0xb8;
	[tilespmem:$0x1F7C0] =	vst v63  }
0x42: {  	_ =	swait.ge [sflag:s17], $0x3800  }
0x43: {  	[sflag:s17] =	ssyncset.done $0x0  }
0x44: {  	s29 =	sadd.s32 $0x2760, s23;
	[sflag:s17] =	ssyncadd.s32 $0xFFFFC800  }
0x45: {  	[spmem:s2] =	stream.indirect.scatter.add.f32 [tilespmem:s15], [sflag:$0x3], $0x80, s29, s14, $0xb8;
	[tilespmem:$0x1F7C0] =	vst v63  }
0x46: {  	_ =	swait.ge [sflag:s12], $0x3800  }
0x47: {  	[sflag:s12] =	ssyncset.done $0x0  }
0x48: {  	s30 =	sadd.s32 $0xE0, s23;
	[sflag:s12] =	ssyncadd.s32 $0xFFFFC800  }
0x49: {  	[tilespmem:s15], [sflag:$0x1] =	stream.indirect.gather [hbm4b:s4+s14], $0x80, s30, s14, $0xb8;
	[tilespmem:$0x1F7C0] =	vst v63  }
0x4a: {  	_ =	swait.ge [sflag:s18], $0x3800  }
0x4b: {  	[sflag:s18] =	ssyncset.done $0x0  }
0x4c: {  	s31 =	sadd.s32 $0x27D0, s23;
	[sflag:s18] =	ssyncadd.s32 $0xFFFFC800  }
0x4d: {  	[spmem:s2] =	stream.indirect.scatter.add.f32 [tilespmem:s16], [sflag:$0x3], $0x80, s31, s14, $0xb8;
	[tilespmem:$0x1F7C0] =	vst v63  }
0x4e: {  	_ =	swait.ge [sflag:s12], $0x3800  }
0x4f: {  	[sflag:s12] =	ssyncset.done $0x0  }
0x50: {  	[sflag:s12] =	ssyncadd.s32 $0xFFFFC800  }
0x51: {  	[tilespmem:s16], [sflag:$0x2] =	stream.indirect.gather [hbm4b:s4+s14], $0x80, s19, s14, $0xb8;
	[tilespmem:$0x1F7C0] =	vst v63  }
0x52: {  	_ =	swait.ge [sflag:s17], $0x3800  }
0x53: {  	[sflag:s17] =	ssyncset.done $0x0  }
0x54: {  	[sflag:s17] =	ssyncadd.s32 $0xFFFFC800  }
0x55: {  	[spmem:s2] =	stream.indirect.scatter.add.f32 [tilespmem:s15], [sflag:$0x3], $0x80, s20, s14, $0xb8;
	[tilespmem:$0x1F7C0] =	vst v63  }
0x56: {  	_ =	swait.ge [sflag:s12], $0x3800  }
0x57: {  	[sflag:s12] =	ssyncset.done $0x0  }
0x58: {  	[sflag:s12] =	ssyncadd.s32 $0xFFFFC800  }
0x59: {  	_ =	swait.ge [sflag:s18], $0x3800  }
0x5a: {  	[sflag:s18] =	ssyncset.done $0x0  }
0x5b: {  	[sflag:s18] =	ssyncadd.s32 $0xFFFFC800  }
0x5c: {  	[spmem:s2] =	stream.indirect.scatter.add.f32 [tilespmem:s16], [sflag:$0x3], $0x80, s21, s14, $0xb8;
	[tilespmem:$0x1F7C0] =	vst v63  }
0x5d: {  	_ =	swait.ge [sflag:s12], $0x3800  }
0x5e: {  	s22 =	sadd.s32 $0x1, s22;
	[sflag:s12] =	ssyncset.done $0x0  }
0x5f: {  	p0 =	sne.s32 s22, s10;
	[sflag:s12] =	ssyncadd.s32 $0xFFFFC800  }
.Ltmp1:
0x60: {  	[bflag:$0x0] =	sbarrier.arrive $0xFFFF;
	(pc) =	sbr.rel @p0 .LBB2_1-.Ltmp1, $4  }
0x61: {  	[hbm:s9], [sflag:s6] =	dma.local [spmem:s11], $0x2720  }
0x62: {  	_ =	swait.ge [sflag:s12], $0x2720  }
0x63: {  	[sflag:s12] =	ssyncset.done $0x0  }
0x64: {  	[sflag:s12] =	ssyncadd.s32 $0xFFFFD8E0  }
0x65: {  	_ =	sfence.sel $0x180000  }
0x66: {  	[bflag:$0x0] =	sbarrier.arrive $0xFFFF  }
0x67: {  	p0 =	sne.s32 s1, $0x0;
	_ =	strace $0x9000004D  }
0x68: {  	s0 =	sadd.s32 @!p0 $0x100000, s0;
	[bflag:$0x2] =	sbarrier.arrive $0xFFFF  }
0x69: {  	[sflag:s0] =	ssyncadd.tile.s32 @!p0 $0x1;
	_ =	shalt  }
.Lfunc_end2:
_tile_overlayer_lowered:
.L_overlay_start_2:
0x6a: {  	(tag) =	ssettag $0x2  }
0x6b: {  	s0 =	rddreg [dreg:$0x0];
	s2 =	stileid.u32  }
0x6c: {  	s1 =	rddreg [dreg:$0x1];
	p0 =	sne.s32 s2, $0x0  }
0x6d: {  	s3 =	rddreg [dreg:$0x2];
	[bflag:$0x3] =	sbarrier.arrive $0xFFFF;
	s2 =	simm.s32 @!p0 $0x1C03  }
0x6e: {  	[timem:s3], [sflag:s2] =	dma.local @!p0 [hbm:s0], s1  }
0x6f: {  	s0 =	simm.s32 @!p0 $0x3  }
0x70: {  	_ =	swait.ge @!p0 [sflag:s0], s1  }
0x71: {  	s1 =	ssub.s32 @!p0 $0x0, s1;
	[sflag:s0] =	ssyncset.done @!p0 $0x0  }
0x72: {  	[sflag:s0] =	ssyncadd.s32 @!p0 s1  }
0x73: {  	[bflag:$0x3] =	sbarrier.arrive $0xFFFF  }
0x74: {  	_ =	shalt  }

// kernel: kernel.19.cloned.1.call-start
scs
__scs_entry_jumppad:
0x0: {  	(pc) =	sbr.rel $0x88, $3  }
0x1: {  	(tag) =	ssettag $0x0;
	lr =	simm.s32 $0x1  }
0x2: {  	[smem:$0x3F93] =	sst lr;
	_ =	strace $0xD0000000  }
0x3: {  	_ = 	snop  }
0x4: {  	_ = 	snop  }
0x5: {  	_ = 	snop  }
0x6: {  	_ = 	snop  }
0x7: {  	_ = 	snop  }
__scs_overlays_trampoline_lowered:
0x8: {  	[smem:$0x3FA2] =	sst s0  }
0x9: {  	[smem:$0x3FA3] =	sst s1  }
0xa: {  	[smem:$0x3FA4] =	sst s2  }
0xb: {  	[smem:$0x3FA5] =	sst s3  }
0xc: {  	[smem:$0x3FA6] =	sst s4  }
0xd: {  	[smem:$0x3FA7] =	sst s5  }
0xe: {  	[smem:$0x3FA8] =	sst s6  }
0xf: {  	[smem:$0x3FA9] =	sst s7  }
0x10: {  	[smem:$0x3FAA] =	sst s8  }
0x11: {  	[smem:$0x3FAB] =	sst s9;
	s0 =	simm.s32 @!p0 $0x0  }
0x12: {  	s1 =	sld [smem:$0x3F91];
	s0 =	simm.s32 @p0 $0x1  }
0x13: {  	[smem:$0x3FAC] =	sst s0;
	s0 =	simm.s32 @!p1 $0x0  }
0x14: {  	s2 =	sld [smem:$0x3F90];
	s0 =	simm.s32 @p1 $0x1  }
0x15: {  	[smem:$0x3FAD] =	sst s0;
	s0 =	simm.s32 @!p2 $0x0  }
0x16: {  	s3 =	sld [smem:$0x3FDB];
	s0 =	simm.s32 @p2 $0x1  }
0x17: {  	s4 =	simm.s32 $0x1BF5;
	[smem:$0x3FAF] =	sst s0  }
0x18: {  	s0 =	sld [smem:$0x3F92];
	_ =	swait.ge [sflag:s4], $0x0  }
0x19: {  	s7 =	sld [smem:$0x3F93]  }
0x1a: {  	s8 =	sadd.s32 $0xFFFFE003, lr  }
0x1b: {  	s9 =	sadd.s32 $0xFFFFFEF7, lr;
	s5 =	simm.s32 $0xFFFFFFFF;
	p2 =	slt.u32 s8, $0xFFFFF086  }
0x1c: {  	p1 =	slt.u32 s9, $0xF7A;
	s5 =	simm.s32 @!p2 $0x0  }
0x1d: {  	s5 =	simm.s32 @p1 $0x1;
	p0 =	seq.s32 s7, s2  }
0x1e: {  	s7 =	smul.u32 @!p0 $0xF7A, s2;
	p2 =	seq.s32 @!p0 s5, $0x0  }
0x1f: {  	s9 =	smul.u32 $0xF7A, s1;
	s8 =	simm.s32 @!p0 $0x1BF5;
	p2 =	por !p2, p0  }
0x20: {  	[sflag:s8] =	ssyncset.s32 @!p0 $0xFFFFF086;
	s6 =	sadd.s32 @!p0 s3, s7;
	s7 =	simm.s32 @!p0 $0x108  }
0x21: {  	s3 =	sadd.s32 s3, s9;
	s6 =	sadd.s32 @!p0 $0x88, s6;
	s7 =	simm.s32 @p2 $0x1082  }
0x22: {  	[simem:s7], [sflag:s8] =	dma.local @!p0 [hbm:s6], $0xF7A  }
0x23: {  	s9 =	sor.u32 $0xD0000000, s2;
	s6 =	simm.s32 $0x108;
	_ =	swait.ge @!p0 [sflag:s8], $0x0  }
0x24: {  	s3 =	sadd.s32 $0x88, s3;
	s6 =	simm.s32 @!p1 $0x1082;
	[sflag:s4] =	ssyncset.s32 $0xFFFFF086  }
0x25: {  	[simem:s6], [sflag:s4] =	dma.local [hbm:s3], $0xF7A  }
0x26: {  	[smem:$0x3F93] =	sst s1;
	(tag) =	ssettag s2;
	_ =	strace s9  }
0x27: {  	s1 =	sld [smem:$0x3FA3]  }
0x28: {  	s2 =	sld [smem:$0x3FA4]  }
0x29: {  	s4 =	sld [smem:$0x3FA6]  }
0x2a: {  	p0 =	seq.s32 s5, $0x0;
	s5 =	sld [smem:$0x3FA7]  }
0x2b: {  	s6 =	sld [smem:$0x3FA8]  }
0x2c: {  	s7 =	sld [smem:$0x3FA9]  }
0x2d: {  	s3 =	simm.s32 $0x108;
	s8 =	sld [smem:$0x3FAA]  }
0x2e: {  	s3 =	simm.s32 @!p0 $0x1082;
	s9 =	sld [smem:$0x3FAB]  }
0x2f: {  	lr =	sadd.s32 s0, s3;
	s0 =	sld [smem:$0x3FA2]  }
0x30: {  	s3 =	sld [smem:$0x3FA5]  }
0x31: {  	[smem:$0x3FAE] =	sst s10  }
0x32: {  	s10 =	sld [smem:$0x3FAC];
	_ =	sdelay $0x3  }
0x33: {  	p0 =	seq.s32 s10, $0x1;
	s10 =	sld [smem:$0x3FAE];
	_ =	sdelay $0x3  }
0x34: {  	[smem:$0x3FAE] =	sst s10  }
0x35: {  	s10 =	sld [smem:$0x3FAD];
	_ =	sdelay $0x3  }
0x36: {  	p1 =	seq.s32 s10, $0x1;
	s10 =	sld [smem:$0x3FAE];
	_ =	sdelay $0x3  }
0x37: {  	[smem:$0x3FAE] =	sst s10  }
0x38: {  	s10 =	sld [smem:$0x3FAF]  }
0x39: {  	_ = 	snop;
	(pc) =	sbr.ind lr, $3  }
0x3a: {  	_ = 	snop  }
0x3b: {  	_ = 	snop  }
0x3c: {  	p2 =	seq.s32 s10, $0x1;
	s10 =	sld [smem:$0x3FAE]  }
0x3d: {  	_ =	shalt  }
0x3e: {  	_ =	shalt  }
0x3f: {  	_ =	shalt  }
0x40: {  	_ =	shalt  }
0x41: {  	_ =	shalt  }
0x42: {  	_ =	shalt  }
0x43: {  	_ =	shalt  }
0x44: {  	_ =	shalt  }
0x45: {  	_ =	shalt  }
0x46: {  	_ =	shalt  }
0x47: {  	_ =	shalt  }
0x48: {  	_ =	shalt  }
0x49: {  	_ =	shalt  }
0x4a: {  	_ =	shalt  }
0x4b: {  	_ =	shalt  }
0x4c: {  	_ =	shalt  }
0x4d: {  	_ =	shalt  }
0x4e: {  	_ =	shalt  }
0x4f: {  	_ =	shalt  }
0x50: {  	_ =	shalt  }
0x51: {  	_ =	shalt  }
0x52: {  	_ =	shalt  }
0x53: {  	_ =	shalt  }
0x54: {  	_ =	shalt  }
0x55: {  	_ =	shalt  }
0x56: {  	_ =	shalt  }
0x57: {  	_ =	shalt  }
0x58: {  	_ =	shalt  }
0x59: {  	_ =	shalt  }
0x5a: {  	_ =	shalt  }
0x5b: {  	_ =	shalt  }
0x5c: {  	_ =	shalt  }
0x5d: {  	_ =	shalt  }
0x5e: {  	_ =	shalt  }
0x5f: {  	_ =	shalt  }
0x60: {  	_ =	shalt  }
0x61: {  	_ =	shalt  }
0x62: {  	_ =	shalt  }
0x63: {  	_ =	shalt  }
0x64: {  	_ =	shalt  }
0x65: {  	_ =	shalt  }
0x66: {  	_ =	shalt  }
0x67: {  	_ =	shalt  }
0x68: {  	_ =	shalt  }
0x69: {  	_ =	shalt  }
0x6a: {  	_ =	shalt  }
0x6b: {  	_ =	shalt  }
0x6c: {  	_ =	shalt  }
0x6d: {  	_ =	shalt  }
0x6e: {  	_ =	shalt  }
0x6f: {  	_ =	shalt  }
0x70: {  	_ =	shalt  }
0x71: {  	_ =	shalt  }
0x72: {  	_ =	shalt  }
0x73: {  	_ =	shalt  }
0x74: {  	_ =	shalt  }
0x75: {  	_ =	shalt  }
0x76: {  	_ =	shalt  }
0x77: {  	_ =	shalt  }
0x78: {  	_ =	shalt  }
0x79: {  	_ =	shalt  }
0x7a: {  	_ =	shalt  }
0x7b: {  	_ =	shalt  }
0x7c: {  	_ =	shalt  }
0x7d: {  	_ =	shalt  }
0x7e: {  	_ =	shalt  }
0x7f: {  	_ =	shalt  }
0x80: {  	_ =	shalt  }
0x81: {  	_ =	shalt  }
0x82: {  	_ =	shalt  }
0x83: {  	_ =	shalt  }
0x84: {  	_ =	shalt  }
0x85: {  	_ =	shalt  }
0x86: {  	_ =	shalt  }
0x87: {  	_ =	shalt  }
.Lfunc_end0:
.L_simem_size_0:
called_computation.3_lowered:
.L_overlay_start_0:
0x88: {  	s2 =	sld [smem:$0x3FD9]  }
0x89: {  	s3 =	sld [smem:$0x3FFE];
	_ =	sdelay $0x1  }
0x8a: {  	s1 =	srdreg.scid  }
0x8b: {  	s0 =	sand.u32 $0x1, s1  }
0x8c: {  	s16 =	sshll.u32 s0, $0xA;
	s2 =	sadd.s32 s3, s2  }
0x8d: {  	s2 =	sadd.s32 s2, s16  }
0x8e: {  	[smem:$0x3FBA] =	sst s2  }
0x8f: {  	_ = 	snop  }
0x90: {  	(tm) =	ssettm $0x1  }
0x91: {  	s17 =	sld [smem:$0x3FFB];
	_ =	sdelay $0x3  }
0x92: {  	_ =	strace s17  }
0x93: {  	s2 =	sld [smem:$0x3FFC];
	_ =	sdelay $0x3  }
0x94: {  	_ =	strace s2  }
0x95: {  	s2 =	sld [smem:$0x3FFD];
	_ =	sdelay $0x3  }
0x96: {  	_ =	strace s2  }
0x97: {  	_ =	strace $0x8FFFFFFF  }
0x98: {  	s18 =	sld [smem:$0x3FDB];
	_ =	sdelay $0x1  }
0x99: {  	s19 =	simm.s32 $_scs_section_size  }
0x9a: {  	s4 =	simm.s32 $_size__tile_overlayer_lowered;
	s5 =	simm.s32 $_tile_overlayer_lowered  }
0x9b: {  	s22 =	simm.s32 $0x1BFF;
	s21 =	sshll.u32 s5, $0x1;
	s2 =	sadd.s32 s19, s18  }
0x9c: {  	s6 =	simm.s32 $0x0;
	s20 =	sshll.u32 s4, $0x1;
	s4 =	sadd.s32 s21, s2  }
0x9d: {  	[timem:s6], [sflag:s22] =	dma.local [hbm:s4], s20  }
0x9e: {  	_ =	swait.ge [sflag:s22], s20  }
0x9f: {  	s3 =	ssub.s32 $0x0, s20;
	[sflag:s22] =	ssyncset.done $0x0  }
0xa0: {  	[sflag:s22] =	ssyncadd.s32 s3;
	_ =	sdelay $0x1  }
0xa1: {  	s23 =	simm.s32 $0x1B8B  }
0xa2: {  	_ =	swait.ge [sflag:s23], $0x1  }
0xa3: {  	[sflag:s23] =	ssyncset.done $0x0  }
0xa4: {  	s25 =	simm.s32 $0x1B8E;
	s24 =	sld [smem:$0x3FFE];
	[sflag:s23] =	ssyncadd.s32 $0xFFFFFFFF  }
0xa5: {  	s26 =	simm.s32 $execute0_lowered;
	[smem:$0x3FD2] =	sst s25  }
0xa6: {  	s4 =	sshll.u32 s26, $0x1;
	_ =	strace $0x8000004F;
	[dreg:$0x1] =	wrdreg $0xFFFFFFFF  }
0xa7: {  	s28 =	simm.s32 $_size_execute0_lowered;
	s2 =	sadd.s32 s2, s4;
	[dreg:$0x0] =	wrdreg $0x0  }
0xa8: {  	s4 =	sshll.u32 s28, $0x1;
	[dreg:$0x2] =	wrdreg s2  }
0xa9: {  	[dreg:$0x3] =	wrdreg s4  }
0xaa: {  	[dreg:$0x4] =	wrdreg $0xC0  }
0xab: {  	_ =	task [dreg:s6], $0x5FFFF  }
0xac: {  	[dreg:$0x1] =	wrdreg $0xFFFFFFFF  }
0xad: {  	[dreg:$0x0] =	wrdreg $0x60  }
0xae: {  	[dreg:$0x2] =	wrdreg s24  }
0xaf: {  	[dreg:$0x3] =	wrdreg $0x55C00  }
0xb0: {  	[dreg:$0x4] =	wrdreg $0x9  }
0xb1: {  	_ =	task.clear_ibuf [dreg:s6], $0x5FFFF;
	_ =	strace $0x9000004F  }
0xb2: {  	s29 =	simm.s32 $0x9;
	_ =	strace $0x80000051  }
0xb3: {  	_ =	swait.ge [sflag:s29], $0x1  }
0xb4: {  	[sflag:s29] =	ssyncadd.s32 $0xFFFFFFFF  }
0xb5: {  	_ =	strace $0x90000051  }
0xb6: {  	_ =	sfence  }
0xb7: {  	s30 =	sld [smem:$0x0];
	_ =	sdelay $0x2  }
0xb8: {  	s31 =	sshll.u32 s1, $0xD;
	s1 =	sshrl.u32 s1, $0x2  }
0xb9: {  	s3 =	sand.u32 $0x4000, s31;
	s1 =	sadd.s32 s1, s30  }
0xba: {  	s0 =	sor.u32 s3, s0;
	s1 =	sshll.u32 s1, $0x11  }
0xbb: {  	s0 =	sor.u32 s1, s0  }
0xbc: {  	s0 =	sadd.s32 $0x8F2B, s0  }
0xbd: {  	[sflag:s0] =	ssyncadd.remote.s32 $0x1  }
0xbe: {  	_ =	sfence.sel $0xFFFF  }
0xbf: {  	[dreg:$0x0] =	wrdreg $0xFFFFFFFF;
	(pc) =	sbr.abs _section_cstart, $3  }
0xc0: {  	[dreg:$0x1] =	wrdreg $0xFFFFFFFF  }
0xc1: {  	_ =	task.clear_ibuf [dreg:s6], $0x2FFFF;
	_ =	strace $0x9FFFFFFF  }
0xc2: {  	(tm) =	ssettm $0x7FFFFFFF  }
0xc3: {  	_ =	shalt  }
tec
execute0_lowered:
.L_overlay_start_1:
0x0: {  	(tag) =	ssettag $0x1  }
0x1: {  	s5 =	rddreg [dreg:$0x0]  }
0x2: {  	s2 =	rddreg [dreg:$0x1]  }
0x3: {  	s0 =	rddreg [dreg:$0x2]  }
0x4: {  	s3 =	srdreg.scid;
	s1 =	stileid.u32;
	s13 =	simm.s32 $0x2760  }
0x5: {  	s14 =	simm.s32 $0x70;
	s15 =	simm.s32 $0x4EC0;
	s16 =	simm.s32 $0x5240  }
0x6: {  	s17 =	simm.s32 $0x1;
	s18 =	simm.s32 $0x2;
	s19 =	simm.s32 $0x26F0  }
0x7: {  	s20 =	simm.s32 $0x4DE0;
	s21 =	simm.s32 $0x4E50;
	s22 =	simm.s32 $0x0  }
0x8: {  	s4 =	sand.u32 $0x1, s3;
	s6 =	sshll.u32 s1, $0x1;
	s7 =	smul.u32 $0x1390, s1  }
0x9: {  	s3 =	simm.s32 $0x0;
	s31 =	sshll.u32 s1, $0x6;
	s6 =	sor.u32 s4, s6  }
0xa: {  	s8 =	smul.u32 $0x13900, s4;
	[smem:$0x7FF] =	sst s3;
	s29 =	ssub.s32 $0x2, s4  }
0xb: {  	s4 =	sadd.s32 $0x12200, s5;
	s6 =	smul.u32 $0x4EC, s6;
	_ =	strace $0x80000050  }
0xc: {  	s30 =	sshrl.u32 s29, $0x1;
	s12 =	sadd.s32 s7, s2;
	s8 =	sadd.s32 s7, s8  }
0xd: {  	s11 =	ssub.s32 s29, s30;
	s9 =	sadd.s32 s6, s5;
	s28 =	sshrl.u32 s8, $0x3  }
0xe: {  	s6 =	sor.u32 $0x1C03, s31;
	s10 =	sadd.s32 s28, s5;
	s7 =	sadd.s32 $0x17200, s9  }
0xf: {  	s8 =	sadd.s32 $0x3400, s9;
	s5 =	sadd.s32 $0xD200, s10;
	s9 =	sadd.s32 $0x6F400, s10  }
0x10: {  	s10 =	smax.u32 s11, $0x1;
	s11 =	sshrl.u32 s12, $0x3;
	s12 =	simm.s32 $0x3  }
.LBB2_1:
0x11: {  	[spmem:s11], [sflag:s6] =	dma.local [hbm:s5], $0x272  }
0x12: {  	_ =	swait.ge [sflag:s12], $0x272  }
0x13: {  	[sflag:s12] =	ssyncset.done $0x0  }
0x14: {  	[sflag:s12] =	ssyncadd.s32 $0xFFFFFD8E  }
0x15: {  	[tilespmem:s3], [sflag:$0x3] =	stream.linear.gather [hbm4b:s7+s3], $0x2760, $0x38;
	[tilespmem:$0x6950] =	vst v63  }
0x16: {  	_ =	swait.ge [sflag:s12], $0x2760  }
0x17: {  	[sflag:s12] =	ssyncset.done $0x0  }
0x18: {  	[sflag:s12] =	ssyncadd.s32 $0xFFFFD8A0  }
0x19: {  	[tilespmem:s13], [sflag:$0x3] =	stream.linear.gather [hbm4b:s8+s3], $0x2760, $0x38;
	[tilespmem:$0x6950] =	vst v63  }
0x1a: {  	_ =	swait.ge [sflag:s12], $0x2760  }
0x1b: {  	[sflag:s12] =	ssyncset.done $0x0  }
0x1c: {  	[sflag:s12] =	ssyncadd.s32 $0xFFFFD8A0  }
0x1d: {  	[bflag:$0x0] =	sbarrier.arrive $0xFFFF  }
0x1e: {  	[tilespmem:s15], [sflag:$0x1] =	stream.indirect.gather [hbm4b:s4+s14], $0x8, s3, s14, $0xb8;
	[tilespmem:$0x6950] =	vst v63  }
0x1f: {  	s23 =	simm.s32 $0x70  }
0x20: {  	[tilespmem:s16], [sflag:$0x2] =	stream.indirect.gather [hbm4b:s4+s14], $0x8, s23, s14, $0xb8;
	[tilespmem:$0x6950] =	vst v63  }
0x21: {  	_ =	swait.ge [sflag:s17], $0x380  }
0x22: {  	[sflag:s17] =	ssyncset.done $0x0  }
0x23: {  	s29 =	simm.s32 $0x2760;
	[sflag:s17] =	ssyncadd.s32 $0xFFFFFC80  }
0x24: {  	[spmem:s2] =	stream.indirect.scatter.add.f32 [tilespmem:s15], [sflag:$0x3], $0x8, s29, s14, $0xb8;
	[tilespmem:$0x6950] =	vst v63  }
0x25: {  	_ =	swait.ge [sflag:s12], $0x380  }
0x26: {  	[sflag:s12] =	ssyncset.done $0x0  }
0x27: {  	s30 =	simm.s32 $0xE0;
	[sflag:s12] =	ssyncadd.s32 $0xFFFFFC80  }
0x28: {  	[tilespmem:s15], [sflag:$0x1] =	stream.indirect.gather [hbm4b:s4+s14], $0x8, s30, s14, $0xb8;
	[tilespmem:$0x6950] =	vst v63  }
0x29: {  	_ =	swait.ge [sflag:s18], $0x380  }
0x2a: {  	[sflag:s18] =	ssyncset.done $0x0  }
0x2b: {  	s31 =	simm.s32 $0x27D0;
	[sflag:s18] =	ssyncadd.s32 $0xFFFFFC80  }
0x2c: {  	[spmem:s2] =	stream.indirect.scatter.add.f32 [tilespmem:s16], [sflag:$0x3], $0x8, s31, s14, $0xb8;
	[tilespmem:$0x6950] =	vst v63  }
0x2d: {  	_ =	swait.ge [sflag:s12], $0x380  }
0x2e: {  	s24 =	simm.s32 $0x700;
	s23 =	simm.s32 $0xE0;
	[sflag:s12] =	ssyncset.done $0x0  }
.LBB2_2:
0x2f: {  	s25 =	sadd.s32 $0x70, s23  }
0x30: {  	[sflag:s12] =	ssyncadd.s32 $0xFFFFFC80;
	s26 =	smov.u32 s24;
	s28 =	sadd.s32 $0x380, s24  }
0x31: {  	[tilespmem:s16], [sflag:$0x2] =	stream.indirect.gather [hbm4b:s4+s14], $0x8, s25, s14, $0xb8;
	[tilespmem:$0x6950] =	vst v63  }
0x32: {  	p0 =	sne.s32 s24, $0x9680;
	_ =	swait.ge [sflag:s17], $0x380  }
0x33: {  	[sflag:s17] =	ssyncset.done $0x0  }
0x34: {  	s24 =	sadd.s32 $0x2760, s23;
	[sflag:s17] =	ssyncadd.s32 $0xFFFFFC80  }
0x35: {  	[spmem:s2] =	stream.indirect.scatter.add.f32 [tilespmem:s15], [sflag:$0x3], $0x8, s24, s14, $0xb8;
	[tilespmem:$0x6950] =	vst v63  }
0x36: {  	_ =	swait.ge [sflag:s12], $0x380  }
0x37: {  	[sflag:s12] =	ssyncset.done $0x0  }
0x38: {  	s24 =	sadd.s32 $0xE0, s23;
	[sflag:s12] =	ssyncadd.s32 $0xFFFFFC80  }
0x39: {  	[tilespmem:s15], [sflag:$0x1] =	stream.indirect.gather [hbm4b:s4+s14], $0x8, s24, s14, $0xb8;
	[tilespmem:$0x6950] =	vst v63  }
0x3a: {  	_ =	swait.ge [sflag:s18], $0x380  }
.Ltmp0:
0x3b: {  	[sflag:s18] =	ssyncset.done $0x0;
	(pc) =	sbr.rel @p0 .LBB2_2-.Ltmp0, $4  }
0x3c: {  	s23 =	sadd.s32 $0x27D0, s23;
	[sflag:s18] =	ssyncadd.s32 $0xFFFFFC80  }
0x3d: {  	[spmem:s2] =	stream.indirect.scatter.add.f32 [tilespmem:s16], [sflag:$0x3], $0x8, s23, s14, $0xb8;
	[tilespmem:$0x6950] =	vst v63  }
0x3e: {  	_ =	swait.ge [sflag:s12], $0x380  }
0x3f: {  	s24 =	smov.u32 s28;
	s23 =	sshra.s32 s26, $0x2;
	[sflag:s12] =	ssyncset.done $0x0  }
0x40: {  	s24 =	sadd.s32 $0x70, s23;
	[sflag:s12] =	ssyncadd.s32 $0xFFFFFC80  }
0x41: {  	[tilespmem:s16], [sflag:$0x2] =	stream.indirect.gather [hbm4b:s4+s14], $0x8, s24, s14, $0xb8;
	[tilespmem:$0x6950] =	vst v63  }
0x42: {  	_ =	swait.ge [sflag:s17], $0x380  }
0x43: {  	[sflag:s17] =	ssyncset.done $0x0  }
0x44: {  	s29 =	sadd.s32 $0x2760, s23;
	[sflag:s17] =	ssyncadd.s32 $0xFFFFFC80  }
0x45: {  	[spmem:s2] =	stream.indirect.scatter.add.f32 [tilespmem:s15], [sflag:$0x3], $0x8, s29, s14, $0xb8;
	[tilespmem:$0x6950] =	vst v63  }
0x46: {  	_ =	swait.ge [sflag:s12], $0x380  }
0x47: {  	[sflag:s12] =	ssyncset.done $0x0  }
0x48: {  	s30 =	sadd.s32 $0xE0, s23;
	[sflag:s12] =	ssyncadd.s32 $0xFFFFFC80  }
0x49: {  	[tilespmem:s15], [sflag:$0x1] =	stream.indirect.gather [hbm4b:s4+s14], $0x8, s30, s14, $0xb8;
	[tilespmem:$0x6950] =	vst v63  }
0x4a: {  	_ =	swait.ge [sflag:s18], $0x380  }
0x4b: {  	[sflag:s18] =	ssyncset.done $0x0  }
0x4c: {  	s31 =	sadd.s32 $0x27D0, s23;
	[sflag:s18] =	ssyncadd.s32 $0xFFFFFC80  }
0x4d: {  	[spmem:s2] =	stream.indirect.scatter.add.f32 [tilespmem:s16], [sflag:$0x3], $0x8, s31, s14, $0xb8;
	[tilespmem:$0x6950] =	vst v63  }
0x4e: {  	_ =	swait.ge [sflag:s12], $0x380  }
0x4f: {  	[sflag:s12] =	ssyncset.done $0x0  }
0x50: {  	[sflag:s12] =	ssyncadd.s32 $0xFFFFFC80  }
0x51: {  	[tilespmem:s16], [sflag:$0x2] =	stream.indirect.gather [hbm4b:s4+s14], $0x8, s19, s14, $0xb8;
	[tilespmem:$0x6950] =	vst v63  }
0x52: {  	_ =	swait.ge [sflag:s17], $0x380  }
0x53: {  	[sflag:s17] =	ssyncset.done $0x0  }
0x54: {  	[sflag:s17] =	ssyncadd.s32 $0xFFFFFC80  }
0x55: {  	[spmem:s2] =	stream.indirect.scatter.add.f32 [tilespmem:s15], [sflag:$0x3], $0x8, s20, s14, $0xb8;
	[tilespmem:$0x6950] =	vst v63  }
0x56: {  	_ =	swait.ge [sflag:s12], $0x380  }
0x57: {  	[sflag:s12] =	ssyncset.done $0x0  }
0x58: {  	[sflag:s12] =	ssyncadd.s32 $0xFFFFFC80  }
0x59: {  	_ =	swait.ge [sflag:s18], $0x380  }
0x5a: {  	[sflag:s18] =	ssyncset.done $0x0  }
0x5b: {  	[sflag:s18] =	ssyncadd.s32 $0xFFFFFC80  }
0x5c: {  	[spmem:s2] =	stream.indirect.scatter.add.f32 [tilespmem:s16], [sflag:$0x3], $0x8, s21, s14, $0xb8;
	[tilespmem:$0x6950] =	vst v63  }
0x5d: {  	_ =	swait.ge [sflag:s12], $0x380  }
0x5e: {  	s22 =	sadd.s32 $0x1, s22;
	[sflag:s12] =	ssyncset.done $0x0  }
0x5f: {  	p0 =	sne.s32 s22, s10;
	[sflag:s12] =	ssyncadd.s32 $0xFFFFFC80  }
.Ltmp1:
0x60: {  	[bflag:$0x0] =	sbarrier.arrive $0xFFFF;
	(pc) =	sbr.rel @p0 .LBB2_1-.Ltmp1, $4  }
0x61: {  	[hbm:s9], [sflag:s6] =	dma.local [spmem:s11], $0x272  }
0x62: {  	_ =	swait.ge [sflag:s12], $0x272  }
0x63: {  	[sflag:s12] =	ssyncset.done $0x0  }
0x64: {  	[sflag:s12] =	ssyncadd.s32 $0xFFFFFD8E  }
0x65: {  	_ =	sfence.sel $0x180000  }
0x66: {  	[bflag:$0x0] =	sbarrier.arrive $0xFFFF  }
0x67: {  	p0 =	sne.s32 s1, $0x0;
	_ =	strace $0x90000050  }
0x68: {  	s0 =	sadd.s32 @!p0 $0x100000, s0;
	[bflag:$0x2] =	sbarrier.arrive $0xFFFF  }
0x69: {  	[sflag:s0] =	ssyncadd.tile.s32 @!p0 $0x1;
	_ =	shalt  }
.Lfunc_end2:
_tile_overlayer_lowered:
.L_overlay_start_2:
0x6a: {  	(tag) =	ssettag $0x2  }
0x6b: {  	s0 =	rddreg [dreg:$0x0];
	s2 =	stileid.u32  }
0x6c: {  	s1 =	rddreg [dreg:$0x1];
	p0 =	sne.s32 s2, $0x0  }
0x6d: {  	s3 =	rddreg [dreg:$0x2];
	[bflag:$0x3] =	sbarrier.arrive $0xFFFF;
	s2 =	simm.s32 @!p0 $0x1C03  }
0x6e: {  	[timem:s3], [sflag:s2] =	dma.local @!p0 [hbm:s0], s1  }
0x6f: {  	s0 =	simm.s32 @!p0 $0x3  }
0x70: {  	_ =	swait.ge @!p0 [sflag:s0], s1  }
0x71: {  	s1 =	ssub.s32 @!p0 $0x0, s1;
	[sflag:s0] =	ssyncset.done @!p0 $0x0  }
0x72: {  	[sflag:s0] =	ssyncadd.s32 @!p0 s1  }
0x73: {  	[bflag:$0x3] =	sbarrier.arrive $0xFFFF  }
0x74: {  	_ =	shalt  }

</sc_bundles>
